<compile_context>
chip_gen: v7x
topology: tpu7x:2x2x1
jax: 0.10.2.dev20260603
libtpu: 0.0.44.dev20260713+nightly
codegen_flags: <defaults>
</compile_context>

<pallas_src>
import functools
import jax
import jax.numpy as jnp
from jax import lax
from jax.experimental import pallas as pl
from jax.experimental.pallas import tpu as pltpu
from jax.experimental.pallas import tpu_sc as plsc

B, N, M, D = 16, 2048, 2048, 3
KP = 16
BS = 2
BT = B - BS
NC, NS, L = 2, 16, 16
NW = NC * NS
G = NW // BS
BPC = BS // NC
HN = N // G
RG = HN // L
CH = M // L
QR = 4

_mesh = plsc.VectorSubcoreMesh(core_axis_name="c", subcore_axis_name="s")



def _tc_body(pred_ref, tgtt_ref, rowsum_ref, colsum_ref):
    x = pred_ref[0]
    yt = tgtt_ref[0]
    xx = jnp.sum(x * x, axis=1, keepdims=True)
    yy = jnp.sum(yt * yt, axis=0, keepdims=True)

    t = jax.lax.dot_general(
        (x * -2.0).astype(jnp.bfloat16), yt.astype(jnp.bfloat16),
        dimension_numbers=(((1,), (0,)), ((), ())),
        preferred_element_type=jnp.float32,
    )

    rmin = jnp.min(t + yy, axis=1, keepdims=True)
    rowsum_ref[0, 0, 0] = jnp.sum(jnp.maximum(rmin + xx, 0.0))
    cmin = jnp.min(t + xx, axis=0, keepdims=True)
    colsum_ref[0, 0, 0] = jnp.sum(jnp.maximum(cmin + yy, 0.0))


def _tc_chamfer(predictions, targets):
    tgt_t = jnp.transpose(targets, (0, 2, 1))
    return pl.pallas_call(
        _tc_body,
        grid=(BT,),
        in_specs=[
            pl.BlockSpec((1, N, D), lambda b: (b, 0, 0)),
            pl.BlockSpec((1, D, M), lambda b: (b, 0, 0)),
        ],
        out_specs=[
            pl.BlockSpec((1, 1, 1), lambda b: (b, 0, 0),
                         memory_space=pltpu.SMEM),
            pl.BlockSpec((1, 1, 1), lambda b: (b, 0, 0),
                         memory_space=pltpu.SMEM),
        ],
        out_shape=[
            jax.ShapeDtypeStruct((BT, 1, 1), jnp.float32),
            jax.ShapeDtypeStruct((BT, 1, 1), jnp.float32),
        ],
        compiler_params=pltpu.CompilerParams(
            dimension_semantics=("parallel",),
            allow_input_fusion=(True, True),
        ),
    )(predictions, tgt_t)



@functools.partial(
    pl.kernel, mesh=_mesh,
    out_type=[
        jax.ShapeDtypeStruct((NW, L), jnp.float32),
        jax.ShapeDtypeStruct((NW, L), jnp.float32),
    ],
    scratch_types=[
        pltpu.VMEM((D, HN), jnp.float32),
        pltpu.VMEM((HN,), jnp.float32),
        pltpu.VMEM((D, M), jnp.float32),
        pltpu.VMEM((M,), jnp.float32),
        pltpu.VMEM((M,), jnp.float32),
        pltpu.VMEM((M,), jnp.float32),
        pltpu.VMEM((L, L), jnp.float32),
        pltpu.VMEM((L,), jnp.float32),
        pltpu.VMEM((L,), jnp.float32),
        pltpu.VMEM_SHARED((NS, M), jnp.float32),
    ],
    compiler_params=pltpu.CompilerParams(
        needs_layout_passes=False,
        allow_input_fusion=(True, True, True, True),
    ),
)
def _sc_chamfer(xm2_hbm, xx_hbm, ytb_hbm, yy_hbm, row_out, col_out,
                xrow_v, xx_v, y_v, yy_v, cmin_v, cnb_v, tr_v,
                rpart_v, cpart_v, shared):
    c = lax.axis_index("c")
    s = lax.axis_index("s")
    w = c * NS + s
    b = c * BPC + s // G
    part = s % G
    off = part * HN

    pltpu.sync_copy(xm2_hbm.at[b, :, pl.ds(off, HN)], xrow_v)
    pltpu.sync_copy(xx_hbm.at[b, pl.ds(off, HN)], xx_v)
    pltpu.sync_copy(ytb_hbm.at[b], y_v)
    pltpu.sync_copy(yy_hbm.at[b], yy_v)

    inf = jnp.float32(jnp.inf)
    inf_vec = jnp.full((L,), inf, jnp.float32)

    def _init_cmin(j, _):
        cmin_v[pl.ds(j * L, L)] = inf_vec
        return 0
    lax.fori_loop(0, CH, _init_cmin, 0)

    def _rowgroup(rg, rowsum_acc):
        xv0 = xrow_v[0, pl.ds(rg * L, L)]
        xv1 = xrow_v[1, pl.ds(rg * L, L)]
        xv2 = xrow_v[2, pl.ds(rg * L, L)]
        xxv = xx_v[pl.ds(rg * L, L)]

        for q in range(L // QR):
            xb = [(jnp.full((L,), xv0[q * QR + r], jnp.float32),
                   jnp.full((L,), xv1[q * QR + r], jnp.float32),
                   jnp.full((L,), xv2[q * QR + r], jnp.float32),
                   jnp.full((L,), xxv[q * QR + r], jnp.float32))
                  for r in range(QR)]

            @plsc.parallel_loop(0, CH, carry=(inf_vec,) * QR, unroll=2)
            def _chunk(j, rmins):
                y0 = y_v[0, pl.ds(j * L, L)]
                y1 = y_v[1, pl.ds(j * L, L)]
                y2 = y_v[2, pl.ds(j * L, L)]
                yyc = yy_v[pl.ds(j * L, L)]
                new_rmins = []
                vs = []
                for r in range(QR):
                    b0, b1, b2, bxx = xb[r]
                    t = (b0 * y0 + b1 * y1) + b2 * y2
                    new_rmins.append(jnp.minimum(rmins[r], t + yyc))
                    vs.append(t + bxx)
                while len(vs) > 1:
                    vs = [jnp.minimum(vs[i], vs[i + 1])
                          for i in range(0, len(vs) - 1, 2)] \
                         + ([vs[-1]] if len(vs) % 2 else [])
                vq = vs[0]
                cmin_v[pl.ds(j * L, L)] = jnp.minimum(
                    cmin_v[pl.ds(j * L, L)], vq)
                return tuple(new_rmins)

            rmins = _chunk
            for r in range(QR):
                tr_v[q * QR + r] = rmins[r]

        iot = lax.iota(jnp.int32, L)
        rmv = inf_vec
        for j in range(L):
            col = plsc.load_gather(tr_v, [iot, jnp.full((L,), j, jnp.int32)])
            rmv = jnp.minimum(rmv, col)
        return rowsum_acc + jnp.maximum(rmv + xxv, 0.0)

    rowsum = lax.fori_loop(0, RG, _rowgroup, jnp.zeros((L,), jnp.float32))

    rpart_v[...] = rowsum
    pltpu.sync_copy(rpart_v, row_out.at[w])

    pltpu.sync_copy(cmin_v, shared.at[s])
    plsc.subcore_barrier()

    cpart_v[...] = jnp.zeros((L,), jnp.float32)

    @pl.when(part == 0)
    def _leader():
        for p in range(1, G):
            pltpu.sync_copy(shared.at[s + p], cnb_v)

            def _mrg(j, _):
                cmin_v[pl.ds(j * L, L)] = jnp.minimum(
                    cmin_v[pl.ds(j * L, L)], cnb_v[pl.ds(j * L, L)])
                return 0
            lax.fori_loop(0, CH, _mrg, 0)

        def _colfin(j, acc):
            cm = cmin_v[pl.ds(j * L, L)] + yy_v[pl.ds(j * L, L)]
            return acc + jnp.maximum(cm, 0.0)
        colsum = lax.fori_loop(0, CH, _colfin, jnp.zeros((L,), jnp.float32))
        cpart_v[...] = colsum

    pltpu.sync_copy(cpart_v, col_out.at[w])


def _round_bf16(x):
    b = jax.lax.bitcast_convert_type(x, jnp.uint32)
    r = (b + jnp.uint32(0x7FFF) + ((b >> 16) & jnp.uint32(1))) \
        & jnp.uint32(0xFFFF0000)
    return jax.lax.bitcast_convert_type(r, jnp.float32)


def kernel(predictions, targets):
    pred_sc, pred_tc = predictions[:BS], predictions[BS:]
    tgt_sc, tgt_tc = targets[:BS], targets[BS:]

    xm2t = jnp.transpose(_round_bf16(pred_sc * -2.0), (0, 2, 1))
    ytbt = jnp.transpose(_round_bf16(tgt_sc), (0, 2, 1))
    xx = jnp.sum(pred_sc * pred_sc, axis=2)
    yy = jnp.sum(tgt_sc * tgt_sc, axis=2)
    row_sc, col_sc = _sc_chamfer(xm2t, xx, ytbt, yy)

    rowsum_tc, colsum_tc = _tc_chamfer(pred_tc, tgt_tc)

    rowtot = jnp.sum(rowsum_tc) + jnp.sum(row_sc)
    coltot = jnp.sum(colsum_tc) + jnp.sum(col_sc)
    return rowtot / (B * N) + coltot / (B * M)

# --- scband reference (transcript-rebuilt; emitter-appended) ---
"""Pipeline reference for scband-chamfer-loss-11596411699393 (READ-ONLY COPY).

The authoritative reference and input builder live on the scoring server;
editing this copy changes nothing except your own understanding.
"""

import jax, jax.numpy as jnp
import numpy as np


def setup_inputs(seed: int = 0) -> dict:
    key = jax.random.key(seed)
    k1, k2 = jax.random.split(key)
    predictions = jax.random.normal(k1, (16, 2048, 3), dtype=jnp.float32)
    targets = jax.random.normal(k2, (16, 2048, 3), dtype=jnp.float32)
    return {"predictions": predictions, "targets": targets}


def _chamfer_distance(pred, tgt):
    # Squared pairwise distances via ||x||^2 + ||y||^2 - 2 x.y (same math as
    # pytorch3d.loss.chamfer_distance with point_reduction='mean',
    # batch_reduction='mean', norm=2).
    xx = jnp.sum(pred * pred, axis=-1)               # [B, N]
    yy = jnp.sum(tgt * tgt, axis=-1)                 # [B, M]
    xy = jnp.einsum('bnd,bmd->bnm', pred, tgt)       # [B, N, M]
    d = xx[:, :, None] + yy[:, None, :] - 2.0 * xy   # [B, N, M]
    d = jnp.maximum(d, 0.0)
    # nearest-neighbor squared distance in each direction
    cham_x = jnp.mean(jnp.min(d, axis=2))            # pred -> tgt
    cham_y = jnp.mean(jnp.min(d, axis=1))            # tgt -> pred
    return cham_x + cham_y


def reference(predictions, targets):
    loss_chamfer = _chamfer_distance(predictions, targets)
    return loss_chamfer

if __name__ == "__main__":
    import jax
    _d = setup_inputs()
    print(jax.jit(kernel)(*tuple(_d.values())))

</pallas_src>

<mosaic_0001>
#map = affine_map<(d0, d1) -> (0, 0, 0)>
#map1 = affine_map<(d0, d1) -> (0, 0)>
module attributes {stable_mosaic.version = 14 : i64} {
  func.func @_sc_chamfer(%arg0: i32, %arg1: i32, %arg2: memref<2x3x2048xf32, #tpu.memory_space<hbm>>, %arg3: memref<2x2048xf32, #tpu.memory_space<hbm>>, %arg4: memref<2x3x2048xf32, #tpu.memory_space<hbm>>, %arg5: memref<2x2048xf32, #tpu.memory_space<hbm>>, %arg6: memref<32x16xf32, #tpu.memory_space<hbm>>, %arg7: memref<32x16xf32, #tpu.memory_space<hbm>>, %arg8: memref<3x128xf32, #tpu.memory_space<vmem>>, %arg9: memref<128xf32, #tpu.memory_space<vmem>>, %arg10: memref<3x2048xf32, #tpu.memory_space<vmem>>, %arg11: memref<2048xf32, #tpu.memory_space<vmem>>, %arg12: memref<2048xf32, #tpu.memory_space<vmem>>, %arg13: memref<2048xf32, #tpu.memory_space<vmem>>, %arg14: memref<16x16xf32, #tpu.memory_space<vmem>>, %arg15: memref<16xf32, #tpu.memory_space<vmem>>, %arg16: memref<16xf32, #tpu.memory_space<vmem>>, %arg17: memref<16x2048xf32, #tpu.memory_space<vmem_shared>>) attributes {dimension_semantics = [#tpu.dimension_semantics<core_parallel>, #tpu.dimension_semantics<subcore_parallel>], iteration_bounds = array<i64: 2, 16>, scalar_prefetch = 0 : i64, scratch_operands = 10 : i64, tpu.core_type = #tpu.core_type<sc_vector_subcore>, window_params = [{transform_indices = #map}, {transform_indices = #map1}, {transform_indices = #map}, {transform_indices = #map1}, {transform_indices = #map1}, {transform_indices = #map1}]} {
    %mul3A = arith.constant 16 : i32
    %mul3A_0 = arith.muli %arg0, %mul3A : i32
    %add3A = arith.addi %mul3A_0, %arg1 : i32
    %mul3A_1 = arith.constant 1 : i32
    %mul3A_2 = arith.muli %arg0, %mul3A_1 : i32
    %jit3A = arith.constant 16 : i32
    %div3A = arith.divsi %arg1, %jit3A : i32
    %sign3A = arith.constant 0 : i32
    %sign3A_3 = arith.cmpi sgt, %arg1, %sign3A : i32
    %sign3A_4 = arith.extui %sign3A_3 : i1 to i32
    %sign3A_5 = arith.constant 0 : i32
    %sign3A_6 = arith.cmpi slt, %arg1, %sign3A_5 : i32
    %sign3A_7 = arith.extui %sign3A_6 : i1 to i32
    %sign3A_8 = arith.subi %sign3A_4, %sign3A_7 : i32
    %sign3A_9 = arith.constant 0 : i32
    %sign3A_10 = arith.cmpi sgt, %jit3A, %sign3A_9 : i32
    %sign3A_11 = arith.extui %sign3A_10 : i1 to i32
    %sign3A_12 = arith.constant 0 : i32
    %sign3A_13 = arith.cmpi slt, %jit3A, %sign3A_12 : i32
    %sign3A_14 = arith.extui %sign3A_13 : i1 to i32
    %sign3A_15 = arith.subi %sign3A_11, %sign3A_14 : i32
    %ne3A = arith.cmpi ne, %sign3A_8, %sign3A_15 : i32
    %rem3A = arith.remsi %arg1, %jit3A : i32
    %ne3A_16 = arith.constant 0 : i32
    %ne3A_17 = arith.cmpi ne, %rem3A, %ne3A_16 : i32
    %and3A = arith.andi %ne3A, %ne3A_17 : i1
    %sub3A = arith.constant 1 : i32
    %sub3A_18 = arith.subi %div3A, %sub3A : i32
    %select_n3A = arith.select %and3A, %sub3A_18, %div3A : i32
    %add3A_19 = arith.addi %mul3A_2, %select_n3A : i32
    %jit3A_20 = arith.constant 16 : i32
    %eq3A = arith.constant 0 : i32
    %eq3A_21 = arith.cmpi eq, %jit3A_20, %eq3A : i32
    %jit3A_22 = arith.constant 1 : i32
    %select_n3A_23 = arith.select %eq3A_21, %jit3A_22, %jit3A_20 : i32
    %rem3A_24 = arith.remsi %arg1, %select_n3A_23 : i32
    %ne3A_25 = arith.constant 0 : i32
    %ne3A_26 = arith.cmpi ne, %rem3A_24, %ne3A_25 : i32
    %lt3A = arith.constant 0 : i32
    %lt3A_27 = arith.cmpi slt, %rem3A_24, %lt3A : i32
    %lt3A_28 = arith.constant 0 : i32
    %lt3A_29 = arith.cmpi slt, %select_n3A_23, %lt3A_28 : i32
    %ne3A_30 = arith.xori %lt3A_27, %lt3A_29 : i1
    %and3A_31 = arith.andi %ne3A_30, %ne3A_26 : i1
    %add3A_32 = arith.addi %rem3A_24, %select_n3A_23 : i32
    %select_n3A_33 = arith.select %and3A_31, %add3A_32, %rem3A_24 : i32
    %mul3A_34 = arith.constant 128 : i32
    %mul3A_35 = arith.muli %select_n3A_33, %mul3A_34 : i32
    "tpu.region"() ({
      %run_scoped3A = tpu.sem_alloc : memref<!tpu.dma_semaphore, #tpu.memory_space<semaphore_mem>>
      %dma_start3A = arith.constant 0 : i32
      %dma_start3A_59 = tpu.memref_slice %arg2[%add3A_19, %dma_start3A, %mul3A_35] : memref<2x3x2048xf32, #tpu.memory_space<hbm>> -> memref<1x3x128xf32, #tpu.memory_space<hbm>>
      %dma_start3A_60 = tpu.memref_squeeze %dma_start3A_59 : memref<1x3x128xf32, #tpu.memory_space<hbm>> -> memref<3x128xf32, #tpu.memory_space<hbm>>
      %dma_start3A_61 = arith.constant 0 : i32
      %dma_start3A_62 = tpu.memref_slice %arg2[%add3A_19, %dma_start3A_61, %mul3A_35] : memref<2x3x2048xf32, #tpu.memory_space<hbm>> -> memref<1x3x128xf32, #tpu.memory_space<hbm>>
      %dma_start3A_63 = tpu.memref_squeeze %dma_start3A_62 : memref<1x3x128xf32, #tpu.memory_space<hbm>> -> memref<3x128xf32, #tpu.memory_space<hbm>>
      tpu.enqueue_dma source(%dma_start3A_63 : memref<3x128xf32, #tpu.memory_space<hbm>>) target(%arg8 : memref<3x128xf32, #tpu.memory_space<vmem>>) target_semaphore(%run_scoped3A : memref<!tpu.dma_semaphore, #tpu.memory_space<semaphore_mem>>)
      %dma_wait3A = arith.constant 0 : i32
      %dma_wait3A_64 = tpu.memref_slice %arg2[%add3A_19, %dma_wait3A, %mul3A_35] : memref<2x3x2048xf32, #tpu.memory_space<hbm>> -> memref<1x3x128xf32, #tpu.memory_space<hbm>>
      %dma_wait3A_65 = tpu.memref_squeeze %dma_wait3A_64 : memref<1x3x128xf32, #tpu.memory_space<hbm>> -> memref<3x128xf32, #tpu.memory_space<hbm>>
      %dma_wait3A_66 = arith.constant 0 : i32
      %dma_wait3A_67 = tpu.memref_slice %arg2[%add3A_19, %dma_wait3A_66, %mul3A_35] : memref<2x3x2048xf32, #tpu.memory_space<hbm>> -> memref<1x3x128xf32, #tpu.memory_space<hbm>>
      %dma_wait3A_68 = tpu.memref_squeeze %dma_wait3A_67 : memref<1x3x128xf32, #tpu.memory_space<hbm>> -> memref<3x128xf32, #tpu.memory_space<hbm>>
      tpu.wait_dma2 semaphore(%run_scoped3A : memref<!tpu.dma_semaphore, #tpu.memory_space<semaphore_mem>>) src(%dma_wait3A_68 : memref<3x128xf32, #tpu.memory_space<hbm>>) dst(%arg8 : memref<3x128xf32, #tpu.memory_space<vmem>>)
      tpu.yield
    }) : () -> ()
    "tpu.region"() ({
      %run_scoped3A = tpu.sem_alloc : memref<!tpu.dma_semaphore, #tpu.memory_space<semaphore_mem>>
      %dma_start3A = tpu.memref_slice %arg3[%add3A_19, %mul3A_35] : memref<2x2048xf32, #tpu.memory_space<hbm>> -> memref<1x128xf32, #tpu.memory_space<hbm>>
      %dma_start3A_59 = tpu.memref_squeeze %dma_start3A : memref<1x128xf32, #tpu.memory_space<hbm>> -> memref<128xf32, #tpu.memory_space<hbm>>
      %dma_start3A_60 = tpu.memref_slice %arg3[%add3A_19, %mul3A_35] : memref<2x2048xf32, #tpu.memory_space<hbm>> -> memref<1x128xf32, #tpu.memory_space<hbm>>
      %dma_start3A_61 = tpu.memref_squeeze %dma_start3A_60 : memref<1x128xf32, #tpu.memory_space<hbm>> -> memref<128xf32, #tpu.memory_space<hbm>>
      tpu.enqueue_dma source(%dma_start3A_61 : memref<128xf32, #tpu.memory_space<hbm>>) target(%arg9 : memref<128xf32, #tpu.memory_space<vmem>>) target_semaphore(%run_scoped3A : memref<!tpu.dma_semaphore, #tpu.memory_space<semaphore_mem>>)
      %dma_wait3A = tpu.memref_slice %arg3[%add3A_19, %mul3A_35] : memref<2x2048xf32, #tpu.memory_space<hbm>> -> memref<1x128xf32, #tpu.memory_space<hbm>>
      %dma_wait3A_62 = tpu.memref_squeeze %dma_wait3A : memref<1x128xf32, #tpu.memory_space<hbm>> -> memref<128xf32, #tpu.memory_space<hbm>>
      %dma_wait3A_63 = tpu.memref_slice %arg3[%add3A_19, %mul3A_35] : memref<2x2048xf32, #tpu.memory_space<hbm>> -> memref<1x128xf32, #tpu.memory_space<hbm>>
      %dma_wait3A_64 = tpu.memref_squeeze %dma_wait3A_63 : memref<1x128xf32, #tpu.memory_space<hbm>> -> memref<128xf32, #tpu.memory_space<hbm>>
      tpu.wait_dma2 semaphore(%run_scoped3A : memref<!tpu.dma_semaphore, #tpu.memory_space<semaphore_mem>>) src(%dma_wait3A_64 : memref<128xf32, #tpu.memory_space<hbm>>) dst(%arg9 : memref<128xf32, #tpu.memory_space<vmem>>)
      tpu.yield
    }) : () -> ()
    "tpu.region"() ({
      %run_scoped3A = tpu.sem_alloc : memref<!tpu.dma_semaphore, #tpu.memory_space<semaphore_mem>>
      %dma_start3A = arith.constant 0 : i32
      %dma_start3A_59 = arith.constant 0 : i32
      %dma_start3A_60 = tpu.memref_slice %arg4[%add3A_19, %dma_start3A, %dma_start3A_59] : memref<2x3x2048xf32, #tpu.memory_space<hbm>> -> memref<1x3x2048xf32, #tpu.memory_space<hbm>>
      %dma_start3A_61 = tpu.memref_squeeze %dma_start3A_60 : memref<1x3x2048xf32, #tpu.memory_space<hbm>> -> memref<3x2048xf32, #tpu.memory_space<hbm>>
      %dma_start3A_62 = arith.constant 0 : i32
      %dma_start3A_63 = arith.constant 0 : i32
      %dma_start3A_64 = tpu.memref_slice %arg4[%add3A_19, %dma_start3A_62, %dma_start3A_63] : memref<2x3x2048xf32, #tpu.memory_space<hbm>> -> memref<1x3x2048xf32, #tpu.memory_space<hbm>>
      %dma_start3A_65 = tpu.memref_squeeze %dma_start3A_64 : memref<1x3x2048xf32, #tpu.memory_space<hbm>> -> memref<3x2048xf32, #tpu.memory_space<hbm>>
      tpu.enqueue_dma source(%dma_start3A_65 : memref<3x2048xf32, #tpu.memory_space<hbm>>) target(%arg10 : memref<3x2048xf32, #tpu.memory_space<vmem>>) target_semaphore(%run_scoped3A : memref<!tpu.dma_semaphore, #tpu.memory_space<semaphore_mem>>)
      %dma_wait3A = arith.constant 0 : i32
      %dma_wait3A_66 = arith.constant 0 : i32
      %dma_wait3A_67 = tpu.memref_slice %arg4[%add3A_19, %dma_wait3A, %dma_wait3A_66] : memref<2x3x2048xf32, #tpu.memory_space<hbm>> -> memref<1x3x2048xf32, #tpu.memory_space<hbm>>
      %dma_wait3A_68 = tpu.memref_squeeze %dma_wait3A_67 : memref<1x3x2048xf32, #tpu.memory_space<hbm>> -> memref<3x2048xf32, #tpu.memory_space<hbm>>
      %dma_wait3A_69 = arith.constant 0 : i32
      %dma_wait3A_70 = arith.constant 0 : i32
      %dma_wait3A_71 = tpu.memref_slice %arg4[%add3A_19, %dma_wait3A_69, %dma_wait3A_70] : memref<2x3x2048xf32, #tpu.memory_space<hbm>> -> memref<1x3x2048xf32, #tpu.memory_space<hbm>>
      %dma_wait3A_72 = tpu.memref_squeeze %dma_wait3A_71 : memref<1x3x2048xf32, #tpu.memory_space<hbm>> -> memref<3x2048xf32, #tpu.memory_space<hbm>>
      tpu.wait_dma2 semaphore(%run_scoped3A : memref<!tpu.dma_semaphore, #tpu.memory_space<semaphore_mem>>) src(%dma_wait3A_72 : memref<3x2048xf32, #tpu.memory_space<hbm>>) dst(%arg10 : memref<3x2048xf32, #tpu.memory_space<vmem>>)
      tpu.yield
    }) : () -> ()
    "tpu.region"() ({
      %run_scoped3A = tpu.sem_alloc : memref<!tpu.dma_semaphore, #tpu.memory_space<semaphore_mem>>
      %dma_start3A = arith.constant 0 : i32
      %dma_start3A_59 = tpu.memref_slice %arg5[%add3A_19, %dma_start3A] : memref<2x2048xf32, #tpu.memory_space<hbm>> -> memref<1x2048xf32, #tpu.memory_space<hbm>>
      %dma_start3A_60 = tpu.memref_squeeze %dma_start3A_59 : memref<1x2048xf32, #tpu.memory_space<hbm>> -> memref<2048xf32, #tpu.memory_space<hbm>>
      %dma_start3A_61 = arith.constant 0 : i32
      %dma_start3A_62 = tpu.memref_slice %arg5[%add3A_19, %dma_start3A_61] : memref<2x2048xf32, #tpu.memory_space<hbm>> -> memref<1x2048xf32, #tpu.memory_space<hbm>>
      %dma_start3A_63 = tpu.memref_squeeze %dma_start3A_62 : memref<1x2048xf32, #tpu.memory_space<hbm>> -> memref<2048xf32, #tpu.memory_space<hbm>>
      tpu.enqueue_dma source(%dma_start3A_63 : memref<2048xf32, #tpu.memory_space<hbm>>) target(%arg11 : memref<2048xf32, #tpu.memory_space<vmem>>) target_semaphore(%run_scoped3A : memref<!tpu.dma_semaphore, #tpu.memory_space<semaphore_mem>>)
      %dma_wait3A = arith.constant 0 : i32
      %dma_wait3A_64 = tpu.memref_slice %arg5[%add3A_19, %dma_wait3A] : memref<2x2048xf32, #tpu.memory_space<hbm>> -> memref<1x2048xf32, #tpu.memory_space<hbm>>
      %dma_wait3A_65 = tpu.memref_squeeze %dma_wait3A_64 : memref<1x2048xf32, #tpu.memory_space<hbm>> -> memref<2048xf32, #tpu.memory_space<hbm>>
      %dma_wait3A_66 = arith.constant 0 : i32
      %dma_wait3A_67 = tpu.memref_slice %arg5[%add3A_19, %dma_wait3A_66] : memref<2x2048xf32, #tpu.memory_space<hbm>> -> memref<1x2048xf32, #tpu.memory_space<hbm>>
      %dma_wait3A_68 = tpu.memref_squeeze %dma_wait3A_67 : memref<1x2048xf32, #tpu.memory_space<hbm>> -> memref<2048xf32, #tpu.memory_space<hbm>>
      tpu.wait_dma2 semaphore(%run_scoped3A : memref<!tpu.dma_semaphore, #tpu.memory_space<semaphore_mem>>) src(%dma_wait3A_68 : memref<2048xf32, #tpu.memory_space<hbm>>) dst(%arg11 : memref<2048xf32, #tpu.memory_space<vmem>>)
      tpu.yield
    }) : () -> ()
    %broadcast_in_dim3A = arith.constant 0x7F800000 : f32
    %broadcast_in_dim3A_36 = vector.broadcast %broadcast_in_dim3A : f32 to vector<16xf32>
    %scan3A = arith.constant 0 : i32
    %scan3A_37 = arith.constant 0 : i32
    %scan3A_38 = arith.constant 128 : i32
    %scan3A_39 = arith.addi %scan3A_37, %scan3A_38 : i32
    %scan3A_40 = arith.constant 1 : i32
    %scan3A_41 = scf.for %scan3A_59 = %scan3A_37 to %scan3A_39 step %scan3A_40 iter_args(%scan3A_60 = %scan3A) -> (i32)  : i32 {
      %mul3A_61 = arith.constant 16 : i32
      %mul3A_62 = arith.muli %scan3A_59, %mul3A_61 : i32
      %swap3A_63 = arith.index_cast %mul3A_62 : i32 to index
      %swap3A_64 = tpu.vector_load %arg12[%swap3A_63] {strides = array<i32>} : memref<2048xf32, #tpu.memory_space<vmem>>, vector<16xf32>,
      tpu.vector_store %arg12[%swap3A_63], %broadcast_in_dim3A_36 {strides = array<i32>} : memref<2048xf32, #tpu.memory_space<vmem>>, vector<16xf32>,
      %scan3A_65 = arith.constant 0 : i32
      scf.yield %scan3A_65 : i32
    }
    %scan3A_42 = arith.constant 128 : i32
    %broadcast_in_dim3A_43 = arith.constant 0.000000e+00 : f32
    %broadcast_in_dim3A_44 = vector.broadcast %broadcast_in_dim3A_43 : f32 to vector<16xf32>
    %scan3A_45 = arith.constant 0 : i32
    %scan3A_46 = arith.constant 8 : i32
    %scan3A_47 = arith.addi %scan3A_45, %scan3A_46 : i32
    %scan3A_48 = arith.constant 1 : i32
    %scan3A_49 = scf.for %scan3A_59 = %scan3A_45 to %scan3A_47 step %scan3A_48 iter_args(%scan3A_60 = %broadcast_in_dim3A_44) -> (vector<16xf32>)  : i32 {
      %mul3A_61 = arith.constant 16 : i32
      %mul3A_62 = arith.muli %scan3A_59, %mul3A_61 : i32
      %get3A = arith.constant 0 : i32
      %get3A_63 = arith.index_cast %get3A : i32 to index
      %get3A_64 = arith.index_cast %mul3A_62 : i32 to index
      %get3A_65 = tpu.vector_load %arg8[%get3A_63, %get3A_64] {strides = array<i32>} : memref<3x128xf32, #tpu.memory_space<vmem>>, vector<16xf32>,
      %mul3A_66 = arith.constant 16 : i32
      %mul3A_67 = arith.muli %scan3A_59, %mul3A_66 : i32
      %get3A_68 = arith.constant 1 : i32
      %get3A_69 = arith.index_cast %get3A_68 : i32 to index
      %get3A_70 = arith.index_cast %mul3A_67 : i32 to index
      %get3A_71 = tpu.vector_load %arg8[%get3A_69, %get3A_70] {strides = array<i32>} : memref<3x128xf32, #tpu.memory_space<vmem>>, vector<16xf32>,
      %mul3A_72 = arith.constant 16 : i32
      %mul3A_73 = arith.muli %scan3A_59, %mul3A_72 : i32
      %get3A_74 = arith.constant 2 : i32
      %get3A_75 = arith.index_cast %get3A_74 : i32 to index
      %get3A_76 = arith.index_cast %mul3A_73 : i32 to index
      %get3A_77 = tpu.vector_load %arg8[%get3A_75, %get3A_76] {strides = array<i32>} : memref<3x128xf32, #tpu.memory_space<vmem>>, vector<16xf32>,
      %mul3A_78 = arith.constant 16 : i32
      %mul3A_79 = arith.muli %scan3A_59, %mul3A_78 : i32
      %get3A_80 = arith.index_cast %mul3A_79 : i32 to index
      %get3A_81 = tpu.vector_load %arg9[%get3A_80] {strides = array<i32>} : memref<128xf32, #tpu.memory_space<vmem>>, vector<16xf32>,
      %slice3A = vector.extract_strided_slice %get3A_65 {offsets = [0], sizes = [1], strides = [1]} : vector<16xf32> to vector<1xf32>
      %squeeze3A = vector.extract %slice3A[0] : f32 from vector<1xf32>
      %broadcast_in_dim3A_82 = vector.broadcast %squeeze3A : f32 to vector<16xf32>
      %slice3A_83 = vector.extract_strided_slice %get3A_71 {offsets = [0], sizes = [1], strides = [1]} : vector<16xf32> to vector<1xf32>
      %squeeze3A_84 = vector.extract %slice3A_83[0] : f32 from vector<1xf32>
      %broadcast_in_dim3A_85 = vector.broadcast %squeeze3A_84 : f32 to vector<16xf32>
      %slice3A_86 = vector.extract_strided_slice %get3A_77 {offsets = [0], sizes = [1], strides = [1]} : vector<16xf32> to vector<1xf32>
      %squeeze3A_87 = vector.extract %slice3A_86[0] : f32 from vector<1xf32>
      %broadcast_in_dim3A_88 = vector.broadcast %squeeze3A_87 : f32 to vector<16xf32>
      %slice3A_89 = vector.extract_strided_slice %get3A_81 {offsets = [0], sizes = [1], strides = [1]} : vector<16xf32> to vector<1xf32>
      %squeeze3A_90 = vector.extract %slice3A_89[0] : f32 from vector<1xf32>
      %broadcast_in_dim3A_91 = vector.broadcast %squeeze3A_90 : f32 to vector<16xf32>
      %slice3A_92 = vector.extract_strided_slice %get3A_65 {offsets = [1], sizes = [1], strides = [1]} : vector<16xf32> to vector<1xf32>
      %squeeze3A_93 = vector.extract %slice3A_92[0] : f32 from vector<1xf32>
      %broadcast_in_dim3A_94 = vector.broadcast %squeeze3A_93 : f32 to vector<16xf32>
      %slice3A_95 = vector.extract_strided_slice %get3A_71 {offsets = [1], sizes = [1], strides = [1]} : vector<16xf32> to vector<1xf32>
      %squeeze3A_96 = vector.extract %slice3A_95[0] : f32 from vector<1xf32>
      %broadcast_in_dim3A_97 = vector.broadcast %squeeze3A_96 : f32 to vector<16xf32>
      %slice3A_98 = vector.extract_strided_slice %get3A_77 {offsets = [1], sizes = [1], strides = [1]} : vector<16xf32> to vector<1xf32>
      %squeeze3A_99 = vector.extract %slice3A_98[0] : f32 from vector<1xf32>
      %broadcast_in_dim3A_100 = vector.broadcast %squeeze3A_99 : f32 to vector<16xf32>
      %slice3A_101 = vector.extract_strided_slice %get3A_81 {offsets = [1], sizes = [1], strides = [1]} : vector<16xf32> to vector<1xf32>
      %squeeze3A_102 = vector.extract %slice3A_101[0] : f32 from vector<1xf32>
      %broadcast_in_dim3A_103 = vector.broadcast %squeeze3A_102 : f32 to vector<16xf32>
      %slice3A_104 = vector.extract_strided_slice %get3A_65 {offsets = [2], sizes = [1], strides = [1]} : vector<16xf32> to vector<1xf32>
      %squeeze3A_105 = vector.extract %slice3A_104[0] : f32 from vector<1xf32>
      %broadcast_in_dim3A_106 = vector.broadcast %squeeze3A_105 : f32 to vector<16xf32>
      %slice3A_107 = vector.extract_strided_slice %get3A_71 {offsets = [2], sizes = [1], strides = [1]} : vector<16xf32> to vector<1xf32>
      %squeeze3A_108 = vector.extract %slice3A_107[0] : f32 from vector<1xf32>
      %broadcast_in_dim3A_109 = vector.broadcast %squeeze3A_108 : f32 to vector<16xf32>
      %slice3A_110 = vector.extract_strided_slice %get3A_77 {offsets = [2], sizes = [1], strides = [1]} : vector<16xf32> to vector<1xf32>
      %squeeze3A_111 = vector.extract %slice3A_110[0] : f32 from vector<1xf32>
      %broadcast_in_dim3A_112 = vector.broadcast %squeeze3A_111 : f32 to vector<16xf32>
      %slice3A_113 = vector.extract_strided_slice %get3A_81 {offsets = [2], sizes = [1], strides = [1]} : vector<16xf32> to vector<1xf32>
      %squeeze3A_114 = vector.extract %slice3A_113[0] : f32 from vector<1xf32>
      %broadcast_in_dim3A_115 = vector.broadcast %squeeze3A_114 : f32 to vector<16xf32>
      %slice3A_116 = vector.extract_strided_slice %get3A_65 {offsets = [3], sizes = [1], strides = [1]} : vector<16xf32> to vector<1xf32>
      %squeeze3A_117 = vector.extract %slice3A_116[0] : f32 from vector<1xf32>
      %broadcast_in_dim3A_118 = vector.broadcast %squeeze3A_117 : f32 to vector<16xf32>
      %slice3A_119 = vector.extract_strided_slice %get3A_71 {offsets = [3], sizes = [1], strides = [1]} : vector<16xf32> to vector<1xf32>
      %squeeze3A_120 = vector.extract %slice3A_119[0] : f32 from vector<1xf32>
      %broadcast_in_dim3A_121 = vector.broadcast %squeeze3A_120 : f32 to vector<16xf32>
      %slice3A_122 = vector.extract_strided_slice %get3A_77 {offsets = [3], sizes = [1], strides = [1]} : vector<16xf32> to vector<1xf32>
      %squeeze3A_123 = vector.extract %slice3A_122[0] : f32 from vector<1xf32>
      %broadcast_in_dim3A_124 = vector.broadcast %squeeze3A_123 : f32 to vector<16xf32>
      %slice3A_125 = vector.extract_strided_slice %get3A_81 {offsets = [3], sizes = [1], strides = [1]} : vector<16xf32> to vector<1xf32>
      %squeeze3A_126 = vector.extract %slice3A_125[0] : f32 from vector<1xf32>
      %broadcast_in_dim3A_127 = vector.broadcast %squeeze3A_126 : f32 to vector<16xf32>
      %parallel_loop3A = arith.constant 0 : i32
      %parallel_loop3A_128 = arith.constant 128 : i32
      %parallel_loop3A_129 = arith.constant 1 : i32
      %parallel_loop3A_130:4 = scf.for %parallel_loop3A_417 = %parallel_loop3A to %parallel_loop3A_128 step %parallel_loop3A_129 iter_args(%parallel_loop3A_418 = %broadcast_in_dim3A_36, %parallel_loop3A_419 = %broadcast_in_dim3A_36, %parallel_loop3A_420 = %broadcast_in_dim3A_36, %parallel_loop3A_421 = %broadcast_in_dim3A_36) -> (vector<16xf32>, vector<16xf32>, vector<16xf32>, vector<16xf32>)  : i32 {
        %parallel_loop3A_422 = arith.constant 16 : i32
        %parallel_loop3A_423 = arith.muli %parallel_loop3A_417, %parallel_loop3A_422 : i32
        %parallel_loop3A_424 = arith.constant 0 : i32
        %parallel_loop3A_425 = arith.index_cast %parallel_loop3A_424 : i32 to index
        %parallel_loop3A_426 = arith.index_cast %parallel_loop3A_423 : i32 to index
        %parallel_loop3A_427 = tpu.vector_load %arg10[%parallel_loop3A_425, %parallel_loop3A_426] {strides = array<i32>} : memref<3x2048xf32, #tpu.memory_space<vmem>>, vector<16xf32>,
        %parallel_loop3A_428 = arith.constant 16 : i32
        %parallel_loop3A_429 = arith.muli %parallel_loop3A_417, %parallel_loop3A_428 : i32
        %parallel_loop3A_430 = arith.constant 1 : i32
        %parallel_loop3A_431 = arith.index_cast %parallel_loop3A_430 : i32 to index
        %parallel_loop3A_432 = arith.index_cast %parallel_loop3A_429 : i32 to index
        %parallel_loop3A_433 = tpu.vector_load %arg10[%parallel_loop3A_431, %parallel_loop3A_432] {strides = array<i32>} : memref<3x2048xf32, #tpu.memory_space<vmem>>, vector<16xf32>,
        %parallel_loop3A_434 = arith.constant 16 : i32
        %parallel_loop3A_435 = arith.muli %parallel_loop3A_417, %parallel_loop3A_434 : i32
        %parallel_loop3A_436 = arith.constant 2 : i32
        %parallel_loop3A_437 = arith.index_cast %parallel_loop3A_436 : i32 to index
        %parallel_loop3A_438 = arith.index_cast %parallel_loop3A_435 : i32 to index
        %parallel_loop3A_439 = tpu.vector_load %arg10[%parallel_loop3A_437, %parallel_loop3A_438] {strides = array<i32>} : memref<3x2048xf32, #tpu.memory_space<vmem>>, vector<16xf32>,
        %parallel_loop3A_440 = arith.constant 16 : i32
        %parallel_loop3A_441 = arith.muli %parallel_loop3A_417, %parallel_loop3A_440 : i32
        %parallel_loop3A_442 = arith.index_cast %parallel_loop3A_441 : i32 to index
        %parallel_loop3A_443 = tpu.vector_load %arg11[%parallel_loop3A_442] {strides = array<i32>} : memref<2048xf32, #tpu.memory_space<vmem>>, vector<16xf32>,
        %parallel_loop3A_444 = arith.mulf %broadcast_in_dim3A_82, %parallel_loop3A_427 : vector<16xf32>
        %parallel_loop3A_445 = arith.mulf %broadcast_in_dim3A_85, %parallel_loop3A_433 : vector<16xf32>
        %parallel_loop3A_446 = arith.addf %parallel_loop3A_444, %parallel_loop3A_445 : vector<16xf32>
        %parallel_loop3A_447 = arith.mulf %broadcast_in_dim3A_88, %parallel_loop3A_439 : vector<16xf32>
        %parallel_loop3A_448 = arith.addf %parallel_loop3A_446, %parallel_loop3A_447 : vector<16xf32>
        %parallel_loop3A_449 = arith.addf %parallel_loop3A_448, %parallel_loop3A_443 : vector<16xf32>
        %parallel_loop3A_450 = arith.minimumf %parallel_loop3A_418, %parallel_loop3A_449 : vector<16xf32>
        %parallel_loop3A_451 = arith.addf %parallel_loop3A_448, %broadcast_in_dim3A_91 : vector<16xf32>
        %parallel_loop3A_452 = arith.mulf %broadcast_in_dim3A_94, %parallel_loop3A_427 : vector<16xf32>
        %parallel_loop3A_453 = arith.mulf %broadcast_in_dim3A_97, %parallel_loop3A_433 : vector<16xf32>
        %parallel_loop3A_454 = arith.addf %parallel_loop3A_452, %parallel_loop3A_453 : vector<16xf32>
        %parallel_loop3A_455 = arith.mulf %broadcast_in_dim3A_100, %parallel_loop3A_439 : vector<16xf32>
        %parallel_loop3A_456 = arith.addf %parallel_loop3A_454, %parallel_loop3A_455 : vector<16xf32>
        %parallel_loop3A_457 = arith.addf %parallel_loop3A_456, %parallel_loop3A_443 : vector<16xf32>
        %parallel_loop3A_458 = arith.minimumf %parallel_loop3A_419, %parallel_loop3A_457 : vector<16xf32>
        %parallel_loop3A_459 = arith.addf %parallel_loop3A_456, %broadcast_in_dim3A_103 : vector<16xf32>
        %parallel_loop3A_460 = arith.mulf %broadcast_in_dim3A_106, %parallel_loop3A_427 : vector<16xf32>
        %parallel_loop3A_461 = arith.mulf %broadcast_in_dim3A_109, %parallel_loop3A_433 : vector<16xf32>
        %parallel_loop3A_462 = arith.addf %parallel_loop3A_460, %parallel_loop3A_461 : vector<16xf32>
        %parallel_loop3A_463 = arith.mulf %broadcast_in_dim3A_112, %parallel_loop3A_439 : vector<16xf32>
        %parallel_loop3A_464 = arith.addf %parallel_loop3A_462, %parallel_loop3A_463 : vector<16xf32>
        %parallel_loop3A_465 = arith.addf %parallel_loop3A_464, %parallel_loop3A_443 : vector<16xf32>
        %parallel_loop3A_466 = arith.minimumf %parallel_loop3A_420, %parallel_loop3A_465 : vector<16xf32>
        %parallel_loop3A_467 = arith.addf %parallel_loop3A_464, %broadcast_in_dim3A_115 : vector<16xf32>
        %parallel_loop3A_468 = arith.mulf %broadcast_in_dim3A_118, %parallel_loop3A_427 : vector<16xf32>
        %parallel_loop3A_469 = arith.mulf %broadcast_in_dim3A_121, %parallel_loop3A_433 : vector<16xf32>
        %parallel_loop3A_470 = arith.addf %parallel_loop3A_468, %parallel_loop3A_469 : vector<16xf32>
        %parallel_loop3A_471 = arith.mulf %broadcast_in_dim3A_124, %parallel_loop3A_439 : vector<16xf32>
        %parallel_loop3A_472 = arith.addf %parallel_loop3A_470, %parallel_loop3A_471 : vector<16xf32>
        %parallel_loop3A_473 = arith.addf %parallel_loop3A_472, %parallel_loop3A_443 : vector<16xf32>
        %parallel_loop3A_474 = arith.minimumf %parallel_loop3A_421, %parallel_loop3A_473 : vector<16xf32>
        %parallel_loop3A_475 = arith.addf %parallel_loop3A_472, %broadcast_in_dim3A_127 : vector<16xf32>
        %parallel_loop3A_476 = arith.minimumf %parallel_loop3A_451, %parallel_loop3A_459 : vector<16xf32>
        %parallel_loop3A_477 = arith.minimumf %parallel_loop3A_467, %parallel_loop3A_475 : vector<16xf32>
        %parallel_loop3A_478 = arith.minimumf %parallel_loop3A_476, %parallel_loop3A_477 : vector<16xf32>
        %parallel_loop3A_479 = arith.constant 16 : i32
        %parallel_loop3A_480 = arith.muli %parallel_loop3A_417, %parallel_loop3A_479 : i32
        %parallel_loop3A_481 = arith.index_cast %parallel_loop3A_480 : i32 to index
        %parallel_loop3A_482 = tpu.vector_load %arg12[%parallel_loop3A_481] {strides = array<i32>} : memref<2048xf32, #tpu.memory_space<vmem>>, vector<16xf32>,
        %parallel_loop3A_483 = arith.minimumf %parallel_loop3A_482, %parallel_loop3A_478 : vector<16xf32>
        %parallel_loop3A_484 = arith.constant 16 : i32
        %parallel_loop3A_485 = arith.muli %parallel_loop3A_417, %parallel_loop3A_484 : i32
        %parallel_loop3A_486 = arith.index_cast %parallel_loop3A_485 : i32 to index
        %parallel_loop3A_487 = tpu.vector_load %arg12[%parallel_loop3A_486] {strides = array<i32>} : memref<2048xf32, #tpu.memory_space<vmem>>, vector<16xf32>,
        tpu.vector_store %arg12[%parallel_loop3A_486], %parallel_loop3A_483 {strides = array<i32>} : memref<2048xf32, #tpu.memory_space<vmem>>, vector<16xf32>,
        scf.yield %parallel_loop3A_450, %parallel_loop3A_458, %parallel_loop3A_466, %parallel_loop3A_474 : vector<16xf32>, vector<16xf32>, vector<16xf32>, vector<16xf32>
      } {sc.loop_unroll_factor = 2 : i64, sc.parallel_access}
      %swap3A_131 = arith.constant 0 : i32
      %swap3A_132 = arith.index_cast %swap3A_131 : i32 to index
      %swap3A_133 = arith.constant 0 : index
      %swap3A_134 = tpu.vector_load %arg14[%swap3A_132, %swap3A_133] {strides = array<i32>} : memref<16x16xf32, #tpu.memory_space<vmem>>, vector<16xf32>,
      tpu.vector_store %arg14[%swap3A_132, %swap3A_133], %parallel_loop3A_130#0 {strides = array<i32>} : memref<16x16xf32, #tpu.memory_space<vmem>>, vector<16xf32>,
      %swap3A_135 = arith.constant 1 : i32
      %swap3A_136 = arith.index_cast %swap3A_135 : i32 to index
      %swap3A_137 = arith.constant 0 : index
      %swap3A_138 = tpu.vector_load %arg14[%swap3A_136, %swap3A_137] {strides = array<i32>} : memref<16x16xf32, #tpu.memory_space<vmem>>, vector<16xf32>,
      tpu.vector_store %arg14[%swap3A_136, %swap3A_137], %parallel_loop3A_130#1 {strides = array<i32>} : memref<16x16xf32, #tpu.memory_space<vmem>>, vector<16xf32>,
      %swap3A_139 = arith.constant 2 : i32
      %swap3A_140 = arith.index_cast %swap3A_139 : i32 to index
      %swap3A_141 = arith.constant 0 : index
      %swap3A_142 = tpu.vector_load %arg14[%swap3A_140, %swap3A_141] {strides = array<i32>} : memref<16x16xf32, #tpu.memory_space<vmem>>, vector<16xf32>,
      tpu.vector_store %arg14[%swap3A_140, %swap3A_141], %parallel_loop3A_130#2 {strides = array<i32>} : memref<16x16xf32, #tpu.memory_space<vmem>>, vector<16xf32>,
      %swap3A_143 = arith.constant 3 : i32
      %swap3A_144 = arith.index_cast %swap3A_143 : i32 to index
      %swap3A_145 = arith.constant 0 : index
      %swap3A_146 = tpu.vector_load %arg14[%swap3A_144, %swap3A_145] {strides = array<i32>} : memref<16x16xf32, #tpu.memory_space<vmem>>, vector<16xf32>,
      tpu.vector_store %arg14[%swap3A_144, %swap3A_145], %parallel_loop3A_130#3 {strides = array<i32>} : memref<16x16xf32, #tpu.memory_space<vmem>>, vector<16xf32>,
      %slice3A_147 = vector.extract_strided_slice %get3A_65 {offsets = [4], sizes = [1], strides = [1]} : vector<16xf32> to vector<1xf32>
      %squeeze3A_148 = vector.extract %slice3A_147[0] : f32 from vector<1xf32>
      %broadcast_in_dim3A_149 = vector.broadcast %squeeze3A_148 : f32 to vector<16xf32>
      %slice3A_150 = vector.extract_strided_slice %get3A_71 {offsets = [4], sizes = [1], strides = [1]} : vector<16xf32> to vector<1xf32>
      %squeeze3A_151 = vector.extract %slice3A_150[0] : f32 from vector<1xf32>
      %broadcast_in_dim3A_152 = vector.broadcast %squeeze3A_151 : f32 to vector<16xf32>
      %slice3A_153 = vector.extract_strided_slice %get3A_77 {offsets = [4], sizes = [1], strides = [1]} : vector<16xf32> to vector<1xf32>
      %squeeze3A_154 = vector.extract %slice3A_153[0] : f32 from vector<1xf32>
      %broadcast_in_dim3A_155 = vector.broadcast %squeeze3A_154 : f32 to vector<16xf32>
      %slice3A_156 = vector.extract_strided_slice %get3A_81 {offsets = [4], sizes = [1], strides = [1]} : vector<16xf32> to vector<1xf32>
      %squeeze3A_157 = vector.extract %slice3A_156[0] : f32 from vector<1xf32>
      %broadcast_in_dim3A_158 = vector.broadcast %squeeze3A_157 : f32 to vector<16xf32>
      %slice3A_159 = vector.extract_strided_slice %get3A_65 {offsets = [5], sizes = [1], strides = [1]} : vector<16xf32> to vector<1xf32>
      %squeeze3A_160 = vector.extract %slice3A_159[0] : f32 from vector<1xf32>
      %broadcast_in_dim3A_161 = vector.broadcast %squeeze3A_160 : f32 to vector<16xf32>
      %slice3A_162 = vector.extract_strided_slice %get3A_71 {offsets = [5], sizes = [1], strides = [1]} : vector<16xf32> to vector<1xf32>
      %squeeze3A_163 = vector.extract %slice3A_162[0] : f32 from vector<1xf32>
      %broadcast_in_dim3A_164 = vector.broadcast %squeeze3A_163 : f32 to vector<16xf32>
      %slice3A_165 = vector.extract_strided_slice %get3A_77 {offsets = [5], sizes = [1], strides = [1]} : vector<16xf32> to vector<1xf32>
      %squeeze3A_166 = vector.extract %slice3A_165[0] : f32 from vector<1xf32>
      %broadcast_in_dim3A_167 = vector.broadcast %squeeze3A_166 : f32 to vector<16xf32>
      %slice3A_168 = vector.extract_strided_slice %get3A_81 {offsets = [5], sizes = [1], strides = [1]} : vector<16xf32> to vector<1xf32>
      %squeeze3A_169 = vector.extract %slice3A_168[0] : f32 from vector<1xf32>
      %broadcast_in_dim3A_170 = vector.broadcast %squeeze3A_169 : f32 to vector<16xf32>
      %slice3A_171 = vector.extract_strided_slice %get3A_65 {offsets = [6], sizes = [1], strides = [1]} : vector<16xf32> to vector<1xf32>
      %squeeze3A_172 = vector.extract %slice3A_171[0] : f32 from vector<1xf32>
      %broadcast_in_dim3A_173 = vector.broadcast %squeeze3A_172 : f32 to vector<16xf32>
      %slice3A_174 = vector.extract_strided_slice %get3A_71 {offsets = [6], sizes = [1], strides = [1]} : vector<16xf32> to vector<1xf32>
      %squeeze3A_175 = vector.extract %slice3A_174[0] : f32 from vector<1xf32>
      %broadcast_in_dim3A_176 = vector.broadcast %squeeze3A_175 : f32 to vector<16xf32>
      %slice3A_177 = vector.extract_strided_slice %get3A_77 {offsets = [6], sizes = [1], strides = [1]} : vector<16xf32> to vector<1xf32>
      %squeeze3A_178 = vector.extract %slice3A_177[0] : f32 from vector<1xf32>
      %broadcast_in_dim3A_179 = vector.broadcast %squeeze3A_178 : f32 to vector<16xf32>
      %slice3A_180 = vector.extract_strided_slice %get3A_81 {offsets = [6], sizes = [1], strides = [1]} : vector<16xf32> to vector<1xf32>
      %squeeze3A_181 = vector.extract %slice3A_180[0] : f32 from vector<1xf32>
      %broadcast_in_dim3A_182 = vector.broadcast %squeeze3A_181 : f32 to vector<16xf32>
      %slice3A_183 = vector.extract_strided_slice %get3A_65 {offsets = [7], sizes = [1], strides = [1]} : vector<16xf32> to vector<1xf32>
      %squeeze3A_184 = vector.extract %slice3A_183[0] : f32 from vector<1xf32>
      %broadcast_in_dim3A_185 = vector.broadcast %squeeze3A_184 : f32 to vector<16xf32>
      %slice3A_186 = vector.extract_strided_slice %get3A_71 {offsets = [7], sizes = [1], strides = [1]} : vector<16xf32> to vector<1xf32>
      %squeeze3A_187 = vector.extract %slice3A_186[0] : f32 from vector<1xf32>
      %broadcast_in_dim3A_188 = vector.broadcast %squeeze3A_187 : f32 to vector<16xf32>
      %slice3A_189 = vector.extract_strided_slice %get3A_77 {offsets = [7], sizes = [1], strides = [1]} : vector<16xf32> to vector<1xf32>
      %squeeze3A_190 = vector.extract %slice3A_189[0] : f32 from vector<1xf32>
      %broadcast_in_dim3A_191 = vector.broadcast %squeeze3A_190 : f32 to vector<16xf32>
      %slice3A_192 = vector.extract_strided_slice %get3A_81 {offsets = [7], sizes = [1], strides = [1]} : vector<16xf32> to vector<1xf32>
      %squeeze3A_193 = vector.extract %slice3A_192[0] : f32 from vector<1xf32>
      %broadcast_in_dim3A_194 = vector.broadcast %squeeze3A_193 : f32 to vector<16xf32>
      %parallel_loop3A_195 = arith.constant 0 : i32
      %parallel_loop3A_196 = arith.constant 128 : i32
      %parallel_loop3A_197 = arith.constant 1 : i32
      %parallel_loop3A_198:4 = scf.for %parallel_loop3A_417 = %parallel_loop3A_195 to %parallel_loop3A_196 step %parallel_loop3A_197 iter_args(%parallel_loop3A_418 = %broadcast_in_dim3A_36, %parallel_loop3A_419 = %broadcast_in_dim3A_36, %parallel_loop3A_420 = %broadcast_in_dim3A_36, %parallel_loop3A_421 = %broadcast_in_dim3A_36) -> (vector<16xf32>, vector<16xf32>, vector<16xf32>, vector<16xf32>)  : i32 {
        %parallel_loop3A_422 = arith.constant 16 : i32
        %parallel_loop3A_423 = arith.muli %parallel_loop3A_417, %parallel_loop3A_422 : i32
        %parallel_loop3A_424 = arith.constant 0 : i32
        %parallel_loop3A_425 = arith.index_cast %parallel_loop3A_424 : i32 to index
        %parallel_loop3A_426 = arith.index_cast %parallel_loop3A_423 : i32 to index
        %parallel_loop3A_427 = tpu.vector_load %arg10[%parallel_loop3A_425, %parallel_loop3A_426] {strides = array<i32>} : memref<3x2048xf32, #tpu.memory_space<vmem>>, vector<16xf32>,
        %parallel_loop3A_428 = arith.constant 16 : i32
        %parallel_loop3A_429 = arith.muli %parallel_loop3A_417, %parallel_loop3A_428 : i32
        %parallel_loop3A_430 = arith.constant 1 : i32
        %parallel_loop3A_431 = arith.index_cast %parallel_loop3A_430 : i32 to index
        %parallel_loop3A_432 = arith.index_cast %parallel_loop3A_429 : i32 to index
        %parallel_loop3A_433 = tpu.vector_load %arg10[%parallel_loop3A_431, %parallel_loop3A_432] {strides = array<i32>} : memref<3x2048xf32, #tpu.memory_space<vmem>>, vector<16xf32>,
        %parallel_loop3A_434 = arith.constant 16 : i32
        %parallel_loop3A_435 = arith.muli %parallel_loop3A_417, %parallel_loop3A_434 : i32
        %parallel_loop3A_436 = arith.constant 2 : i32
        %parallel_loop3A_437 = arith.index_cast %parallel_loop3A_436 : i32 to index
        %parallel_loop3A_438 = arith.index_cast %parallel_loop3A_435 : i32 to index
        %parallel_loop3A_439 = tpu.vector_load %arg10[%parallel_loop3A_437, %parallel_loop3A_438] {strides = array<i32>} : memref<3x2048xf32, #tpu.memory_space<vmem>>, vector<16xf32>,
        %parallel_loop3A_440 = arith.constant 16 : i32
        %parallel_loop3A_441 = arith.muli %parallel_loop3A_417, %parallel_loop3A_440 : i32
        %parallel_loop3A_442 = arith.index_cast %parallel_loop3A_441 : i32 to index
        %parallel_loop3A_443 = tpu.vector_load %arg11[%parallel_loop3A_442] {strides = array<i32>} : memref<2048xf32, #tpu.memory_space<vmem>>, vector<16xf32>,
        %parallel_loop3A_444 = arith.mulf %broadcast_in_dim3A_149, %parallel_loop3A_427 : vector<16xf32>
        %parallel_loop3A_445 = arith.mulf %broadcast_in_dim3A_152, %parallel_loop3A_433 : vector<16xf32>
        %parallel_loop3A_446 = arith.addf %parallel_loop3A_444, %parallel_loop3A_445 : vector<16xf32>
        %parallel_loop3A_447 = arith.mulf %broadcast_in_dim3A_155, %parallel_loop3A_439 : vector<16xf32>
        %parallel_loop3A_448 = arith.addf %parallel_loop3A_446, %parallel_loop3A_447 : vector<16xf32>
        %parallel_loop3A_449 = arith.addf %parallel_loop3A_448, %parallel_loop3A_443 : vector<16xf32>
        %parallel_loop3A_450 = arith.minimumf %parallel_loop3A_418, %parallel_loop3A_449 : vector<16xf32>
        %parallel_loop3A_451 = arith.addf %parallel_loop3A_448, %broadcast_in_dim3A_158 : vector<16xf32>
        %parallel_loop3A_452 = arith.mulf %broadcast_in_dim3A_161, %parallel_loop3A_427 : vector<16xf32>
        %parallel_loop3A_453 = arith.mulf %broadcast_in_dim3A_164, %parallel_loop3A_433 : vector<16xf32>
        %parallel_loop3A_454 = arith.addf %parallel_loop3A_452, %parallel_loop3A_453 : vector<16xf32>
        %parallel_loop3A_455 = arith.mulf %broadcast_in_dim3A_167, %parallel_loop3A_439 : vector<16xf32>
        %parallel_loop3A_456 = arith.addf %parallel_loop3A_454, %parallel_loop3A_455 : vector<16xf32>
        %parallel_loop3A_457 = arith.addf %parallel_loop3A_456, %parallel_loop3A_443 : vector<16xf32>
        %parallel_loop3A_458 = arith.minimumf %parallel_loop3A_419, %parallel_loop3A_457 : vector<16xf32>
        %parallel_loop3A_459 = arith.addf %parallel_loop3A_456, %broadcast_in_dim3A_170 : vector<16xf32>
        %parallel_loop3A_460 = arith.mulf %broadcast_in_dim3A_173, %parallel_loop3A_427 : vector<16xf32>
        %parallel_loop3A_461 = arith.mulf %broadcast_in_dim3A_176, %parallel_loop3A_433 : vector<16xf32>
        %parallel_loop3A_462 = arith.addf %parallel_loop3A_460, %parallel_loop3A_461 : vector<16xf32>
        %parallel_loop3A_463 = arith.mulf %broadcast_in_dim3A_179, %parallel_loop3A_439 : vector<16xf32>
        %parallel_loop3A_464 = arith.addf %parallel_loop3A_462, %parallel_loop3A_463 : vector<16xf32>
        %parallel_loop3A_465 = arith.addf %parallel_loop3A_464, %parallel_loop3A_443 : vector<16xf32>
        %parallel_loop3A_466 = arith.minimumf %parallel_loop3A_420, %parallel_loop3A_465 : vector<16xf32>
        %parallel_loop3A_467 = arith.addf %parallel_loop3A_464, %broadcast_in_dim3A_182 : vector<16xf32>
        %parallel_loop3A_468 = arith.mulf %broadcast_in_dim3A_185, %parallel_loop3A_427 : vector<16xf32>
        %parallel_loop3A_469 = arith.mulf %broadcast_in_dim3A_188, %parallel_loop3A_433 : vector<16xf32>
        %parallel_loop3A_470 = arith.addf %parallel_loop3A_468, %parallel_loop3A_469 : vector<16xf32>
        %parallel_loop3A_471 = arith.mulf %broadcast_in_dim3A_191, %parallel_loop3A_439 : vector<16xf32>
        %parallel_loop3A_472 = arith.addf %parallel_loop3A_470, %parallel_loop3A_471 : vector<16xf32>
        %parallel_loop3A_473 = arith.addf %parallel_loop3A_472, %parallel_loop3A_443 : vector<16xf32>
        %parallel_loop3A_474 = arith.minimumf %parallel_loop3A_421, %parallel_loop3A_473 : vector<16xf32>
        %parallel_loop3A_475 = arith.addf %parallel_loop3A_472, %broadcast_in_dim3A_194 : vector<16xf32>
        %parallel_loop3A_476 = arith.minimumf %parallel_loop3A_451, %parallel_loop3A_459 : vector<16xf32>
        %parallel_loop3A_477 = arith.minimumf %parallel_loop3A_467, %parallel_loop3A_475 : vector<16xf32>
        %parallel_loop3A_478 = arith.minimumf %parallel_loop3A_476, %parallel_loop3A_477 : vector<16xf32>
        %parallel_loop3A_479 = arith.constant 16 : i32
        %parallel_loop3A_480 = arith.muli %parallel_loop3A_417, %parallel_loop3A_479 : i32
        %parallel_loop3A_481 = arith.index_cast %parallel_loop3A_480 : i32 to index
        %parallel_loop3A_482 = tpu.vector_load %arg12[%parallel_loop3A_481] {strides = array<i32>} : memref<2048xf32, #tpu.memory_space<vmem>>, vector<16xf32>,
        %parallel_loop3A_483 = arith.minimumf %parallel_loop3A_482, %parallel_loop3A_478 : vector<16xf32>
        %parallel_loop3A_484 = arith.constant 16 : i32
        %parallel_loop3A_485 = arith.muli %parallel_loop3A_417, %parallel_loop3A_484 : i32
        %parallel_loop3A_486 = arith.index_cast %parallel_loop3A_485 : i32 to index
        %parallel_loop3A_487 = tpu.vector_load %arg12[%parallel_loop3A_486] {strides = array<i32>} : memref<2048xf32, #tpu.memory_space<vmem>>, vector<16xf32>,
        tpu.vector_store %arg12[%parallel_loop3A_486], %parallel_loop3A_483 {strides = array<i32>} : memref<2048xf32, #tpu.memory_space<vmem>>, vector<16xf32>,
        scf.yield %parallel_loop3A_450, %parallel_loop3A_458, %parallel_loop3A_466, %parallel_loop3A_474 : vector<16xf32>, vector<16xf32>, vector<16xf32>, vector<16xf32>
      } {sc.loop_unroll_factor = 2 : i64, sc.parallel_access}
      %swap3A_199 = arith.constant 4 : i32
      %swap3A_200 = arith.index_cast %swap3A_199 : i32 to index
      %swap3A_201 = arith.constant 0 : index
      %swap3A_202 = tpu.vector_load %arg14[%swap3A_200, %swap3A_201] {strides = array<i32>} : memref<16x16xf32, #tpu.memory_space<vmem>>, vector<16xf32>,
      tpu.vector_store %arg14[%swap3A_200, %swap3A_201], %parallel_loop3A_198#0 {strides = array<i32>} : memref<16x16xf32, #tpu.memory_space<vmem>>, vector<16xf32>,
      %swap3A_203 = arith.constant 5 : i32
      %swap3A_204 = arith.index_cast %swap3A_203 : i32 to index
      %swap3A_205 = arith.constant 0 : index
      %swap3A_206 = tpu.vector_load %arg14[%swap3A_204, %swap3A_205] {strides = array<i32>} : memref<16x16xf32, #tpu.memory_space<vmem>>, vector<16xf32>,
      tpu.vector_store %arg14[%swap3A_204, %swap3A_205], %parallel_loop3A_198#1 {strides = array<i32>} : memref<16x16xf32, #tpu.memory_space<vmem>>, vector<16xf32>,
      %swap3A_207 = arith.constant 6 : i32
      %swap3A_208 = arith.index_cast %swap3A_207 : i32 to index
      %swap3A_209 = arith.constant 0 : index
      %swap3A_210 = tpu.vector_load %arg14[%swap3A_208, %swap3A_209] {strides = array<i32>} : memref<16x16xf32, #tpu.memory_space<vmem>>, vector<16xf32>,
      tpu.vector_store %arg14[%swap3A_208, %swap3A_209], %parallel_loop3A_198#2 {strides = array<i32>} : memref<16x16xf32, #tpu.memory_space<vmem>>, vector<16xf32>,
      %swap3A_211 = arith.constant 7 : i32
      %swap3A_212 = arith.index_cast %swap3A_211 : i32 to index
      %swap3A_213 = arith.constant 0 : index
      %swap3A_214 = tpu.vector_load %arg14[%swap3A_212, %swap3A_213] {strides = array<i32>} : memref<16x16xf32, #tpu.memory_space<vmem>>, vector<16xf32>,
      tpu.vector_store %arg14[%swap3A_212, %swap3A_213], %parallel_loop3A_198#3 {strides = array<i32>} : memref<16x16xf32, #tpu.memory_space<vmem>>, vector<16xf32>,
      %slice3A_215 = vector.extract_strided_slice %get3A_65 {offsets = [8], sizes = [1], strides = [1]} : vector<16xf32> to vector<1xf32>
      %squeeze3A_216 = vector.extract %slice3A_215[0] : f32 from vector<1xf32>
      %broadcast_in_dim3A_217 = vector.broadcast %squeeze3A_216 : f32 to vector<16xf32>
      %slice3A_218 = vector.extract_strided_slice %get3A_71 {offsets = [8], sizes = [1], strides = [1]} : vector<16xf32> to vector<1xf32>
      %squeeze3A_219 = vector.extract %slice3A_218[0] : f32 from vector<1xf32>
      %broadcast_in_dim3A_220 = vector.broadcast %squeeze3A_219 : f32 to vector<16xf32>
      %slice3A_221 = vector.extract_strided_slice %get3A_77 {offsets = [8], sizes = [1], strides = [1]} : vector<16xf32> to vector<1xf32>
      %squeeze3A_222 = vector.extract %slice3A_221[0] : f32 from vector<1xf32>
      %broadcast_in_dim3A_223 = vector.broadcast %squeeze3A_222 : f32 to vector<16xf32>
      %slice3A_224 = vector.extract_strided_slice %get3A_81 {offsets = [8], sizes = [1], strides = [1]} : vector<16xf32> to vector<1xf32>
      %squeeze3A_225 = vector.extract %slice3A_224[0] : f32 from vector<1xf32>
      %broadcast_in_dim3A_226 = vector.broadcast %squeeze3A_225 : f32 to vector<16xf32>
      %slice3A_227 = vector.extract_strided_slice %get3A_65 {offsets = [9], sizes = [1], strides = [1]} : vector<16xf32> to vector<1xf32>
      %squeeze3A_228 = vector.extract %slice3A_227[0] : f32 from vector<1xf32>
      %broadcast_in_dim3A_229 = vector.broadcast %squeeze3A_228 : f32 to vector<16xf32>
      %slice3A_230 = vector.extract_strided_slice %get3A_71 {offsets = [9], sizes = [1], strides = [1]} : vector<16xf32> to vector<1xf32>
      %squeeze3A_231 = vector.extract %slice3A_230[0] : f32 from vector<1xf32>
      %broadcast_in_dim3A_232 = vector.broadcast %squeeze3A_231 : f32 to vector<16xf32>
      %slice3A_233 = vector.extract_strided_slice %get3A_77 {offsets = [9], sizes = [1], strides = [1]} : vector<16xf32> to vector<1xf32>
      %squeeze3A_234 = vector.extract %slice3A_233[0] : f32 from vector<1xf32>
      %broadcast_in_dim3A_235 = vector.broadcast %squeeze3A_234 : f32 to vector<16xf32>
      %slice3A_236 = vector.extract_strided_slice %get3A_81 {offsets = [9], sizes = [1], strides = [1]} : vector<16xf32> to vector<1xf32>
      %squeeze3A_237 = vector.extract %slice3A_236[0] : f32 from vector<1xf32>
      %broadcast_in_dim3A_238 = vector.broadcast %squeeze3A_237 : f32 to vector<16xf32>
      %slice3A_239 = vector.extract_strided_slice %get3A_65 {offsets = [10], sizes = [1], strides = [1]} : vector<16xf32> to vector<1xf32>
      %squeeze3A_240 = vector.extract %slice3A_239[0] : f32 from vector<1xf32>
      %broadcast_in_dim3A_241 = vector.broadcast %squeeze3A_240 : f32 to vector<16xf32>
      %slice3A_242 = vector.extract_strided_slice %get3A_71 {offsets = [10], sizes = [1], strides = [1]} : vector<16xf32> to vector<1xf32>
      %squeeze3A_243 = vector.extract %slice3A_242[0] : f32 from vector<1xf32>
      %broadcast_in_dim3A_244 = vector.broadcast %squeeze3A_243 : f32 to vector<16xf32>
      %slice3A_245 = vector.extract_strided_slice %get3A_77 {offsets = [10], sizes = [1], strides = [1]} : vector<16xf32> to vector<1xf32>
      %squeeze3A_246 = vector.extract %slice3A_245[0] : f32 from vector<1xf32>
      %broadcast_in_dim3A_247 = vector.broadcast %squeeze3A_246 : f32 to vector<16xf32>
      %slice3A_248 = vector.extract_strided_slice %get3A_81 {offsets = [10], sizes = [1], strides = [1]} : vector<16xf32> to vector<1xf32>
      %squeeze3A_249 = vector.extract %slice3A_248[0] : f32 from vector<1xf32>
      %broadcast_in_dim3A_250 = vector.broadcast %squeeze3A_249 : f32 to vector<16xf32>
      %slice3A_251 = vector.extract_strided_slice %get3A_65 {offsets = [11], sizes = [1], strides = [1]} : vector<16xf32> to vector<1xf32>
      %squeeze3A_252 = vector.extract %slice3A_251[0] : f32 from vector<1xf32>
      %broadcast_in_dim3A_253 = vector.broadcast %squeeze3A_252 : f32 to vector<16xf32>
      %slice3A_254 = vector.extract_strided_slice %get3A_71 {offsets = [11], sizes = [1], strides = [1]} : vector<16xf32> to vector<1xf32>
      %squeeze3A_255 = vector.extract %slice3A_254[0] : f32 from vector<1xf32>
      %broadcast_in_dim3A_256 = vector.broadcast %squeeze3A_255 : f32 to vector<16xf32>
      %slice3A_257 = vector.extract_strided_slice %get3A_77 {offsets = [11], sizes = [1], strides = [1]} : vector<16xf32> to vector<1xf32>
      %squeeze3A_258 = vector.extract %slice3A_257[0] : f32 from vector<1xf32>
      %broadcast_in_dim3A_259 = vector.broadcast %squeeze3A_258 : f32 to vector<16xf32>
      %slice3A_260 = vector.extract_strided_slice %get3A_81 {offsets = [11], sizes = [1], strides = [1]} : vector<16xf32> to vector<1xf32>
      %squeeze3A_261 = vector.extract %slice3A_260[0] : f32 from vector<1xf32>
      %broadcast_in_dim3A_262 = vector.broadcast %squeeze3A_261 : f32 to vector<16xf32>
      %parallel_loop3A_263 = arith.constant 0 : i32
      %parallel_loop3A_264 = arith.constant 128 : i32
      %parallel_loop3A_265 = arith.constant 1 : i32
      %parallel_loop3A_266:4 = scf.for %parallel_loop3A_417 = %parallel_loop3A_263 to %parallel_loop3A_264 step %parallel_loop3A_265 iter_args(%parallel_loop3A_418 = %broadcast_in_dim3A_36, %parallel_loop3A_419 = %broadcast_in_dim3A_36, %parallel_loop3A_420 = %broadcast_in_dim3A_36, %parallel_loop3A_421 = %broadcast_in_dim3A_36) -> (vector<16xf32>, vector<16xf32>, vector<16xf32>, vector<16xf32>)  : i32 {
        %parallel_loop3A_422 = arith.constant 16 : i32
        %parallel_loop3A_423 = arith.muli %parallel_loop3A_417, %parallel_loop3A_422 : i32
        %parallel_loop3A_424 = arith.constant 0 : i32
        %parallel_loop3A_425 = arith.index_cast %parallel_loop3A_424 : i32 to index
        %parallel_loop3A_426 = arith.index_cast %parallel_loop3A_423 : i32 to index
        %parallel_loop3A_427 = tpu.vector_load %arg10[%parallel_loop3A_425, %parallel_loop3A_426] {strides = array<i32>} : memref<3x2048xf32, #tpu.memory_space<vmem>>, vector<16xf32>,
        %parallel_loop3A_428 = arith.constant 16 : i32
        %parallel_loop3A_429 = arith.muli %parallel_loop3A_417, %parallel_loop3A_428 : i32
        %parallel_loop3A_430 = arith.constant 1 : i32
        %parallel_loop3A_431 = arith.index_cast %parallel_loop3A_430 : i32 to index
        %parallel_loop3A_432 = arith.index_cast %parallel_loop3A_429 : i32 to index
        %parallel_loop3A_433 = tpu.vector_load %arg10[%parallel_loop3A_431, %parallel_loop3A_432] {strides = array<i32>} : memref<3x2048xf32, #tpu.memory_space<vmem>>, vector<16xf32>,
        %parallel_loop3A_434 = arith.constant 16 : i32
        %parallel_loop3A_435 = arith.muli %parallel_loop3A_417, %parallel_loop3A_434 : i32
        %parallel_loop3A_436 = arith.constant 2 : i32
        %parallel_loop3A_437 = arith.index_cast %parallel_loop3A_436 : i32 to index
        %parallel_loop3A_438 = arith.index_cast %parallel_loop3A_435 : i32 to index
        %parallel_loop3A_439 = tpu.vector_load %arg10[%parallel_loop3A_437, %parallel_loop3A_438] {strides = array<i32>} : memref<3x2048xf32, #tpu.memory_space<vmem>>, vector<16xf32>,
        %parallel_loop3A_440 = arith.constant 16 : i32
        %parallel_loop3A_441 = arith.muli %parallel_loop3A_417, %parallel_loop3A_440 : i32
        %parallel_loop3A_442 = arith.index_cast %parallel_loop3A_441 : i32 to index
        %parallel_loop3A_443 = tpu.vector_load %arg11[%parallel_loop3A_442] {strides = array<i32>} : memref<2048xf32, #tpu.memory_space<vmem>>, vector<16xf32>,
        %parallel_loop3A_444 = arith.mulf %broadcast_in_dim3A_217, %parallel_loop3A_427 : vector<16xf32>
        %parallel_loop3A_445 = arith.mulf %broadcast_in_dim3A_220, %parallel_loop3A_433 : vector<16xf32>
        %parallel_loop3A_446 = arith.addf %parallel_loop3A_444, %parallel_loop3A_445 : vector<16xf32>
        %parallel_loop3A_447 = arith.mulf %broadcast_in_dim3A_223, %parallel_loop3A_439 : vector<16xf32>
        %parallel_loop3A_448 = arith.addf %parallel_loop3A_446, %parallel_loop3A_447 : vector<16xf32>
        %parallel_loop3A_449 = arith.addf %parallel_loop3A_448, %parallel_loop3A_443 : vector<16xf32>
        %parallel_loop3A_450 = arith.minimumf %parallel_loop3A_418, %parallel_loop3A_449 : vector<16xf32>
        %parallel_loop3A_451 = arith.addf %parallel_loop3A_448, %broadcast_in_dim3A_226 : vector<16xf32>
        %parallel_loop3A_452 = arith.mulf %broadcast_in_dim3A_229, %parallel_loop3A_427 : vector<16xf32>
        %parallel_loop3A_453 = arith.mulf %broadcast_in_dim3A_232, %parallel_loop3A_433 : vector<16xf32>
        %parallel_loop3A_454 = arith.addf %parallel_loop3A_452, %parallel_loop3A_453 : vector<16xf32>
        %parallel_loop3A_455 = arith.mulf %broadcast_in_dim3A_235, %parallel_loop3A_439 : vector<16xf32>
        %parallel_loop3A_456 = arith.addf %parallel_loop3A_454, %parallel_loop3A_455 : vector<16xf32>
        %parallel_loop3A_457 = arith.addf %parallel_loop3A_456, %parallel_loop3A_443 : vector<16xf32>
        %parallel_loop3A_458 = arith.minimumf %parallel_loop3A_419, %parallel_loop3A_457 : vector<16xf32>
        %parallel_loop3A_459 = arith.addf %parallel_loop3A_456, %broadcast_in_dim3A_238 : vector<16xf32>
        %parallel_loop3A_460 = arith.mulf %broadcast_in_dim3A_241, %parallel_loop3A_427 : vector<16xf32>
        %parallel_loop3A_461 = arith.mulf %broadcast_in_dim3A_244, %parallel_loop3A_433 : vector<16xf32>
        %parallel_loop3A_462 = arith.addf %parallel_loop3A_460, %parallel_loop3A_461 : vector<16xf32>
        %parallel_loop3A_463 = arith.mulf %broadcast_in_dim3A_247, %parallel_loop3A_439 : vector<16xf32>
        %parallel_loop3A_464 = arith.addf %parallel_loop3A_462, %parallel_loop3A_463 : vector<16xf32>
        %parallel_loop3A_465 = arith.addf %parallel_loop3A_464, %parallel_loop3A_443 : vector<16xf32>
        %parallel_loop3A_466 = arith.minimumf %parallel_loop3A_420, %parallel_loop3A_465 : vector<16xf32>
        %parallel_loop3A_467 = arith.addf %parallel_loop3A_464, %broadcast_in_dim3A_250 : vector<16xf32>
        %parallel_loop3A_468 = arith.mulf %broadcast_in_dim3A_253, %parallel_loop3A_427 : vector<16xf32>
        %parallel_loop3A_469 = arith.mulf %broadcast_in_dim3A_256, %parallel_loop3A_433 : vector<16xf32>
        %parallel_loop3A_470 = arith.addf %parallel_loop3A_468, %parallel_loop3A_469 : vector<16xf32>
        %parallel_loop3A_471 = arith.mulf %broadcast_in_dim3A_259, %parallel_loop3A_439 : vector<16xf32>
        %parallel_loop3A_472 = arith.addf %parallel_loop3A_470, %parallel_loop3A_471 : vector<16xf32>
        %parallel_loop3A_473 = arith.addf %parallel_loop3A_472, %parallel_loop3A_443 : vector<16xf32>
        %parallel_loop3A_474 = arith.minimumf %parallel_loop3A_421, %parallel_loop3A_473 : vector<16xf32>
        %parallel_loop3A_475 = arith.addf %parallel_loop3A_472, %broadcast_in_dim3A_262 : vector<16xf32>
        %parallel_loop3A_476 = arith.minimumf %parallel_loop3A_451, %parallel_loop3A_459 : vector<16xf32>
        %parallel_loop3A_477 = arith.minimumf %parallel_loop3A_467, %parallel_loop3A_475 : vector<16xf32>
        %parallel_loop3A_478 = arith.minimumf %parallel_loop3A_476, %parallel_loop3A_477 : vector<16xf32>
        %parallel_loop3A_479 = arith.constant 16 : i32
        %parallel_loop3A_480 = arith.muli %parallel_loop3A_417, %parallel_loop3A_479 : i32
        %parallel_loop3A_481 = arith.index_cast %parallel_loop3A_480 : i32 to index
        %parallel_loop3A_482 = tpu.vector_load %arg12[%parallel_loop3A_481] {strides = array<i32>} : memref<2048xf32, #tpu.memory_space<vmem>>, vector<16xf32>,
        %parallel_loop3A_483 = arith.minimumf %parallel_loop3A_482, %parallel_loop3A_478 : vector<16xf32>
        %parallel_loop3A_484 = arith.constant 16 : i32
        %parallel_loop3A_485 = arith.muli %parallel_loop3A_417, %parallel_loop3A_484 : i32
        %parallel_loop3A_486 = arith.index_cast %parallel_loop3A_485 : i32 to index
        %parallel_loop3A_487 = tpu.vector_load %arg12[%parallel_loop3A_486] {strides = array<i32>} : memref<2048xf32, #tpu.memory_space<vmem>>, vector<16xf32>,
        tpu.vector_store %arg12[%parallel_loop3A_486], %parallel_loop3A_483 {strides = array<i32>} : memref<2048xf32, #tpu.memory_space<vmem>>, vector<16xf32>,
        scf.yield %parallel_loop3A_450, %parallel_loop3A_458, %parallel_loop3A_466, %parallel_loop3A_474 : vector<16xf32>, vector<16xf32>, vector<16xf32>, vector<16xf32>
      } {sc.loop_unroll_factor = 2 : i64, sc.parallel_access}
      %swap3A_267 = arith.constant 8 : i32
      %swap3A_268 = arith.index_cast %swap3A_267 : i32 to index
      %swap3A_269 = arith.constant 0 : index
      %swap3A_270 = tpu.vector_load %arg14[%swap3A_268, %swap3A_269] {strides = array<i32>} : memref<16x16xf32, #tpu.memory_space<vmem>>, vector<16xf32>,
      tpu.vector_store %arg14[%swap3A_268, %swap3A_269], %parallel_loop3A_266#0 {strides = array<i32>} : memref<16x16xf32, #tpu.memory_space<vmem>>, vector<16xf32>,
      %swap3A_271 = arith.constant 9 : i32
      %swap3A_272 = arith.index_cast %swap3A_271 : i32 to index
      %swap3A_273 = arith.constant 0 : index
      %swap3A_274 = tpu.vector_load %arg14[%swap3A_272, %swap3A_273] {strides = array<i32>} : memref<16x16xf32, #tpu.memory_space<vmem>>, vector<16xf32>,
      tpu.vector_store %arg14[%swap3A_272, %swap3A_273], %parallel_loop3A_266#1 {strides = array<i32>} : memref<16x16xf32, #tpu.memory_space<vmem>>, vector<16xf32>,
      %swap3A_275 = arith.constant 10 : i32
      %swap3A_276 = arith.index_cast %swap3A_275 : i32 to index
      %swap3A_277 = arith.constant 0 : index
      %swap3A_278 = tpu.vector_load %arg14[%swap3A_276, %swap3A_277] {strides = array<i32>} : memref<16x16xf32, #tpu.memory_space<vmem>>, vector<16xf32>,
      tpu.vector_store %arg14[%swap3A_276, %swap3A_277], %parallel_loop3A_266#2 {strides = array<i32>} : memref<16x16xf32, #tpu.memory_space<vmem>>, vector<16xf32>,
      %swap3A_279 = arith.constant 11 : i32
      %swap3A_280 = arith.index_cast %swap3A_279 : i32 to index
      %swap3A_281 = arith.constant 0 : index
      %swap3A_282 = tpu.vector_load %arg14[%swap3A_280, %swap3A_281] {strides = array<i32>} : memref<16x16xf32, #tpu.memory_space<vmem>>, vector<16xf32>,
      tpu.vector_store %arg14[%swap3A_280, %swap3A_281], %parallel_loop3A_266#3 {strides = array<i32>} : memref<16x16xf32, #tpu.memory_space<vmem>>, vector<16xf32>,
      %slice3A_283 = vector.extract_strided_slice %get3A_65 {offsets = [12], sizes = [1], strides = [1]} : vector<16xf32> to vector<1xf32>
      %squeeze3A_284 = vector.extract %slice3A_283[0] : f32 from vector<1xf32>
      %broadcast_in_dim3A_285 = vector.broadcast %squeeze3A_284 : f32 to vector<16xf32>
      %slice3A_286 = vector.extract_strided_slice %get3A_71 {offsets = [12], sizes = [1], strides = [1]} : vector<16xf32> to vector<1xf32>
      %squeeze3A_287 = vector.extract %slice3A_286[0] : f32 from vector<1xf32>
      %broadcast_in_dim3A_288 = vector.broadcast %squeeze3A_287 : f32 to vector<16xf32>
      %slice3A_289 = vector.extract_strided_slice %get3A_77 {offsets = [12], sizes = [1], strides = [1]} : vector<16xf32> to vector<1xf32>
      %squeeze3A_290 = vector.extract %slice3A_289[0] : f32 from vector<1xf32>
      %broadcast_in_dim3A_291 = vector.broadcast %squeeze3A_290 : f32 to vector<16xf32>
      %slice3A_292 = vector.extract_strided_slice %get3A_81 {offsets = [12], sizes = [1], strides = [1]} : vector<16xf32> to vector<1xf32>
      %squeeze3A_293 = vector.extract %slice3A_292[0] : f32 from vector<1xf32>
      %broadcast_in_dim3A_294 = vector.broadcast %squeeze3A_293 : f32 to vector<16xf32>
      %slice3A_295 = vector.extract_strided_slice %get3A_65 {offsets = [13], sizes = [1], strides = [1]} : vector<16xf32> to vector<1xf32>
      %squeeze3A_296 = vector.extract %slice3A_295[0] : f32 from vector<1xf32>
      %broadcast_in_dim3A_297 = vector.broadcast %squeeze3A_296 : f32 to vector<16xf32>
      %slice3A_298 = vector.extract_strided_slice %get3A_71 {offsets = [13], sizes = [1], strides = [1]} : vector<16xf32> to vector<1xf32>
      %squeeze3A_299 = vector.extract %slice3A_298[0] : f32 from vector<1xf32>
      %broadcast_in_dim3A_300 = vector.broadcast %squeeze3A_299 : f32 to vector<16xf32>
      %slice3A_301 = vector.extract_strided_slice %get3A_77 {offsets = [13], sizes = [1], strides = [1]} : vector<16xf32> to vector<1xf32>
      %squeeze3A_302 = vector.extract %slice3A_301[0] : f32 from vector<1xf32>
      %broadcast_in_dim3A_303 = vector.broadcast %squeeze3A_302 : f32 to vector<16xf32>
      %slice3A_304 = vector.extract_strided_slice %get3A_81 {offsets = [13], sizes = [1], strides = [1]} : vector<16xf32> to vector<1xf32>
      %squeeze3A_305 = vector.extract %slice3A_304[0] : f32 from vector<1xf32>
      %broadcast_in_dim3A_306 = vector.broadcast %squeeze3A_305 : f32 to vector<16xf32>
      %slice3A_307 = vector.extract_strided_slice %get3A_65 {offsets = [14], sizes = [1], strides = [1]} : vector<16xf32> to vector<1xf32>
      %squeeze3A_308 = vector.extract %slice3A_307[0] : f32 from vector<1xf32>
      %broadcast_in_dim3A_309 = vector.broadcast %squeeze3A_308 : f32 to vector<16xf32>
      %slice3A_310 = vector.extract_strided_slice %get3A_71 {offsets = [14], sizes = [1], strides = [1]} : vector<16xf32> to vector<1xf32>
      %squeeze3A_311 = vector.extract %slice3A_310[0] : f32 from vector<1xf32>
      %broadcast_in_dim3A_312 = vector.broadcast %squeeze3A_311 : f32 to vector<16xf32>
      %slice3A_313 = vector.extract_strided_slice %get3A_77 {offsets = [14], sizes = [1], strides = [1]} : vector<16xf32> to vector<1xf32>
      %squeeze3A_314 = vector.extract %slice3A_313[0] : f32 from vector<1xf32>
      %broadcast_in_dim3A_315 = vector.broadcast %squeeze3A_314 : f32 to vector<16xf32>
      %slice3A_316 = vector.extract_strided_slice %get3A_81 {offsets = [14], sizes = [1], strides = [1]} : vector<16xf32> to vector<1xf32>
      %squeeze3A_317 = vector.extract %slice3A_316[0] : f32 from vector<1xf32>
      %broadcast_in_dim3A_318 = vector.broadcast %squeeze3A_317 : f32 to vector<16xf32>
      %slice3A_319 = vector.extract_strided_slice %get3A_65 {offsets = [15], sizes = [1], strides = [1]} : vector<16xf32> to vector<1xf32>
      %squeeze3A_320 = vector.extract %slice3A_319[0] : f32 from vector<1xf32>
      %broadcast_in_dim3A_321 = vector.broadcast %squeeze3A_320 : f32 to vector<16xf32>
      %slice3A_322 = vector.extract_strided_slice %get3A_71 {offsets = [15], sizes = [1], strides = [1]} : vector<16xf32> to vector<1xf32>
      %squeeze3A_323 = vector.extract %slice3A_322[0] : f32 from vector<1xf32>
      %broadcast_in_dim3A_324 = vector.broadcast %squeeze3A_323 : f32 to vector<16xf32>
      %slice3A_325 = vector.extract_strided_slice %get3A_77 {offsets = [15], sizes = [1], strides = [1]} : vector<16xf32> to vector<1xf32>
      %squeeze3A_326 = vector.extract %slice3A_325[0] : f32 from vector<1xf32>
      %broadcast_in_dim3A_327 = vector.broadcast %squeeze3A_326 : f32 to vector<16xf32>
      %slice3A_328 = vector.extract_strided_slice %get3A_81 {offsets = [15], sizes = [1], strides = [1]} : vector<16xf32> to vector<1xf32>
      %squeeze3A_329 = vector.extract %slice3A_328[0] : f32 from vector<1xf32>
      %broadcast_in_dim3A_330 = vector.broadcast %squeeze3A_329 : f32 to vector<16xf32>
      %parallel_loop3A_331 = arith.constant 0 : i32
      %parallel_loop3A_332 = arith.constant 128 : i32
      %parallel_loop3A_333 = arith.constant 1 : i32
      %parallel_loop3A_334:4 = scf.for %parallel_loop3A_417 = %parallel_loop3A_331 to %parallel_loop3A_332 step %parallel_loop3A_333 iter_args(%parallel_loop3A_418 = %broadcast_in_dim3A_36, %parallel_loop3A_419 = %broadcast_in_dim3A_36, %parallel_loop3A_420 = %broadcast_in_dim3A_36, %parallel_loop3A_421 = %broadcast_in_dim3A_36) -> (vector<16xf32>, vector<16xf32>, vector<16xf32>, vector<16xf32>)  : i32 {
        %parallel_loop3A_422 = arith.constant 16 : i32
        %parallel_loop3A_423 = arith.muli %parallel_loop3A_417, %parallel_loop3A_422 : i32
        %parallel_loop3A_424 = arith.constant 0 : i32
        %parallel_loop3A_425 = arith.index_cast %parallel_loop3A_424 : i32 to index
        %parallel_loop3A_426 = arith.index_cast %parallel_loop3A_423 : i32 to index
        %parallel_loop3A_427 = tpu.vector_load %arg10[%parallel_loop3A_425, %parallel_loop3A_426] {strides = array<i32>} : memref<3x2048xf32, #tpu.memory_space<vmem>>, vector<16xf32>,
        %parallel_loop3A_428 = arith.constant 16 : i32
        %parallel_loop3A_429 = arith.muli %parallel_loop3A_417, %parallel_loop3A_428 : i32
        %parallel_loop3A_430 = arith.constant 1 : i32
        %parallel_loop3A_431 = arith.index_cast %parallel_loop3A_430 : i32 to index
        %parallel_loop3A_432 = arith.index_cast %parallel_loop3A_429 : i32 to index
        %parallel_loop3A_433 = tpu.vector_load %arg10[%parallel_loop3A_431, %parallel_loop3A_432] {strides = array<i32>} : memref<3x2048xf32, #tpu.memory_space<vmem>>, vector<16xf32>,
        %parallel_loop3A_434 = arith.constant 16 : i32
        %parallel_loop3A_435 = arith.muli %parallel_loop3A_417, %parallel_loop3A_434 : i32
        %parallel_loop3A_436 = arith.constant 2 : i32
        %parallel_loop3A_437 = arith.index_cast %parallel_loop3A_436 : i32 to index
        %parallel_loop3A_438 = arith.index_cast %parallel_loop3A_435 : i32 to index
        %parallel_loop3A_439 = tpu.vector_load %arg10[%parallel_loop3A_437, %parallel_loop3A_438] {strides = array<i32>} : memref<3x2048xf32, #tpu.memory_space<vmem>>, vector<16xf32>,
        %parallel_loop3A_440 = arith.constant 16 : i32
        %parallel_loop3A_441 = arith.muli %parallel_loop3A_417, %parallel_loop3A_440 : i32
        %parallel_loop3A_442 = arith.index_cast %parallel_loop3A_441 : i32 to index
        %parallel_loop3A_443 = tpu.vector_load %arg11[%parallel_loop3A_442] {strides = array<i32>} : memref<2048xf32, #tpu.memory_space<vmem>>, vector<16xf32>,
        %parallel_loop3A_444 = arith.mulf %broadcast_in_dim3A_285, %parallel_loop3A_427 : vector<16xf32>
        %parallel_loop3A_445 = arith.mulf %broadcast_in_dim3A_288, %parallel_loop3A_433 : vector<16xf32>
        %parallel_loop3A_446 = arith.addf %parallel_loop3A_444, %parallel_loop3A_445 : vector<16xf32>
        %parallel_loop3A_447 = arith.mulf %broadcast_in_dim3A_291, %parallel_loop3A_439 : vector<16xf32>
        %parallel_loop3A_448 = arith.addf %parallel_loop3A_446, %parallel_loop3A_447 : vector<16xf32>
        %parallel_loop3A_449 = arith.addf %parallel_loop3A_448, %parallel_loop3A_443 : vector<16xf32>
        %parallel_loop3A_450 = arith.minimumf %parallel_loop3A_418, %parallel_loop3A_449 : vector<16xf32>
        %parallel_loop3A_451 = arith.addf %parallel_loop3A_448, %broadcast_in_dim3A_294 : vector<16xf32>
        %parallel_loop3A_452 = arith.mulf %broadcast_in_dim3A_297, %parallel_loop3A_427 : vector<16xf32>
        %parallel_loop3A_453 = arith.mulf %broadcast_in_dim3A_300, %parallel_loop3A_433 : vector<16xf32>
        %parallel_loop3A_454 = arith.addf %parallel_loop3A_452, %parallel_loop3A_453 : vector<16xf32>
        %parallel_loop3A_455 = arith.mulf %broadcast_in_dim3A_303, %parallel_loop3A_439 : vector<16xf32>
        %parallel_loop3A_456 = arith.addf %parallel_loop3A_454, %parallel_loop3A_455 : vector<16xf32>
        %parallel_loop3A_457 = arith.addf %parallel_loop3A_456, %parallel_loop3A_443 : vector<16xf32>
        %parallel_loop3A_458 = arith.minimumf %parallel_loop3A_419, %parallel_loop3A_457 : vector<16xf32>
        %parallel_loop3A_459 = arith.addf %parallel_loop3A_456, %broadcast_in_dim3A_306 : vector<16xf32>
        %parallel_loop3A_460 = arith.mulf %broadcast_in_dim3A_309, %parallel_loop3A_427 : vector<16xf32>
        %parallel_loop3A_461 = arith.mulf %broadcast_in_dim3A_312, %parallel_loop3A_433 : vector<16xf32>
        %parallel_loop3A_462 = arith.addf %parallel_loop3A_460, %parallel_loop3A_461 : vector<16xf32>
        %parallel_loop3A_463 = arith.mulf %broadcast_in_dim3A_315, %parallel_loop3A_439 : vector<16xf32>
        %parallel_loop3A_464 = arith.addf %parallel_loop3A_462, %parallel_loop3A_463 : vector<16xf32>
        %parallel_loop3A_465 = arith.addf %parallel_loop3A_464, %parallel_loop3A_443 : vector<16xf32>
        %parallel_loop3A_466 = arith.minimumf %parallel_loop3A_420, %parallel_loop3A_465 : vector<16xf32>
        %parallel_loop3A_467 = arith.addf %parallel_loop3A_464, %broadcast_in_dim3A_318 : vector<16xf32>
        %parallel_loop3A_468 = arith.mulf %broadcast_in_dim3A_321, %parallel_loop3A_427 : vector<16xf32>
        %parallel_loop3A_469 = arith.mulf %broadcast_in_dim3A_324, %parallel_loop3A_433 : vector<16xf32>
        %parallel_loop3A_470 = arith.addf %parallel_loop3A_468, %parallel_loop3A_469 : vector<16xf32>
        %parallel_loop3A_471 = arith.mulf %broadcast_in_dim3A_327, %parallel_loop3A_439 : vector<16xf32>
        %parallel_loop3A_472 = arith.addf %parallel_loop3A_470, %parallel_loop3A_471 : vector<16xf32>
        %parallel_loop3A_473 = arith.addf %parallel_loop3A_472, %parallel_loop3A_443 : vector<16xf32>
        %parallel_loop3A_474 = arith.minimumf %parallel_loop3A_421, %parallel_loop3A_473 : vector<16xf32>
        %parallel_loop3A_475 = arith.addf %parallel_loop3A_472, %broadcast_in_dim3A_330 : vector<16xf32>
        %parallel_loop3A_476 = arith.minimumf %parallel_loop3A_451, %parallel_loop3A_459 : vector<16xf32>
        %parallel_loop3A_477 = arith.minimumf %parallel_loop3A_467, %parallel_loop3A_475 : vector<16xf32>
        %parallel_loop3A_478 = arith.minimumf %parallel_loop3A_476, %parallel_loop3A_477 : vector<16xf32>
        %parallel_loop3A_479 = arith.constant 16 : i32
        %parallel_loop3A_480 = arith.muli %parallel_loop3A_417, %parallel_loop3A_479 : i32
        %parallel_loop3A_481 = arith.index_cast %parallel_loop3A_480 : i32 to index
        %parallel_loop3A_482 = tpu.vector_load %arg12[%parallel_loop3A_481] {strides = array<i32>} : memref<2048xf32, #tpu.memory_space<vmem>>, vector<16xf32>,
        %parallel_loop3A_483 = arith.minimumf %parallel_loop3A_482, %parallel_loop3A_478 : vector<16xf32>
        %parallel_loop3A_484 = arith.constant 16 : i32
        %parallel_loop3A_485 = arith.muli %parallel_loop3A_417, %parallel_loop3A_484 : i32
        %parallel_loop3A_486 = arith.index_cast %parallel_loop3A_485 : i32 to index
        %parallel_loop3A_487 = tpu.vector_load %arg12[%parallel_loop3A_486] {strides = array<i32>} : memref<2048xf32, #tpu.memory_space<vmem>>, vector<16xf32>,
        tpu.vector_store %arg12[%parallel_loop3A_486], %parallel_loop3A_483 {strides = array<i32>} : memref<2048xf32, #tpu.memory_space<vmem>>, vector<16xf32>,
        scf.yield %parallel_loop3A_450, %parallel_loop3A_458, %parallel_loop3A_466, %parallel_loop3A_474 : vector<16xf32>, vector<16xf32>, vector<16xf32>, vector<16xf32>
      } {sc.loop_unroll_factor = 2 : i64, sc.parallel_access}
      %swap3A_335 = arith.constant 12 : i32
      %swap3A_336 = arith.index_cast %swap3A_335 : i32 to index
      %swap3A_337 = arith.constant 0 : index
      %swap3A_338 = tpu.vector_load %arg14[%swap3A_336, %swap3A_337] {strides = array<i32>} : memref<16x16xf32, #tpu.memory_space<vmem>>, vector<16xf32>,
      tpu.vector_store %arg14[%swap3A_336, %swap3A_337], %parallel_loop3A_334#0 {strides = array<i32>} : memref<16x16xf32, #tpu.memory_space<vmem>>, vector<16xf32>,
      %swap3A_339 = arith.constant 13 : i32
      %swap3A_340 = arith.index_cast %swap3A_339 : i32 to index
      %swap3A_341 = arith.constant 0 : index
      %swap3A_342 = tpu.vector_load %arg14[%swap3A_340, %swap3A_341] {strides = array<i32>} : memref<16x16xf32, #tpu.memory_space<vmem>>, vector<16xf32>,
      tpu.vector_store %arg14[%swap3A_340, %swap3A_341], %parallel_loop3A_334#1 {strides = array<i32>} : memref<16x16xf32, #tpu.memory_space<vmem>>, vector<16xf32>,
      %swap3A_343 = arith.constant 14 : i32
      %swap3A_344 = arith.index_cast %swap3A_343 : i32 to index
      %swap3A_345 = arith.constant 0 : index
      %swap3A_346 = tpu.vector_load %arg14[%swap3A_344, %swap3A_345] {strides = array<i32>} : memref<16x16xf32, #tpu.memory_space<vmem>>, vector<16xf32>,
      tpu.vector_store %arg14[%swap3A_344, %swap3A_345], %parallel_loop3A_334#2 {strides = array<i32>} : memref<16x16xf32, #tpu.memory_space<vmem>>, vector<16xf32>,
      %swap3A_347 = arith.constant 15 : i32
      %swap3A_348 = arith.index_cast %swap3A_347 : i32 to index
      %swap3A_349 = arith.constant 0 : index
      %swap3A_350 = tpu.vector_load %arg14[%swap3A_348, %swap3A_349] {strides = array<i32>} : memref<16x16xf32, #tpu.memory_space<vmem>>, vector<16xf32>,
      tpu.vector_store %arg14[%swap3A_348, %swap3A_349], %parallel_loop3A_334#3 {strides = array<i32>} : memref<16x16xf32, #tpu.memory_space<vmem>>, vector<16xf32>,
      %iota3A = tpu.iota {dimensions = array<i32: 0>} : vector<16xi32>
      %broadcast_in_dim3A_351 = arith.constant 0 : i32
      %broadcast_in_dim3A_352 = vector.broadcast %broadcast_in_dim3A_351 : i32 to vector<16xi32>
      %gather3A = tpu.vector_load_idx %arg14[%iota3A, %broadcast_in_dim3A_352] : memref<16x16xf32, #tpu.memory_space<vmem>>[vector<16xi32>, vector<16xi32>], vector<16xf32>,
      %min3A = arith.minimumf %broadcast_in_dim3A_36, %gather3A : vector<16xf32>
      %broadcast_in_dim3A_353 = arith.constant 1 : i32
      %broadcast_in_dim3A_354 = vector.broadcast %broadcast_in_dim3A_353 : i32 to vector<16xi32>
      %gather3A_355 = tpu.vector_load_idx %arg14[%iota3A, %broadcast_in_dim3A_354] : memref<16x16xf32, #tpu.memory_space<vmem>>[vector<16xi32>, vector<16xi32>], vector<16xf32>,
      %min3A_356 = arith.minimumf %min3A, %gather3A_355 : vector<16xf32>
      %broadcast_in_dim3A_357 = arith.constant 2 : i32
      %broadcast_in_dim3A_358 = vector.broadcast %broadcast_in_dim3A_357 : i32 to vector<16xi32>
      %gather3A_359 = tpu.vector_load_idx %arg14[%iota3A, %broadcast_in_dim3A_358] : memref<16x16xf32, #tpu.memory_space<vmem>>[vector<16xi32>, vector<16xi32>], vector<16xf32>,
      %min3A_360 = arith.minimumf %min3A_356, %gather3A_359 : vector<16xf32>
      %broadcast_in_dim3A_361 = arith.constant 3 : i32
      %broadcast_in_dim3A_362 = vector.broadcast %broadcast_in_dim3A_361 : i32 to vector<16xi32>
      %gather3A_363 = tpu.vector_load_idx %arg14[%iota3A, %broadcast_in_dim3A_362] : memref<16x16xf32, #tpu.memory_space<vmem>>[vector<16xi32>, vector<16xi32>], vector<16xf32>,
      %min3A_364 = arith.minimumf %min3A_360, %gather3A_363 : vector<16xf32>
      %broadcast_in_dim3A_365 = arith.constant 4 : i32
      %broadcast_in_dim3A_366 = vector.broadcast %broadcast_in_dim3A_365 : i32 to vector<16xi32>
      %gather3A_367 = tpu.vector_load_idx %arg14[%iota3A, %broadcast_in_dim3A_366] : memref<16x16xf32, #tpu.memory_space<vmem>>[vector<16xi32>, vector<16xi32>], vector<16xf32>,
      %min3A_368 = arith.minimumf %min3A_364, %gather3A_367 : vector<16xf32>
      %broadcast_in_dim3A_369 = arith.constant 5 : i32
      %broadcast_in_dim3A_370 = vector.broadcast %broadcast_in_dim3A_369 : i32 to vector<16xi32>
      %gather3A_371 = tpu.vector_load_idx %arg14[%iota3A, %broadcast_in_dim3A_370] : memref<16x16xf32, #tpu.memory_space<vmem>>[vector<16xi32>, vector<16xi32>], vector<16xf32>,
      %min3A_372 = arith.minimumf %min3A_368, %gather3A_371 : vector<16xf32>
      %broadcast_in_dim3A_373 = arith.constant 6 : i32
      %broadcast_in_dim3A_374 = vector.broadcast %broadcast_in_dim3A_373 : i32 to vector<16xi32>
      %gather3A_375 = tpu.vector_load_idx %arg14[%iota3A, %broadcast_in_dim3A_374] : memref<16x16xf32, #tpu.memory_space<vmem>>[vector<16xi32>, vector<16xi32>], vector<16xf32>,
      %min3A_376 = arith.minimumf %min3A_372, %gather3A_375 : vector<16xf32>
      %broadcast_in_dim3A_377 = arith.constant 7 : i32
      %broadcast_in_dim3A_378 = vector.broadcast %broadcast_in_dim3A_377 : i32 to vector<16xi32>
      %gather3A_379 = tpu.vector_load_idx %arg14[%iota3A, %broadcast_in_dim3A_378] : memref<16x16xf32, #tpu.memory_space<vmem>>[vector<16xi32>, vector<16xi32>], vector<16xf32>,
      %min3A_380 = arith.minimumf %min3A_376, %gather3A_379 : vector<16xf32>
      %broadcast_in_dim3A_381 = arith.constant 8 : i32
      %broadcast_in_dim3A_382 = vector.broadcast %broadcast_in_dim3A_381 : i32 to vector<16xi32>
      %gather3A_383 = tpu.vector_load_idx %arg14[%iota3A, %broadcast_in_dim3A_382] : memref<16x16xf32, #tpu.memory_space<vmem>>[vector<16xi32>, vector<16xi32>], vector<16xf32>,
      %min3A_384 = arith.minimumf %min3A_380, %gather3A_383 : vector<16xf32>
      %broadcast_in_dim3A_385 = arith.constant 9 : i32
      %broadcast_in_dim3A_386 = vector.broadcast %broadcast_in_dim3A_385 : i32 to vector<16xi32>
      %gather3A_387 = tpu.vector_load_idx %arg14[%iota3A, %broadcast_in_dim3A_386] : memref<16x16xf32, #tpu.memory_space<vmem>>[vector<16xi32>, vector<16xi32>], vector<16xf32>,
      %min3A_388 = arith.minimumf %min3A_384, %gather3A_387 : vector<16xf32>
      %broadcast_in_dim3A_389 = arith.constant 10 : i32
      %broadcast_in_dim3A_390 = vector.broadcast %broadcast_in_dim3A_389 : i32 to vector<16xi32>
      %gather3A_391 = tpu.vector_load_idx %arg14[%iota3A, %broadcast_in_dim3A_390] : memref<16x16xf32, #tpu.memory_space<vmem>>[vector<16xi32>, vector<16xi32>], vector<16xf32>,
      %min3A_392 = arith.minimumf %min3A_388, %gather3A_391 : vector<16xf32>
      %broadcast_in_dim3A_393 = arith.constant 11 : i32
      %broadcast_in_dim3A_394 = vector.broadcast %broadcast_in_dim3A_393 : i32 to vector<16xi32>
      %gather3A_395 = tpu.vector_load_idx %arg14[%iota3A, %broadcast_in_dim3A_394] : memref<16x16xf32, #tpu.memory_space<vmem>>[vector<16xi32>, vector<16xi32>], vector<16xf32>,
      %min3A_396 = arith.minimumf %min3A_392, %gather3A_395 : vector<16xf32>
      %broadcast_in_dim3A_397 = arith.constant 12 : i32
      %broadcast_in_dim3A_398 = vector.broadcast %broadcast_in_dim3A_397 : i32 to vector<16xi32>
      %gather3A_399 = tpu.vector_load_idx %arg14[%iota3A, %broadcast_in_dim3A_398] : memref<16x16xf32, #tpu.memory_space<vmem>>[vector<16xi32>, vector<16xi32>], vector<16xf32>,
      %min3A_400 = arith.minimumf %min3A_396, %gather3A_399 : vector<16xf32>
      %broadcast_in_dim3A_401 = arith.constant 13 : i32
      %broadcast_in_dim3A_402 = vector.broadcast %broadcast_in_dim3A_401 : i32 to vector<16xi32>
      %gather3A_403 = tpu.vector_load_idx %arg14[%iota3A, %broadcast_in_dim3A_402] : memref<16x16xf32, #tpu.memory_space<vmem>>[vector<16xi32>, vector<16xi32>], vector<16xf32>,
      %min3A_404 = arith.minimumf %min3A_400, %gather3A_403 : vector<16xf32>
      %broadcast_in_dim3A_405 = arith.constant 14 : i32
      %broadcast_in_dim3A_406 = vector.broadcast %broadcast_in_dim3A_405 : i32 to vector<16xi32>
      %gather3A_407 = tpu.vector_load_idx %arg14[%iota3A, %broadcast_in_dim3A_406] : memref<16x16xf32, #tpu.memory_space<vmem>>[vector<16xi32>, vector<16xi32>], vector<16xf32>,
      %min3A_408 = arith.minimumf %min3A_404, %gather3A_407 : vector<16xf32>
      %broadcast_in_dim3A_409 = arith.constant 15 : i32
      %broadcast_in_dim3A_410 = vector.broadcast %broadcast_in_dim3A_409 : i32 to vector<16xi32>
      %gather3A_411 = tpu.vector_load_idx %arg14[%iota3A, %broadcast_in_dim3A_410] : memref<16x16xf32, #tpu.memory_space<vmem>>[vector<16xi32>, vector<16xi32>], vector<16xf32>,
      %min3A_412 = arith.minimumf %min3A_408, %gather3A_411 : vector<16xf32>
      %add3A_413 = arith.addf %min3A_412, %get3A_81 : vector<16xf32>
      %max3A = arith.constant 0.000000e+00 : f32
      %max3A_414 = vector.broadcast %max3A : f32 to vector<16xf32>
      %max3A_415 = arith.maximumf %add3A_413, %max3A_414 : vector<16xf32>
      %add3A_416 = arith.addf %scan3A_60, %max3A_415 : vector<16xf32>
      scf.yield %add3A_416 : vector<16xf32>
    }
    %scan3A_50 = arith.constant 8 : i32
    %swap3A = arith.constant 0 : index
    %swap3A_51 = tpu.vector_load %arg15[%swap3A] {strides = array<i32>} : memref<16xf32, #tpu.memory_space<vmem>>, vector<16xf32>,
    tpu.vector_store %arg15[%swap3A], %scan3A_49 {strides = array<i32>} : memref<16xf32, #tpu.memory_space<vmem>>, vector<16xf32>,
    "tpu.region"() ({
      %run_scoped3A = tpu.sem_alloc : memref<!tpu.dma_semaphore, #tpu.memory_space<semaphore_mem>>
      %dma_start3A = arith.constant 0 : i32
      %dma_start3A_59 = tpu.memref_slice %arg6[%add3A, %dma_start3A] : memref<32x16xf32, #tpu.memory_space<hbm>> -> memref<1x16xf32, #tpu.memory_space<hbm>>
      %dma_start3A_60 = tpu.memref_squeeze %dma_start3A_59 : memref<1x16xf32, #tpu.memory_space<hbm>> -> memref<16xf32, #tpu.memory_space<hbm>>
      %dma_start3A_61 = arith.constant 0 : i32
      %dma_start3A_62 = tpu.memref_slice %arg6[%add3A, %dma_start3A_61] : memref<32x16xf32, #tpu.memory_space<hbm>> -> memref<1x16xf32, #tpu.memory_space<hbm>>
      %dma_start3A_63 = tpu.memref_squeeze %dma_start3A_62 : memref<1x16xf32, #tpu.memory_space<hbm>> -> memref<16xf32, #tpu.memory_space<hbm>>
      tpu.enqueue_dma source(%arg15 : memref<16xf32, #tpu.memory_space<vmem>>) target(%dma_start3A_63 : memref<16xf32, #tpu.memory_space<hbm>>) target_semaphore(%run_scoped3A : memref<!tpu.dma_semaphore, #tpu.memory_space<semaphore_mem>>)
      %dma_wait3A = arith.constant 0 : i32
      %dma_wait3A_64 = tpu.memref_slice %arg6[%add3A, %dma_wait3A] : memref<32x16xf32, #tpu.memory_space<hbm>> -> memref<1x16xf32, #tpu.memory_space<hbm>>
      %dma_wait3A_65 = tpu.memref_squeeze %dma_wait3A_64 : memref<1x16xf32, #tpu.memory_space<hbm>> -> memref<16xf32, #tpu.memory_space<hbm>>
      %dma_wait3A_66 = arith.constant 0 : i32
      %dma_wait3A_67 = tpu.memref_slice %arg6[%add3A, %dma_wait3A_66] : memref<32x16xf32, #tpu.memory_space<hbm>> -> memref<1x16xf32, #tpu.memory_space<hbm>>
      %dma_wait3A_68 = tpu.memref_squeeze %dma_wait3A_67 : memref<1x16xf32, #tpu.memory_space<hbm>> -> memref<16xf32, #tpu.memory_space<hbm>>
      tpu.wait_dma2 semaphore(%run_scoped3A : memref<!tpu.dma_semaphore, #tpu.memory_space<semaphore_mem>>) src(%arg15 : memref<16xf32, #tpu.memory_space<vmem>>) dst(%dma_wait3A_68 : memref<16xf32, #tpu.memory_space<hbm>>)
      tpu.yield
    }) : () -> ()
    "tpu.region"() ({
      %run_scoped3A = tpu.sem_alloc : memref<!tpu.dma_semaphore, #tpu.memory_space<semaphore_mem>>
      %dma_start3A = arith.constant 0 : i32
      %dma_start3A_59 = tpu.memref_slice %arg17[%arg1, %dma_start3A] : memref<16x2048xf32, #tpu.memory_space<vmem_shared>> -> memref<1x2048xf32, #tpu.memory_space<vmem_shared>>
      %dma_start3A_60 = tpu.memref_squeeze %dma_start3A_59 : memref<1x2048xf32, #tpu.memory_space<vmem_shared>> -> memref<2048xf32, #tpu.memory_space<vmem_shared>>
      %dma_start3A_61 = arith.constant 0 : i32
      %dma_start3A_62 = tpu.memref_slice %arg17[%arg1, %dma_start3A_61] : memref<16x2048xf32, #tpu.memory_space<vmem_shared>> -> memref<1x2048xf32, #tpu.memory_space<vmem_shared>>
      %dma_start3A_63 = tpu.memref_squeeze %dma_start3A_62 : memref<1x2048xf32, #tpu.memory_space<vmem_shared>> -> memref<2048xf32, #tpu.memory_space<vmem_shared>>
      tpu.enqueue_dma source(%arg12 : memref<2048xf32, #tpu.memory_space<vmem>>) target(%dma_start3A_63 : memref<2048xf32, #tpu.memory_space<vmem_shared>>) target_semaphore(%run_scoped3A : memref<!tpu.dma_semaphore, #tpu.memory_space<semaphore_mem>>)
      %dma_wait3A = arith.constant 0 : i32
      %dma_wait3A_64 = tpu.memref_slice %arg17[%arg1, %dma_wait3A] : memref<16x2048xf32, #tpu.memory_space<vmem_shared>> -> memref<1x2048xf32, #tpu.memory_space<vmem_shared>>
      %dma_wait3A_65 = tpu.memref_squeeze %dma_wait3A_64 : memref<1x2048xf32, #tpu.memory_space<vmem_shared>> -> memref<2048xf32, #tpu.memory_space<vmem_shared>>
      %dma_wait3A_66 = arith.constant 0 : i32
      %dma_wait3A_67 = tpu.memref_slice %arg17[%arg1, %dma_wait3A_66] : memref<16x2048xf32, #tpu.memory_space<vmem_shared>> -> memref<1x2048xf32, #tpu.memory_space<vmem_shared>>
      %dma_wait3A_68 = tpu.memref_squeeze %dma_wait3A_67 : memref<1x2048xf32, #tpu.memory_space<vmem_shared>> -> memref<2048xf32, #tpu.memory_space<vmem_shared>>
      tpu.wait_dma2 semaphore(%run_scoped3A : memref<!tpu.dma_semaphore, #tpu.memory_space<semaphore_mem>>) src(%arg12 : memref<2048xf32, #tpu.memory_space<vmem>>) dst(%dma_wait3A_68 : memref<2048xf32, #tpu.memory_space<vmem_shared>>)
      tpu.yield
    }) : () -> ()
    %barrier3A = arith.constant 0 : index
    tpu.barrier barrier_id(%barrier3A)
    %broadcast_in_dim3A_52 = arith.constant 0.000000e+00 : f32
    %broadcast_in_dim3A_53 = vector.broadcast %broadcast_in_dim3A_52 : f32 to vector<16xf32>
    %swap3A_54 = arith.constant 0 : index
    %swap3A_55 = tpu.vector_load %arg16[%swap3A_54] {strides = array<i32>} : memref<16xf32, #tpu.memory_space<vmem>>, vector<16xf32>,
    tpu.vector_store %arg16[%swap3A_54], %broadcast_in_dim3A_53 {strides = array<i32>} : memref<16xf32, #tpu.memory_space<vmem>>, vector<16xf32>,
    %eq3A_56 = arith.constant 0 : i32
    %eq3A_57 = arith.cmpi eq, %select_n3A_33, %eq3A_56 : i32
    %convert_element_type3A = arith.extui %eq3A_57 : i1 to i32
    %cond3A = arith.constant 0 : i32
    %cond3A_58 = arith.cmpi ne, %convert_element_type3A, %cond3A : i32
    scf.if %cond3A_58 {
      %add3A_59 = arith.constant 1 : i32
      %add3A_60 = arith.addi %arg1, %add3A_59 : i32
      "tpu.region"() ({
        %run_scoped3A = tpu.sem_alloc : memref<!tpu.dma_semaphore, #tpu.memory_space<semaphore_mem>>
        %dma_start3A = arith.constant 0 : i32
        %dma_start3A_204 = tpu.memref_slice %arg17[%add3A_60, %dma_start3A] : memref<16x2048xf32, #tpu.memory_space<vmem_shared>> -> memref<1x2048xf32, #tpu.memory_space<vmem_shared>>
        %dma_start3A_205 = tpu.memref_squeeze %dma_start3A_204 : memref<1x2048xf32, #tpu.memory_space<vmem_shared>> -> memref<2048xf32, #tpu.memory_space<vmem_shared>>
        %dma_start3A_206 = arith.constant 0 : i32
        %dma_start3A_207 = tpu.memref_slice %arg17[%add3A_60, %dma_start3A_206] : memref<16x2048xf32, #tpu.memory_space<vmem_shared>> -> memref<1x2048xf32, #tpu.memory_space<vmem_shared>>
        %dma_start3A_208 = tpu.memref_squeeze %dma_start3A_207 : memref<1x2048xf32, #tpu.memory_space<vmem_shared>> -> memref<2048xf32, #tpu.memory_space<vmem_shared>>
        tpu.enqueue_dma source(%dma_start3A_208 : memref<2048xf32, #tpu.memory_space<vmem_shared>>) target(%arg13 : memref<2048xf32, #tpu.memory_space<vmem>>) target_semaphore(%run_scoped3A : memref<!tpu.dma_semaphore, #tpu.memory_space<semaphore_mem>>)
        %dma_wait3A = arith.constant 0 : i32
        %dma_wait3A_209 = tpu.memref_slice %arg17[%add3A_60, %dma_wait3A] : memref<16x2048xf32, #tpu.memory_space<vmem_shared>> -> memref<1x2048xf32, #tpu.memory_space<vmem_shared>>
        %dma_wait3A_210 = tpu.memref_squeeze %dma_wait3A_209 : memref<1x2048xf32, #tpu.memory_space<vmem_shared>> -> memref<2048xf32, #tpu.memory_space<vmem_shared>>
        %dma_wait3A_211 = arith.constant 0 : i32
        %dma_wait3A_212 = tpu.memref_slice %arg17[%add3A_60, %dma_wait3A_211] : memref<16x2048xf32, #tpu.memory_space<vmem_shared>> -> memref<1x2048xf32, #tpu.memory_space<vmem_shared>>
        %dma_wait3A_213 = tpu.memref_squeeze %dma_wait3A_212 : memref<1x2048xf32, #tpu.memory_space<vmem_shared>> -> memref<2048xf32, #tpu.memory_space<vmem_shared>>
        tpu.wait_dma2 semaphore(%run_scoped3A : memref<!tpu.dma_semaphore, #tpu.memory_space<semaphore_mem>>) src(%dma_wait3A_213 : memref<2048xf32, #tpu.memory_space<vmem_shared>>) dst(%arg13 : memref<2048xf32, #tpu.memory_space<vmem>>)
        tpu.yield
      }) : () -> ()
      %scan3A_61 = arith.constant 0 : i32
      %scan3A_62 = arith.constant 0 : i32
      %scan3A_63 = arith.constant 128 : i32
      %scan3A_64 = arith.addi %scan3A_62, %scan3A_63 : i32
      %scan3A_65 = arith.constant 1 : i32
      %scan3A_66 = scf.for %scan3A_204 = %scan3A_62 to %scan3A_64 step %scan3A_65 iter_args(%scan3A_205 = %scan3A_61) -> (i32)  : i32 {
        %mul3A_206 = arith.constant 16 : i32
        %mul3A_207 = arith.muli %scan3A_204, %mul3A_206 : i32
        %get3A = arith.index_cast %mul3A_207 : i32 to index
        %get3A_208 = tpu.vector_load %arg12[%get3A] {strides = array<i32>} : memref<2048xf32, #tpu.memory_space<vmem>>, vector<16xf32>,
        %mul3A_209 = arith.constant 16 : i32
        %mul3A_210 = arith.muli %scan3A_204, %mul3A_209 : i32
        %get3A_211 = arith.index_cast %mul3A_210 : i32 to index
        %get3A_212 = tpu.vector_load %arg13[%get3A_211] {strides = array<i32>} : memref<2048xf32, #tpu.memory_space<vmem>>, vector<16xf32>,
        %min3A = arith.minimumf %get3A_208, %get3A_212 : vector<16xf32>
        %mul3A_213 = arith.constant 16 : i32
        %mul3A_214 = arith.muli %scan3A_204, %mul3A_213 : i32
        %swap3A_215 = arith.index_cast %mul3A_214 : i32 to index
        %swap3A_216 = tpu.vector_load %arg12[%swap3A_215] {strides = array<i32>} : memref<2048xf32, #tpu.memory_space<vmem>>, vector<16xf32>,
        tpu.vector_store %arg12[%swap3A_215], %min3A {strides = array<i32>} : memref<2048xf32, #tpu.memory_space<vmem>>, vector<16xf32>,
        %scan3A_217 = arith.constant 0 : i32
        scf.yield %scan3A_217 : i32
      }
      %scan3A_67 = arith.constant 128 : i32
      %add3A_68 = arith.constant 2 : i32
      %add3A_69 = arith.addi %arg1, %add3A_68 : i32
      "tpu.region"() ({
        %run_scoped3A = tpu.sem_alloc : memref<!tpu.dma_semaphore, #tpu.memory_space<semaphore_mem>>
        %dma_start3A = arith.constant 0 : i32
        %dma_start3A_204 = tpu.memref_slice %arg17[%add3A_69, %dma_start3A] : memref<16x2048xf32, #tpu.memory_space<vmem_shared>> -> memref<1x2048xf32, #tpu.memory_space<vmem_shared>>
        %dma_start3A_205 = tpu.memref_squeeze %dma_start3A_204 : memref<1x2048xf32, #tpu.memory_space<vmem_shared>> -> memref<2048xf32, #tpu.memory_space<vmem_shared>>
        %dma_start3A_206 = arith.constant 0 : i32
        %dma_start3A_207 = tpu.memref_slice %arg17[%add3A_69, %dma_start3A_206] : memref<16x2048xf32, #tpu.memory_space<vmem_shared>> -> memref<1x2048xf32, #tpu.memory_space<vmem_shared>>
        %dma_start3A_208 = tpu.memref_squeeze %dma_start3A_207 : memref<1x2048xf32, #tpu.memory_space<vmem_shared>> -> memref<2048xf32, #tpu.memory_space<vmem_shared>>
        tpu.enqueue_dma source(%dma_start3A_208 : memref<2048xf32, #tpu.memory_space<vmem_shared>>) target(%arg13 : memref<2048xf32, #tpu.memory_space<vmem>>) target_semaphore(%run_scoped3A : memref<!tpu.dma_semaphore, #tpu.memory_space<semaphore_mem>>)
        %dma_wait3A = arith.constant 0 : i32
        %dma_wait3A_209 = tpu.memref_slice %arg17[%add3A_69, %dma_wait3A] : memref<16x2048xf32, #tpu.memory_space<vmem_shared>> -> memref<1x2048xf32, #tpu.memory_space<vmem_shared>>
        %dma_wait3A_210 = tpu.memref_squeeze %dma_wait3A_209 : memref<1x2048xf32, #tpu.memory_space<vmem_shared>> -> memref<2048xf32, #tpu.memory_space<vmem_shared>>
        %dma_wait3A_211 = arith.constant 0 : i32
        %dma_wait3A_212 = tpu.memref_slice %arg17[%add3A_69, %dma_wait3A_211] : memref<16x2048xf32, #tpu.memory_space<vmem_shared>> -> memref<1x2048xf32, #tpu.memory_space<vmem_shared>>
        %dma_wait3A_213 = tpu.memref_squeeze %dma_wait3A_212 : memref<1x2048xf32, #tpu.memory_space<vmem_shared>> -> memref<2048xf32, #tpu.memory_space<vmem_shared>>
        tpu.wait_dma2 semaphore(%run_scoped3A : memref<!tpu.dma_semaphore, #tpu.memory_space<semaphore_mem>>) src(%dma_wait3A_213 : memref<2048xf32, #tpu.memory_space<vmem_shared>>) dst(%arg13 : memref<2048xf32, #tpu.memory_space<vmem>>)
        tpu.yield
      }) : () -> ()
      %scan3A_70 = arith.constant 0 : i32
      %scan3A_71 = arith.constant 0 : i32
      %scan3A_72 = arith.constant 128 : i32
      %scan3A_73 = arith.addi %scan3A_71, %scan3A_72 : i32
      %scan3A_74 = arith.constant 1 : i32
      %scan3A_75 = scf.for %scan3A_204 = %scan3A_71 to %scan3A_73 step %scan3A_74 iter_args(%scan3A_205 = %scan3A_70) -> (i32)  : i32 {
        %mul3A_206 = arith.constant 16 : i32
        %mul3A_207 = arith.muli %scan3A_204, %mul3A_206 : i32
        %get3A = arith.index_cast %mul3A_207 : i32 to index
        %get3A_208 = tpu.vector_load %arg12[%get3A] {strides = array<i32>} : memref<2048xf32, #tpu.memory_space<vmem>>, vector<16xf32>,
        %mul3A_209 = arith.constant 16 : i32
        %mul3A_210 = arith.muli %scan3A_204, %mul3A_209 : i32
        %get3A_211 = arith.index_cast %mul3A_210 : i32 to index
        %get3A_212 = tpu.vector_load %arg13[%get3A_211] {strides = array<i32>} : memref<2048xf32, #tpu.memory_space<vmem>>, vector<16xf32>,
        %min3A = arith.minimumf %get3A_208, %get3A_212 : vector<16xf32>
        %mul3A_213 = arith.constant 16 : i32
        %mul3A_214 = arith.muli %scan3A_204, %mul3A_213 : i32
        %swap3A_215 = arith.index_cast %mul3A_214 : i32 to index
        %swap3A_216 = tpu.vector_load %arg12[%swap3A_215] {strides = array<i32>} : memref<2048xf32, #tpu.memory_space<vmem>>, vector<16xf32>,
        tpu.vector_store %arg12[%swap3A_215], %min3A {strides = array<i32>} : memref<2048xf32, #tpu.memory_space<vmem>>, vector<16xf32>,
        %scan3A_217 = arith.constant 0 : i32
        scf.yield %scan3A_217 : i32
      }
      %scan3A_76 = arith.constant 128 : i32
      %add3A_77 = arith.constant 3 : i32
      %add3A_78 = arith.addi %arg1, %add3A_77 : i32
      "tpu.region"() ({
        %run_scoped3A = tpu.sem_alloc : memref<!tpu.dma_semaphore, #tpu.memory_space<semaphore_mem>>
        %dma_start3A = arith.constant 0 : i32
        %dma_start3A_204 = tpu.memref_slice %arg17[%add3A_78, %dma_start3A] : memref<16x2048xf32, #tpu.memory_space<vmem_shared>> -> memref<1x2048xf32, #tpu.memory_space<vmem_shared>>
        %dma_start3A_205 = tpu.memref_squeeze %dma_start3A_204 : memref<1x2048xf32, #tpu.memory_space<vmem_shared>> -> memref<2048xf32, #tpu.memory_space<vmem_shared>>
        %dma_start3A_206 = arith.constant 0 : i32
        %dma_start3A_207 = tpu.memref_slice %arg17[%add3A_78, %dma_start3A_206] : memref<16x2048xf32, #tpu.memory_space<vmem_shared>> -> memref<1x2048xf32, #tpu.memory_space<vmem_shared>>
        %dma_start3A_208 = tpu.memref_squeeze %dma_start3A_207 : memref<1x2048xf32, #tpu.memory_space<vmem_shared>> -> memref<2048xf32, #tpu.memory_space<vmem_shared>>
        tpu.enqueue_dma source(%dma_start3A_208 : memref<2048xf32, #tpu.memory_space<vmem_shared>>) target(%arg13 : memref<2048xf32, #tpu.memory_space<vmem>>) target_semaphore(%run_scoped3A : memref<!tpu.dma_semaphore, #tpu.memory_space<semaphore_mem>>)
        %dma_wait3A = arith.constant 0 : i32
        %dma_wait3A_209 = tpu.memref_slice %arg17[%add3A_78, %dma_wait3A] : memref<16x2048xf32, #tpu.memory_space<vmem_shared>> -> memref<1x2048xf32, #tpu.memory_space<vmem_shared>>
        %dma_wait3A_210 = tpu.memref_squeeze %dma_wait3A_209 : memref<1x2048xf32, #tpu.memory_space<vmem_shared>> -> memref<2048xf32, #tpu.memory_space<vmem_shared>>
        %dma_wait3A_211 = arith.constant 0 : i32
        %dma_wait3A_212 = tpu.memref_slice %arg17[%add3A_78, %dma_wait3A_211] : memref<16x2048xf32, #tpu.memory_space<vmem_shared>> -> memref<1x2048xf32, #tpu.memory_space<vmem_shared>>
        %dma_wait3A_213 = tpu.memref_squeeze %dma_wait3A_212 : memref<1x2048xf32, #tpu.memory_space<vmem_shared>> -> memref<2048xf32, #tpu.memory_space<vmem_shared>>
        tpu.wait_dma2 semaphore(%run_scoped3A : memref<!tpu.dma_semaphore, #tpu.memory_space<semaphore_mem>>) src(%dma_wait3A_213 : memref<2048xf32, #tpu.memory_space<vmem_shared>>) dst(%arg13 : memref<2048xf32, #tpu.memory_space<vmem>>)
        tpu.yield
      }) : () -> ()
      %scan3A_79 = arith.constant 0 : i32
      %scan3A_80 = arith.constant 0 : i32
      %scan3A_81 = arith.constant 128 : i32
      %scan3A_82 = arith.addi %scan3A_80, %scan3A_81 : i32
      %scan3A_83 = arith.constant 1 : i32
      %scan3A_84 = scf.for %scan3A_204 = %scan3A_80 to %scan3A_82 step %scan3A_83 iter_args(%scan3A_205 = %scan3A_79) -> (i32)  : i32 {
        %mul3A_206 = arith.constant 16 : i32
        %mul3A_207 = arith.muli %scan3A_204, %mul3A_206 : i32
        %get3A = arith.index_cast %mul3A_207 : i32 to index
        %get3A_208 = tpu.vector_load %arg12[%get3A] {strides = array<i32>} : memref<2048xf32, #tpu.memory_space<vmem>>, vector<16xf32>,
        %mul3A_209 = arith.constant 16 : i32
        %mul3A_210 = arith.muli %scan3A_204, %mul3A_209 : i32
        %get3A_211 = arith.index_cast %mul3A_210 : i32 to index
        %get3A_212 = tpu.vector_load %arg13[%get3A_211] {strides = array<i32>} : memref<2048xf32, #tpu.memory_space<vmem>>, vector<16xf32>,
        %min3A = arith.minimumf %get3A_208, %get3A_212 : vector<16xf32>
        %mul3A_213 = arith.constant 16 : i32
        %mul3A_214 = arith.muli %scan3A_204, %mul3A_213 : i32
        %swap3A_215 = arith.index_cast %mul3A_214 : i32 to index
        %swap3A_216 = tpu.vector_load %arg12[%swap3A_215] {strides = array<i32>} : memref<2048xf32, #tpu.memory_space<vmem>>, vector<16xf32>,
        tpu.vector_store %arg12[%swap3A_215], %min3A {strides = array<i32>} : memref<2048xf32, #tpu.memory_space<vmem>>, vector<16xf32>,
        %scan3A_217 = arith.constant 0 : i32
        scf.yield %scan3A_217 : i32
      }
      %scan3A_85 = arith.constant 128 : i32
      %add3A_86 = arith.constant 4 : i32
      %add3A_87 = arith.addi %arg1, %add3A_86 : i32
      "tpu.region"() ({
        %run_scoped3A = tpu.sem_alloc : memref<!tpu.dma_semaphore, #tpu.memory_space<semaphore_mem>>
        %dma_start3A = arith.constant 0 : i32
        %dma_start3A_204 = tpu.memref_slice %arg17[%add3A_87, %dma_start3A] : memref<16x2048xf32, #tpu.memory_space<vmem_shared>> -> memref<1x2048xf32, #tpu.memory_space<vmem_shared>>
        %dma_start3A_205 = tpu.memref_squeeze %dma_start3A_204 : memref<1x2048xf32, #tpu.memory_space<vmem_shared>> -> memref<2048xf32, #tpu.memory_space<vmem_shared>>
        %dma_start3A_206 = arith.constant 0 : i32
        %dma_start3A_207 = tpu.memref_slice %arg17[%add3A_87, %dma_start3A_206] : memref<16x2048xf32, #tpu.memory_space<vmem_shared>> -> memref<1x2048xf32, #tpu.memory_space<vmem_shared>>
        %dma_start3A_208 = tpu.memref_squeeze %dma_start3A_207 : memref<1x2048xf32, #tpu.memory_space<vmem_shared>> -> memref<2048xf32, #tpu.memory_space<vmem_shared>>
        tpu.enqueue_dma source(%dma_start3A_208 : memref<2048xf32, #tpu.memory_space<vmem_shared>>) target(%arg13 : memref<2048xf32, #tpu.memory_space<vmem>>) target_semaphore(%run_scoped3A : memref<!tpu.dma_semaphore, #tpu.memory_space<semaphore_mem>>)
        %dma_wait3A = arith.constant 0 : i32
        %dma_wait3A_209 = tpu.memref_slice %arg17[%add3A_87, %dma_wait3A] : memref<16x2048xf32, #tpu.memory_space<vmem_shared>> -> memref<1x2048xf32, #tpu.memory_space<vmem_shared>>
        %dma_wait3A_210 = tpu.memref_squeeze %dma_wait3A_209 : memref<1x2048xf32, #tpu.memory_space<vmem_shared>> -> memref<2048xf32, #tpu.memory_space<vmem_shared>>
        %dma_wait3A_211 = arith.constant 0 : i32
        %dma_wait3A_212 = tpu.memref_slice %arg17[%add3A_87, %dma_wait3A_211] : memref<16x2048xf32, #tpu.memory_space<vmem_shared>> -> memref<1x2048xf32, #tpu.memory_space<vmem_shared>>
        %dma_wait3A_213 = tpu.memref_squeeze %dma_wait3A_212 : memref<1x2048xf32, #tpu.memory_space<vmem_shared>> -> memref<2048xf32, #tpu.memory_space<vmem_shared>>
        tpu.wait_dma2 semaphore(%run_scoped3A : memref<!tpu.dma_semaphore, #tpu.memory_space<semaphore_mem>>) src(%dma_wait3A_213 : memref<2048xf32, #tpu.memory_space<vmem_shared>>) dst(%arg13 : memref<2048xf32, #tpu.memory_space<vmem>>)
        tpu.yield
      }) : () -> ()
      %scan3A_88 = arith.constant 0 : i32
      %scan3A_89 = arith.constant 0 : i32
      %scan3A_90 = arith.constant 128 : i32
      %scan3A_91 = arith.addi %scan3A_89, %scan3A_90 : i32
      %scan3A_92 = arith.constant 1 : i32
      %scan3A_93 = scf.for %scan3A_204 = %scan3A_89 to %scan3A_91 step %scan3A_92 iter_args(%scan3A_205 = %scan3A_88) -> (i32)  : i32 {
        %mul3A_206 = arith.constant 16 : i32
        %mul3A_207 = arith.muli %scan3A_204, %mul3A_206 : i32
        %get3A = arith.index_cast %mul3A_207 : i32 to index
        %get3A_208 = tpu.vector_load %arg12[%get3A] {strides = array<i32>} : memref<2048xf32, #tpu.memory_space<vmem>>, vector<16xf32>,
        %mul3A_209 = arith.constant 16 : i32
        %mul3A_210 = arith.muli %scan3A_204, %mul3A_209 : i32
        %get3A_211 = arith.index_cast %mul3A_210 : i32 to index
        %get3A_212 = tpu.vector_load %arg13[%get3A_211] {strides = array<i32>} : memref<2048xf32, #tpu.memory_space<vmem>>, vector<16xf32>,
        %min3A = arith.minimumf %get3A_208, %get3A_212 : vector<16xf32>
        %mul3A_213 = arith.constant 16 : i32
        %mul3A_214 = arith.muli %scan3A_204, %mul3A_213 : i32
        %swap3A_215 = arith.index_cast %mul3A_214 : i32 to index
        %swap3A_216 = tpu.vector_load %arg12[%swap3A_215] {strides = array<i32>} : memref<2048xf32, #tpu.memory_space<vmem>>, vector<16xf32>,
        tpu.vector_store %arg12[%swap3A_215], %min3A {strides = array<i32>} : memref<2048xf32, #tpu.memory_space<vmem>>, vector<16xf32>,
        %scan3A_217 = arith.constant 0 : i32
        scf.yield %scan3A_217 : i32
      }
      %scan3A_94 = arith.constant 128 : i32
      %add3A_95 = arith.constant 5 : i32
      %add3A_96 = arith.addi %arg1, %add3A_95 : i32
      "tpu.region"() ({
        %run_scoped3A = tpu.sem_alloc : memref<!tpu.dma_semaphore, #tpu.memory_space<semaphore_mem>>
        %dma_start3A = arith.constant 0 : i32
        %dma_start3A_204 = tpu.memref_slice %arg17[%add3A_96, %dma_start3A] : memref<16x2048xf32, #tpu.memory_space<vmem_shared>> -> memref<1x2048xf32, #tpu.memory_space<vmem_shared>>
        %dma_start3A_205 = tpu.memref_squeeze %dma_start3A_204 : memref<1x2048xf32, #tpu.memory_space<vmem_shared>> -> memref<2048xf32, #tpu.memory_space<vmem_shared>>
        %dma_start3A_206 = arith.constant 0 : i32
        %dma_start3A_207 = tpu.memref_slice %arg17[%add3A_96, %dma_start3A_206] : memref<16x2048xf32, #tpu.memory_space<vmem_shared>> -> memref<1x2048xf32, #tpu.memory_space<vmem_shared>>
        %dma_start3A_208 = tpu.memref_squeeze %dma_start3A_207 : memref<1x2048xf32, #tpu.memory_space<vmem_shared>> -> memref<2048xf32, #tpu.memory_space<vmem_shared>>
        tpu.enqueue_dma source(%dma_start3A_208 : memref<2048xf32, #tpu.memory_space<vmem_shared>>) target(%arg13 : memref<2048xf32, #tpu.memory_space<vmem>>) target_semaphore(%run_scoped3A : memref<!tpu.dma_semaphore, #tpu.memory_space<semaphore_mem>>)
        %dma_wait3A = arith.constant 0 : i32
        %dma_wait3A_209 = tpu.memref_slice %arg17[%add3A_96, %dma_wait3A] : memref<16x2048xf32, #tpu.memory_space<vmem_shared>> -> memref<1x2048xf32, #tpu.memory_space<vmem_shared>>
        %dma_wait3A_210 = tpu.memref_squeeze %dma_wait3A_209 : memref<1x2048xf32, #tpu.memory_space<vmem_shared>> -> memref<2048xf32, #tpu.memory_space<vmem_shared>>
        %dma_wait3A_211 = arith.constant 0 : i32
        %dma_wait3A_212 = tpu.memref_slice %arg17[%add3A_96, %dma_wait3A_211] : memref<16x2048xf32, #tpu.memory_space<vmem_shared>> -> memref<1x2048xf32, #tpu.memory_space<vmem_shared>>
        %dma_wait3A_213 = tpu.memref_squeeze %dma_wait3A_212 : memref<1x2048xf32, #tpu.memory_space<vmem_shared>> -> memref<2048xf32, #tpu.memory_space<vmem_shared>>
        tpu.wait_dma2 semaphore(%run_scoped3A : memref<!tpu.dma_semaphore, #tpu.memory_space<semaphore_mem>>) src(%dma_wait3A_213 : memref<2048xf32, #tpu.memory_space<vmem_shared>>) dst(%arg13 : memref<2048xf32, #tpu.memory_space<vmem>>)
        tpu.yield
      }) : () -> ()
      %scan3A_97 = arith.constant 0 : i32
      %scan3A_98 = arith.constant 0 : i32
      %scan3A_99 = arith.constant 128 : i32
      %scan3A_100 = arith.addi %scan3A_98, %scan3A_99 : i32
      %scan3A_101 = arith.constant 1 : i32
      %scan3A_102 = scf.for %scan3A_204 = %scan3A_98 to %scan3A_100 step %scan3A_101 iter_args(%scan3A_205 = %scan3A_97) -> (i32)  : i32 {
        %mul3A_206 = arith.constant 16 : i32
        %mul3A_207 = arith.muli %scan3A_204, %mul3A_206 : i32
        %get3A = arith.index_cast %mul3A_207 : i32 to index
        %get3A_208 = tpu.vector_load %arg12[%get3A] {strides = array<i32>} : memref<2048xf32, #tpu.memory_space<vmem>>, vector<16xf32>,
        %mul3A_209 = arith.constant 16 : i32
        %mul3A_210 = arith.muli %scan3A_204, %mul3A_209 : i32
        %get3A_211 = arith.index_cast %mul3A_210 : i32 to index
        %get3A_212 = tpu.vector_load %arg13[%get3A_211] {strides = array<i32>} : memref<2048xf32, #tpu.memory_space<vmem>>, vector<16xf32>,
        %min3A = arith.minimumf %get3A_208, %get3A_212 : vector<16xf32>
        %mul3A_213 = arith.constant 16 : i32
        %mul3A_214 = arith.muli %scan3A_204, %mul3A_213 : i32
        %swap3A_215 = arith.index_cast %mul3A_214 : i32 to index
        %swap3A_216 = tpu.vector_load %arg12[%swap3A_215] {strides = array<i32>} : memref<2048xf32, #tpu.memory_space<vmem>>, vector<16xf32>,
        tpu.vector_store %arg12[%swap3A_215], %min3A {strides = array<i32>} : memref<2048xf32, #tpu.memory_space<vmem>>, vector<16xf32>,
        %scan3A_217 = arith.constant 0 : i32
        scf.yield %scan3A_217 : i32
      }
      %scan3A_103 = arith.constant 128 : i32
      %add3A_104 = arith.constant 6 : i32
      %add3A_105 = arith.addi %arg1, %add3A_104 : i32
      "tpu.region"() ({
        %run_scoped3A = tpu.sem_alloc : memref<!tpu.dma_semaphore, #tpu.memory_space<semaphore_mem>>
        %dma_start3A = arith.constant 0 : i32
        %dma_start3A_204 = tpu.memref_slice %arg17[%add3A_105, %dma_start3A] : memref<16x2048xf32, #tpu.memory_space<vmem_shared>> -> memref<1x2048xf32, #tpu.memory_space<vmem_shared>>
        %dma_start3A_205 = tpu.memref_squeeze %dma_start3A_204 : memref<1x2048xf32, #tpu.memory_space<vmem_shared>> -> memref<2048xf32, #tpu.memory_space<vmem_shared>>
        %dma_start3A_206 = arith.constant 0 : i32
        %dma_start3A_207 = tpu.memref_slice %arg17[%add3A_105, %dma_start3A_206] : memref<16x2048xf32, #tpu.memory_space<vmem_shared>> -> memref<1x2048xf32, #tpu.memory_space<vmem_shared>>
        %dma_start3A_208 = tpu.memref_squeeze %dma_start3A_207 : memref<1x2048xf32, #tpu.memory_space<vmem_shared>> -> memref<2048xf32, #tpu.memory_space<vmem_shared>>
        tpu.enqueue_dma source(%dma_start3A_208 : memref<2048xf32, #tpu.memory_space<vmem_shared>>) target(%arg13 : memref<2048xf32, #tpu.memory_space<vmem>>) target_semaphore(%run_scoped3A : memref<!tpu.dma_semaphore, #tpu.memory_space<semaphore_mem>>)
        %dma_wait3A = arith.constant 0 : i32
        %dma_wait3A_209 = tpu.memref_slice %arg17[%add3A_105, %dma_wait3A] : memref<16x2048xf32, #tpu.memory_space<vmem_shared>> -> memref<1x2048xf32, #tpu.memory_space<vmem_shared>>
        %dma_wait3A_210 = tpu.memref_squeeze %dma_wait3A_209 : memref<1x2048xf32, #tpu.memory_space<vmem_shared>> -> memref<2048xf32, #tpu.memory_space<vmem_shared>>
        %dma_wait3A_211 = arith.constant 0 : i32
        %dma_wait3A_212 = tpu.memref_slice %arg17[%add3A_105, %dma_wait3A_211] : memref<16x2048xf32, #tpu.memory_space<vmem_shared>> -> memref<1x2048xf32, #tpu.memory_space<vmem_shared>>
        %dma_wait3A_213 = tpu.memref_squeeze %dma_wait3A_212 : memref<1x2048xf32, #tpu.memory_space<vmem_shared>> -> memref<2048xf32, #tpu.memory_space<vmem_shared>>
        tpu.wait_dma2 semaphore(%run_scoped3A : memref<!tpu.dma_semaphore, #tpu.memory_space<semaphore_mem>>) src(%dma_wait3A_213 : memref<2048xf32, #tpu.memory_space<vmem_shared>>) dst(%arg13 : memref<2048xf32, #tpu.memory_space<vmem>>)
        tpu.yield
      }) : () -> ()
      %scan3A_106 = arith.constant 0 : i32
      %scan3A_107 = arith.constant 0 : i32
      %scan3A_108 = arith.constant 128 : i32
      %scan3A_109 = arith.addi %scan3A_107, %scan3A_108 : i32
      %scan3A_110 = arith.constant 1 : i32
      %scan3A_111 = scf.for %scan3A_204 = %scan3A_107 to %scan3A_109 step %scan3A_110 iter_args(%scan3A_205 = %scan3A_106) -> (i32)  : i32 {
        %mul3A_206 = arith.constant 16 : i32
        %mul3A_207 = arith.muli %scan3A_204, %mul3A_206 : i32
        %get3A = arith.index_cast %mul3A_207 : i32 to index
        %get3A_208 = tpu.vector_load %arg12[%get3A] {strides = array<i32>} : memref<2048xf32, #tpu.memory_space<vmem>>, vector<16xf32>,
        %mul3A_209 = arith.constant 16 : i32
        %mul3A_210 = arith.muli %scan3A_204, %mul3A_209 : i32
        %get3A_211 = arith.index_cast %mul3A_210 : i32 to index
        %get3A_212 = tpu.vector_load %arg13[%get3A_211] {strides = array<i32>} : memref<2048xf32, #tpu.memory_space<vmem>>, vector<16xf32>,
        %min3A = arith.minimumf %get3A_208, %get3A_212 : vector<16xf32>
        %mul3A_213 = arith.constant 16 : i32
        %mul3A_214 = arith.muli %scan3A_204, %mul3A_213 : i32
        %swap3A_215 = arith.index_cast %mul3A_214 : i32 to index
        %swap3A_216 = tpu.vector_load %arg12[%swap3A_215] {strides = array<i32>} : memref<2048xf32, #tpu.memory_space<vmem>>, vector<16xf32>,
        tpu.vector_store %arg12[%swap3A_215], %min3A {strides = array<i32>} : memref<2048xf32, #tpu.memory_space<vmem>>, vector<16xf32>,
        %scan3A_217 = arith.constant 0 : i32
        scf.yield %scan3A_217 : i32
      }
      %scan3A_112 = arith.constant 128 : i32
      %add3A_113 = arith.constant 7 : i32
      %add3A_114 = arith.addi %arg1, %add3A_113 : i32
      "tpu.region"() ({
        %run_scoped3A = tpu.sem_alloc : memref<!tpu.dma_semaphore, #tpu.memory_space<semaphore_mem>>
        %dma_start3A = arith.constant 0 : i32
        %dma_start3A_204 = tpu.memref_slice %arg17[%add3A_114, %dma_start3A] : memref<16x2048xf32, #tpu.memory_space<vmem_shared>> -> memref<1x2048xf32, #tpu.memory_space<vmem_shared>>
        %dma_start3A_205 = tpu.memref_squeeze %dma_start3A_204 : memref<1x2048xf32, #tpu.memory_space<vmem_shared>> -> memref<2048xf32, #tpu.memory_space<vmem_shared>>
        %dma_start3A_206 = arith.constant 0 : i32
        %dma_start3A_207 = tpu.memref_slice %arg17[%add3A_114, %dma_start3A_206] : memref<16x2048xf32, #tpu.memory_space<vmem_shared>> -> memref<1x2048xf32, #tpu.memory_space<vmem_shared>>
        %dma_start3A_208 = tpu.memref_squeeze %dma_start3A_207 : memref<1x2048xf32, #tpu.memory_space<vmem_shared>> -> memref<2048xf32, #tpu.memory_space<vmem_shared>>
        tpu.enqueue_dma source(%dma_start3A_208 : memref<2048xf32, #tpu.memory_space<vmem_shared>>) target(%arg13 : memref<2048xf32, #tpu.memory_space<vmem>>) target_semaphore(%run_scoped3A : memref<!tpu.dma_semaphore, #tpu.memory_space<semaphore_mem>>)
        %dma_wait3A = arith.constant 0 : i32
        %dma_wait3A_209 = tpu.memref_slice %arg17[%add3A_114, %dma_wait3A] : memref<16x2048xf32, #tpu.memory_space<vmem_shared>> -> memref<1x2048xf32, #tpu.memory_space<vmem_shared>>
        %dma_wait3A_210 = tpu.memref_squeeze %dma_wait3A_209 : memref<1x2048xf32, #tpu.memory_space<vmem_shared>> -> memref<2048xf32, #tpu.memory_space<vmem_shared>>
        %dma_wait3A_211 = arith.constant 0 : i32
        %dma_wait3A_212 = tpu.memref_slice %arg17[%add3A_114, %dma_wait3A_211] : memref<16x2048xf32, #tpu.memory_space<vmem_shared>> -> memref<1x2048xf32, #tpu.memory_space<vmem_shared>>
        %dma_wait3A_213 = tpu.memref_squeeze %dma_wait3A_212 : memref<1x2048xf32, #tpu.memory_space<vmem_shared>> -> memref<2048xf32, #tpu.memory_space<vmem_shared>>
        tpu.wait_dma2 semaphore(%run_scoped3A : memref<!tpu.dma_semaphore, #tpu.memory_space<semaphore_mem>>) src(%dma_wait3A_213 : memref<2048xf32, #tpu.memory_space<vmem_shared>>) dst(%arg13 : memref<2048xf32, #tpu.memory_space<vmem>>)
        tpu.yield
      }) : () -> ()
      %scan3A_115 = arith.constant 0 : i32
      %scan3A_116 = arith.constant 0 : i32
      %scan3A_117 = arith.constant 128 : i32
      %scan3A_118 = arith.addi %scan3A_116, %scan3A_117 : i32
      %scan3A_119 = arith.constant 1 : i32
      %scan3A_120 = scf.for %scan3A_204 = %scan3A_116 to %scan3A_118 step %scan3A_119 iter_args(%scan3A_205 = %scan3A_115) -> (i32)  : i32 {
        %mul3A_206 = arith.constant 16 : i32
        %mul3A_207 = arith.muli %scan3A_204, %mul3A_206 : i32
        %get3A = arith.index_cast %mul3A_207 : i32 to index
        %get3A_208 = tpu.vector_load %arg12[%get3A] {strides = array<i32>} : memref<2048xf32, #tpu.memory_space<vmem>>, vector<16xf32>,
        %mul3A_209 = arith.constant 16 : i32
        %mul3A_210 = arith.muli %scan3A_204, %mul3A_209 : i32
        %get3A_211 = arith.index_cast %mul3A_210 : i32 to index
        %get3A_212 = tpu.vector_load %arg13[%get3A_211] {strides = array<i32>} : memref<2048xf32, #tpu.memory_space<vmem>>, vector<16xf32>,
        %min3A = arith.minimumf %get3A_208, %get3A_212 : vector<16xf32>
        %mul3A_213 = arith.constant 16 : i32
        %mul3A_214 = arith.muli %scan3A_204, %mul3A_213 : i32
        %swap3A_215 = arith.index_cast %mul3A_214 : i32 to index
        %swap3A_216 = tpu.vector_load %arg12[%swap3A_215] {strides = array<i32>} : memref<2048xf32, #tpu.memory_space<vmem>>, vector<16xf32>,
        tpu.vector_store %arg12[%swap3A_215], %min3A {strides = array<i32>} : memref<2048xf32, #tpu.memory_space<vmem>>, vector<16xf32>,
        %scan3A_217 = arith.constant 0 : i32
        scf.yield %scan3A_217 : i32
      }
      %scan3A_121 = arith.constant 128 : i32
      %add3A_122 = arith.constant 8 : i32
      %add3A_123 = arith.addi %arg1, %add3A_122 : i32
      "tpu.region"() ({
        %run_scoped3A = tpu.sem_alloc : memref<!tpu.dma_semaphore, #tpu.memory_space<semaphore_mem>>
        %dma_start3A = arith.constant 0 : i32
        %dma_start3A_204 = tpu.memref_slice %arg17[%add3A_123, %dma_start3A] : memref<16x2048xf32, #tpu.memory_space<vmem_shared>> -> memref<1x2048xf32, #tpu.memory_space<vmem_shared>>
        %dma_start3A_205 = tpu.memref_squeeze %dma_start3A_204 : memref<1x2048xf32, #tpu.memory_space<vmem_shared>> -> memref<2048xf32, #tpu.memory_space<vmem_shared>>
        %dma_start3A_206 = arith.constant 0 : i32
        %dma_start3A_207 = tpu.memref_slice %arg17[%add3A_123, %dma_start3A_206] : memref<16x2048xf32, #tpu.memory_space<vmem_shared>> -> memref<1x2048xf32, #tpu.memory_space<vmem_shared>>
        %dma_start3A_208 = tpu.memref_squeeze %dma_start3A_207 : memref<1x2048xf32, #tpu.memory_space<vmem_shared>> -> memref<2048xf32, #tpu.memory_space<vmem_shared>>
        tpu.enqueue_dma source(%dma_start3A_208 : memref<2048xf32, #tpu.memory_space<vmem_shared>>) target(%arg13 : memref<2048xf32, #tpu.memory_space<vmem>>) target_semaphore(%run_scoped3A : memref<!tpu.dma_semaphore, #tpu.memory_space<semaphore_mem>>)
        %dma_wait3A = arith.constant 0 : i32
        %dma_wait3A_209 = tpu.memref_slice %arg17[%add3A_123, %dma_wait3A] : memref<16x2048xf32, #tpu.memory_space<vmem_shared>> -> memref<1x2048xf32, #tpu.memory_space<vmem_shared>>
        %dma_wait3A_210 = tpu.memref_squeeze %dma_wait3A_209 : memref<1x2048xf32, #tpu.memory_space<vmem_shared>> -> memref<2048xf32, #tpu.memory_space<vmem_shared>>
        %dma_wait3A_211 = arith.constant 0 : i32
        %dma_wait3A_212 = tpu.memref_slice %arg17[%add3A_123, %dma_wait3A_211] : memref<16x2048xf32, #tpu.memory_space<vmem_shared>> -> memref<1x2048xf32, #tpu.memory_space<vmem_shared>>
        %dma_wait3A_213 = tpu.memref_squeeze %dma_wait3A_212 : memref<1x2048xf32, #tpu.memory_space<vmem_shared>> -> memref<2048xf32, #tpu.memory_space<vmem_shared>>
        tpu.wait_dma2 semaphore(%run_scoped3A : memref<!tpu.dma_semaphore, #tpu.memory_space<semaphore_mem>>) src(%dma_wait3A_213 : memref<2048xf32, #tpu.memory_space<vmem_shared>>) dst(%arg13 : memref<2048xf32, #tpu.memory_space<vmem>>)
        tpu.yield
      }) : () -> ()
      %scan3A_124 = arith.constant 0 : i32
      %scan3A_125 = arith.constant 0 : i32
      %scan3A_126 = arith.constant 128 : i32
      %scan3A_127 = arith.addi %scan3A_125, %scan3A_126 : i32
      %scan3A_128 = arith.constant 1 : i32
      %scan3A_129 = scf.for %scan3A_204 = %scan3A_125 to %scan3A_127 step %scan3A_128 iter_args(%scan3A_205 = %scan3A_124) -> (i32)  : i32 {
        %mul3A_206 = arith.constant 16 : i32
        %mul3A_207 = arith.muli %scan3A_204, %mul3A_206 : i32
        %get3A = arith.index_cast %mul3A_207 : i32 to index
        %get3A_208 = tpu.vector_load %arg12[%get3A] {strides = array<i32>} : memref<2048xf32, #tpu.memory_space<vmem>>, vector<16xf32>,
        %mul3A_209 = arith.constant 16 : i32
        %mul3A_210 = arith.muli %scan3A_204, %mul3A_209 : i32
        %get3A_211 = arith.index_cast %mul3A_210 : i32 to index
        %get3A_212 = tpu.vector_load %arg13[%get3A_211] {strides = array<i32>} : memref<2048xf32, #tpu.memory_space<vmem>>, vector<16xf32>,
        %min3A = arith.minimumf %get3A_208, %get3A_212 : vector<16xf32>
        %mul3A_213 = arith.constant 16 : i32
        %mul3A_214 = arith.muli %scan3A_204, %mul3A_213 : i32
        %swap3A_215 = arith.index_cast %mul3A_214 : i32 to index
        %swap3A_216 = tpu.vector_load %arg12[%swap3A_215] {strides = array<i32>} : memref<2048xf32, #tpu.memory_space<vmem>>, vector<16xf32>,
        tpu.vector_store %arg12[%swap3A_215], %min3A {strides = array<i32>} : memref<2048xf32, #tpu.memory_space<vmem>>, vector<16xf32>,
        %scan3A_217 = arith.constant 0 : i32
        scf.yield %scan3A_217 : i32
      }
      %scan3A_130 = arith.constant 128 : i32
      %add3A_131 = arith.constant 9 : i32
      %add3A_132 = arith.addi %arg1, %add3A_131 : i32
      "tpu.region"() ({
        %run_scoped3A = tpu.sem_alloc : memref<!tpu.dma_semaphore, #tpu.memory_space<semaphore_mem>>
        %dma_start3A = arith.constant 0 : i32
        %dma_start3A_204 = tpu.memref_slice %arg17[%add3A_132, %dma_start3A] : memref<16x2048xf32, #tpu.memory_space<vmem_shared>> -> memref<1x2048xf32, #tpu.memory_space<vmem_shared>>
        %dma_start3A_205 = tpu.memref_squeeze %dma_start3A_204 : memref<1x2048xf32, #tpu.memory_space<vmem_shared>> -> memref<2048xf32, #tpu.memory_space<vmem_shared>>
        %dma_start3A_206 = arith.constant 0 : i32
        %dma_start3A_207 = tpu.memref_slice %arg17[%add3A_132, %dma_start3A_206] : memref<16x2048xf32, #tpu.memory_space<vmem_shared>> -> memref<1x2048xf32, #tpu.memory_space<vmem_shared>>
        %dma_start3A_208 = tpu.memref_squeeze %dma_start3A_207 : memref<1x2048xf32, #tpu.memory_space<vmem_shared>> -> memref<2048xf32, #tpu.memory_space<vmem_shared>>
        tpu.enqueue_dma source(%dma_start3A_208 : memref<2048xf32, #tpu.memory_space<vmem_shared>>) target(%arg13 : memref<2048xf32, #tpu.memory_space<vmem>>) target_semaphore(%run_scoped3A : memref<!tpu.dma_semaphore, #tpu.memory_space<semaphore_mem>>)
        %dma_wait3A = arith.constant 0 : i32
        %dma_wait3A_209 = tpu.memref_slice %arg17[%add3A_132, %dma_wait3A] : memref<16x2048xf32, #tpu.memory_space<vmem_shared>> -> memref<1x2048xf32, #tpu.memory_space<vmem_shared>>
        %dma_wait3A_210 = tpu.memref_squeeze %dma_wait3A_209 : memref<1x2048xf32, #tpu.memory_space<vmem_shared>> -> memref<2048xf32, #tpu.memory_space<vmem_shared>>
        %dma_wait3A_211 = arith.constant 0 : i32
        %dma_wait3A_212 = tpu.memref_slice %arg17[%add3A_132, %dma_wait3A_211] : memref<16x2048xf32, #tpu.memory_space<vmem_shared>> -> memref<1x2048xf32, #tpu.memory_space<vmem_shared>>
        %dma_wait3A_213 = tpu.memref_squeeze %dma_wait3A_212 : memref<1x2048xf32, #tpu.memory_space<vmem_shared>> -> memref<2048xf32, #tpu.memory_space<vmem_shared>>
        tpu.wait_dma2 semaphore(%run_scoped3A : memref<!tpu.dma_semaphore, #tpu.memory_space<semaphore_mem>>) src(%dma_wait3A_213 : memref<2048xf32, #tpu.memory_space<vmem_shared>>) dst(%arg13 : memref<2048xf32, #tpu.memory_space<vmem>>)
        tpu.yield
      }) : () -> ()
      %scan3A_133 = arith.constant 0 : i32
      %scan3A_134 = arith.constant 0 : i32
      %scan3A_135 = arith.constant 128 : i32
      %scan3A_136 = arith.addi %scan3A_134, %scan3A_135 : i32
      %scan3A_137 = arith.constant 1 : i32
      %scan3A_138 = scf.for %scan3A_204 = %scan3A_134 to %scan3A_136 step %scan3A_137 iter_args(%scan3A_205 = %scan3A_133) -> (i32)  : i32 {
        %mul3A_206 = arith.constant 16 : i32
        %mul3A_207 = arith.muli %scan3A_204, %mul3A_206 : i32
        %get3A = arith.index_cast %mul3A_207 : i32 to index
        %get3A_208 = tpu.vector_load %arg12[%get3A] {strides = array<i32>} : memref<2048xf32, #tpu.memory_space<vmem>>, vector<16xf32>,
        %mul3A_209 = arith.constant 16 : i32
        %mul3A_210 = arith.muli %scan3A_204, %mul3A_209 : i32
        %get3A_211 = arith.index_cast %mul3A_210 : i32 to index
        %get3A_212 = tpu.vector_load %arg13[%get3A_211] {strides = array<i32>} : memref<2048xf32, #tpu.memory_space<vmem>>, vector<16xf32>,
        %min3A = arith.minimumf %get3A_208, %get3A_212 : vector<16xf32>
        %mul3A_213 = arith.constant 16 : i32
        %mul3A_214 = arith.muli %scan3A_204, %mul3A_213 : i32
        %swap3A_215 = arith.index_cast %mul3A_214 : i32 to index
        %swap3A_216 = tpu.vector_load %arg12[%swap3A_215] {strides = array<i32>} : memref<2048xf32, #tpu.memory_space<vmem>>, vector<16xf32>,
        tpu.vector_store %arg12[%swap3A_215], %min3A {strides = array<i32>} : memref<2048xf32, #tpu.memory_space<vmem>>, vector<16xf32>,
        %scan3A_217 = arith.constant 0 : i32
        scf.yield %scan3A_217 : i32
      }
      %scan3A_139 = arith.constant 128 : i32
      %add3A_140 = arith.constant 10 : i32
      %add3A_141 = arith.addi %arg1, %add3A_140 : i32
      "tpu.region"() ({
        %run_scoped3A = tpu.sem_alloc : memref<!tpu.dma_semaphore, #tpu.memory_space<semaphore_mem>>
        %dma_start3A = arith.constant 0 : i32
        %dma_start3A_204 = tpu.memref_slice %arg17[%add3A_141, %dma_start3A] : memref<16x2048xf32, #tpu.memory_space<vmem_shared>> -> memref<1x2048xf32, #tpu.memory_space<vmem_shared>>
        %dma_start3A_205 = tpu.memref_squeeze %dma_start3A_204 : memref<1x2048xf32, #tpu.memory_space<vmem_shared>> -> memref<2048xf32, #tpu.memory_space<vmem_shared>>
        %dma_start3A_206 = arith.constant 0 : i32
        %dma_start3A_207 = tpu.memref_slice %arg17[%add3A_141, %dma_start3A_206] : memref<16x2048xf32, #tpu.memory_space<vmem_shared>> -> memref<1x2048xf32, #tpu.memory_space<vmem_shared>>
        %dma_start3A_208 = tpu.memref_squeeze %dma_start3A_207 : memref<1x2048xf32, #tpu.memory_space<vmem_shared>> -> memref<2048xf32, #tpu.memory_space<vmem_shared>>
        tpu.enqueue_dma source(%dma_start3A_208 : memref<2048xf32, #tpu.memory_space<vmem_shared>>) target(%arg13 : memref<2048xf32, #tpu.memory_space<vmem>>) target_semaphore(%run_scoped3A : memref<!tpu.dma_semaphore, #tpu.memory_space<semaphore_mem>>)
        %dma_wait3A = arith.constant 0 : i32
        %dma_wait3A_209 = tpu.memref_slice %arg17[%add3A_141, %dma_wait3A] : memref<16x2048xf32, #tpu.memory_space<vmem_shared>> -> memref<1x2048xf32, #tpu.memory_space<vmem_shared>>
        %dma_wait3A_210 = tpu.memref_squeeze %dma_wait3A_209 : memref<1x2048xf32, #tpu.memory_space<vmem_shared>> -> memref<2048xf32, #tpu.memory_space<vmem_shared>>
        %dma_wait3A_211 = arith.constant 0 : i32
        %dma_wait3A_212 = tpu.memref_slice %arg17[%add3A_141, %dma_wait3A_211] : memref<16x2048xf32, #tpu.memory_space<vmem_shared>> -> memref<1x2048xf32, #tpu.memory_space<vmem_shared>>
        %dma_wait3A_213 = tpu.memref_squeeze %dma_wait3A_212 : memref<1x2048xf32, #tpu.memory_space<vmem_shared>> -> memref<2048xf32, #tpu.memory_space<vmem_shared>>
        tpu.wait_dma2 semaphore(%run_scoped3A : memref<!tpu.dma_semaphore, #tpu.memory_space<semaphore_mem>>) src(%dma_wait3A_213 : memref<2048xf32, #tpu.memory_space<vmem_shared>>) dst(%arg13 : memref<2048xf32, #tpu.memory_space<vmem>>)
        tpu.yield
      }) : () -> ()
      %scan3A_142 = arith.constant 0 : i32
      %scan3A_143 = arith.constant 0 : i32
      %scan3A_144 = arith.constant 128 : i32
      %scan3A_145 = arith.addi %scan3A_143, %scan3A_144 : i32
      %scan3A_146 = arith.constant 1 : i32
      %scan3A_147 = scf.for %scan3A_204 = %scan3A_143 to %scan3A_145 step %scan3A_146 iter_args(%scan3A_205 = %scan3A_142) -> (i32)  : i32 {
        %mul3A_206 = arith.constant 16 : i32
        %mul3A_207 = arith.muli %scan3A_204, %mul3A_206 : i32
        %get3A = arith.index_cast %mul3A_207 : i32 to index
        %get3A_208 = tpu.vector_load %arg12[%get3A] {strides = array<i32>} : memref<2048xf32, #tpu.memory_space<vmem>>, vector<16xf32>,
        %mul3A_209 = arith.constant 16 : i32
        %mul3A_210 = arith.muli %scan3A_204, %mul3A_209 : i32
        %get3A_211 = arith.index_cast %mul3A_210 : i32 to index
        %get3A_212 = tpu.vector_load %arg13[%get3A_211] {strides = array<i32>} : memref<2048xf32, #tpu.memory_space<vmem>>, vector<16xf32>,
        %min3A = arith.minimumf %get3A_208, %get3A_212 : vector<16xf32>
        %mul3A_213 = arith.constant 16 : i32
        %mul3A_214 = arith.muli %scan3A_204, %mul3A_213 : i32
        %swap3A_215 = arith.index_cast %mul3A_214 : i32 to index
        %swap3A_216 = tpu.vector_load %arg12[%swap3A_215] {strides = array<i32>} : memref<2048xf32, #tpu.memory_space<vmem>>, vector<16xf32>,
        tpu.vector_store %arg12[%swap3A_215], %min3A {strides = array<i32>} : memref<2048xf32, #tpu.memory_space<vmem>>, vector<16xf32>,
        %scan3A_217 = arith.constant 0 : i32
        scf.yield %scan3A_217 : i32
      }
      %scan3A_148 = arith.constant 128 : i32
      %add3A_149 = arith.constant 11 : i32
      %add3A_150 = arith.addi %arg1, %add3A_149 : i32
      "tpu.region"() ({
        %run_scoped3A = tpu.sem_alloc : memref<!tpu.dma_semaphore, #tpu.memory_space<semaphore_mem>>
        %dma_start3A = arith.constant 0 : i32
        %dma_start3A_204 = tpu.memref_slice %arg17[%add3A_150, %dma_start3A] : memref<16x2048xf32, #tpu.memory_space<vmem_shared>> -> memref<1x2048xf32, #tpu.memory_space<vmem_shared>>
        %dma_start3A_205 = tpu.memref_squeeze %dma_start3A_204 : memref<1x2048xf32, #tpu.memory_space<vmem_shared>> -> memref<2048xf32, #tpu.memory_space<vmem_shared>>
        %dma_start3A_206 = arith.constant 0 : i32
        %dma_start3A_207 = tpu.memref_slice %arg17[%add3A_150, %dma_start3A_206] : memref<16x2048xf32, #tpu.memory_space<vmem_shared>> -> memref<1x2048xf32, #tpu.memory_space<vmem_shared>>
        %dma_start3A_208 = tpu.memref_squeeze %dma_start3A_207 : memref<1x2048xf32, #tpu.memory_space<vmem_shared>> -> memref<2048xf32, #tpu.memory_space<vmem_shared>>
        tpu.enqueue_dma source(%dma_start3A_208 : memref<2048xf32, #tpu.memory_space<vmem_shared>>) target(%arg13 : memref<2048xf32, #tpu.memory_space<vmem>>) target_semaphore(%run_scoped3A : memref<!tpu.dma_semaphore, #tpu.memory_space<semaphore_mem>>)
        %dma_wait3A = arith.constant 0 : i32
        %dma_wait3A_209 = tpu.memref_slice %arg17[%add3A_150, %dma_wait3A] : memref<16x2048xf32, #tpu.memory_space<vmem_shared>> -> memref<1x2048xf32, #tpu.memory_space<vmem_shared>>
        %dma_wait3A_210 = tpu.memref_squeeze %dma_wait3A_209 : memref<1x2048xf32, #tpu.memory_space<vmem_shared>> -> memref<2048xf32, #tpu.memory_space<vmem_shared>>
        %dma_wait3A_211 = arith.constant 0 : i32
        %dma_wait3A_212 = tpu.memref_slice %arg17[%add3A_150, %dma_wait3A_211] : memref<16x2048xf32, #tpu.memory_space<vmem_shared>> -> memref<1x2048xf32, #tpu.memory_space<vmem_shared>>
        %dma_wait3A_213 = tpu.memref_squeeze %dma_wait3A_212 : memref<1x2048xf32, #tpu.memory_space<vmem_shared>> -> memref<2048xf32, #tpu.memory_space<vmem_shared>>
        tpu.wait_dma2 semaphore(%run_scoped3A : memref<!tpu.dma_semaphore, #tpu.memory_space<semaphore_mem>>) src(%dma_wait3A_213 : memref<2048xf32, #tpu.memory_space<vmem_shared>>) dst(%arg13 : memref<2048xf32, #tpu.memory_space<vmem>>)
        tpu.yield
      }) : () -> ()
      %scan3A_151 = arith.constant 0 : i32
      %scan3A_152 = arith.constant 0 : i32
      %scan3A_153 = arith.constant 128 : i32
      %scan3A_154 = arith.addi %scan3A_152, %scan3A_153 : i32
      %scan3A_155 = arith.constant 1 : i32
      %scan3A_156 = scf.for %scan3A_204 = %scan3A_152 to %scan3A_154 step %scan3A_155 iter_args(%scan3A_205 = %scan3A_151) -> (i32)  : i32 {
        %mul3A_206 = arith.constant 16 : i32
        %mul3A_207 = arith.muli %scan3A_204, %mul3A_206 : i32
        %get3A = arith.index_cast %mul3A_207 : i32 to index
        %get3A_208 = tpu.vector_load %arg12[%get3A] {strides = array<i32>} : memref<2048xf32, #tpu.memory_space<vmem>>, vector<16xf32>,
        %mul3A_209 = arith.constant 16 : i32
        %mul3A_210 = arith.muli %scan3A_204, %mul3A_209 : i32
        %get3A_211 = arith.index_cast %mul3A_210 : i32 to index
        %get3A_212 = tpu.vector_load %arg13[%get3A_211] {strides = array<i32>} : memref<2048xf32, #tpu.memory_space<vmem>>, vector<16xf32>,
        %min3A = arith.minimumf %get3A_208, %get3A_212 : vector<16xf32>
        %mul3A_213 = arith.constant 16 : i32
        %mul3A_214 = arith.muli %scan3A_204, %mul3A_213 : i32
        %swap3A_215 = arith.index_cast %mul3A_214 : i32 to index
        %swap3A_216 = tpu.vector_load %arg12[%swap3A_215] {strides = array<i32>} : memref<2048xf32, #tpu.memory_space<vmem>>, vector<16xf32>,
        tpu.vector_store %arg12[%swap3A_215], %min3A {strides = array<i32>} : memref<2048xf32, #tpu.memory_space<vmem>>, vector<16xf32>,
        %scan3A_217 = arith.constant 0 : i32
        scf.yield %scan3A_217 : i32
      }
      %scan3A_157 = arith.constant 128 : i32
      %add3A_158 = arith.constant 12 : i32
      %add3A_159 = arith.addi %arg1, %add3A_158 : i32
      "tpu.region"() ({
        %run_scoped3A = tpu.sem_alloc : memref<!tpu.dma_semaphore, #tpu.memory_space<semaphore_mem>>
        %dma_start3A = arith.constant 0 : i32
        %dma_start3A_204 = tpu.memref_slice %arg17[%add3A_159, %dma_start3A] : memref<16x2048xf32, #tpu.memory_space<vmem_shared>> -> memref<1x2048xf32, #tpu.memory_space<vmem_shared>>
        %dma_start3A_205 = tpu.memref_squeeze %dma_start3A_204 : memref<1x2048xf32, #tpu.memory_space<vmem_shared>> -> memref<2048xf32, #tpu.memory_space<vmem_shared>>
        %dma_start3A_206 = arith.constant 0 : i32
        %dma_start3A_207 = tpu.memref_slice %arg17[%add3A_159, %dma_start3A_206] : memref<16x2048xf32, #tpu.memory_space<vmem_shared>> -> memref<1x2048xf32, #tpu.memory_space<vmem_shared>>
        %dma_start3A_208 = tpu.memref_squeeze %dma_start3A_207 : memref<1x2048xf32, #tpu.memory_space<vmem_shared>> -> memref<2048xf32, #tpu.memory_space<vmem_shared>>
        tpu.enqueue_dma source(%dma_start3A_208 : memref<2048xf32, #tpu.memory_space<vmem_shared>>) target(%arg13 : memref<2048xf32, #tpu.memory_space<vmem>>) target_semaphore(%run_scoped3A : memref<!tpu.dma_semaphore, #tpu.memory_space<semaphore_mem>>)
        %dma_wait3A = arith.constant 0 : i32
        %dma_wait3A_209 = tpu.memref_slice %arg17[%add3A_159, %dma_wait3A] : memref<16x2048xf32, #tpu.memory_space<vmem_shared>> -> memref<1x2048xf32, #tpu.memory_space<vmem_shared>>
        %dma_wait3A_210 = tpu.memref_squeeze %dma_wait3A_209 : memref<1x2048xf32, #tpu.memory_space<vmem_shared>> -> memref<2048xf32, #tpu.memory_space<vmem_shared>>
        %dma_wait3A_211 = arith.constant 0 : i32
        %dma_wait3A_212 = tpu.memref_slice %arg17[%add3A_159, %dma_wait3A_211] : memref<16x2048xf32, #tpu.memory_space<vmem_shared>> -> memref<1x2048xf32, #tpu.memory_space<vmem_shared>>
        %dma_wait3A_213 = tpu.memref_squeeze %dma_wait3A_212 : memref<1x2048xf32, #tpu.memory_space<vmem_shared>> -> memref<2048xf32, #tpu.memory_space<vmem_shared>>
        tpu.wait_dma2 semaphore(%run_scoped3A : memref<!tpu.dma_semaphore, #tpu.memory_space<semaphore_mem>>) src(%dma_wait3A_213 : memref<2048xf32, #tpu.memory_space<vmem_shared>>) dst(%arg13 : memref<2048xf32, #tpu.memory_space<vmem>>)
        tpu.yield
      }) : () -> ()
      %scan3A_160 = arith.constant 0 : i32
      %scan3A_161 = arith.constant 0 : i32
      %scan3A_162 = arith.constant 128 : i32
      %scan3A_163 = arith.addi %scan3A_161, %scan3A_162 : i32
      %scan3A_164 = arith.constant 1 : i32
      %scan3A_165 = scf.for %scan3A_204 = %scan3A_161 to %scan3A_163 step %scan3A_164 iter_args(%scan3A_205 = %scan3A_160) -> (i32)  : i32 {
        %mul3A_206 = arith.constant 16 : i32
        %mul3A_207 = arith.muli %scan3A_204, %mul3A_206 : i32
        %get3A = arith.index_cast %mul3A_207 : i32 to index
        %get3A_208 = tpu.vector_load %arg12[%get3A] {strides = array<i32>} : memref<2048xf32, #tpu.memory_space<vmem>>, vector<16xf32>,
        %mul3A_209 = arith.constant 16 : i32
        %mul3A_210 = arith.muli %scan3A_204, %mul3A_209 : i32
        %get3A_211 = arith.index_cast %mul3A_210 : i32 to index
        %get3A_212 = tpu.vector_load %arg13[%get3A_211] {strides = array<i32>} : memref<2048xf32, #tpu.memory_space<vmem>>, vector<16xf32>,
        %min3A = arith.minimumf %get3A_208, %get3A_212 : vector<16xf32>
        %mul3A_213 = arith.constant 16 : i32
        %mul3A_214 = arith.muli %scan3A_204, %mul3A_213 : i32
        %swap3A_215 = arith.index_cast %mul3A_214 : i32 to index
        %swap3A_216 = tpu.vector_load %arg12[%swap3A_215] {strides = array<i32>} : memref<2048xf32, #tpu.memory_space<vmem>>, vector<16xf32>,
        tpu.vector_store %arg12[%swap3A_215], %min3A {strides = array<i32>} : memref<2048xf32, #tpu.memory_space<vmem>>, vector<16xf32>,
        %scan3A_217 = arith.constant 0 : i32
        scf.yield %scan3A_217 : i32
      }
      %scan3A_166 = arith.constant 128 : i32
      %add3A_167 = arith.constant 13 : i32
      %add3A_168 = arith.addi %arg1, %add3A_167 : i32
      "tpu.region"() ({
        %run_scoped3A = tpu.sem_alloc : memref<!tpu.dma_semaphore, #tpu.memory_space<semaphore_mem>>
        %dma_start3A = arith.constant 0 : i32
        %dma_start3A_204 = tpu.memref_slice %arg17[%add3A_168, %dma_start3A] : memref<16x2048xf32, #tpu.memory_space<vmem_shared>> -> memref<1x2048xf32, #tpu.memory_space<vmem_shared>>
        %dma_start3A_205 = tpu.memref_squeeze %dma_start3A_204 : memref<1x2048xf32, #tpu.memory_space<vmem_shared>> -> memref<2048xf32, #tpu.memory_space<vmem_shared>>
        %dma_start3A_206 = arith.constant 0 : i32
        %dma_start3A_207 = tpu.memref_slice %arg17[%add3A_168, %dma_start3A_206] : memref<16x2048xf32, #tpu.memory_space<vmem_shared>> -> memref<1x2048xf32, #tpu.memory_space<vmem_shared>>
        %dma_start3A_208 = tpu.memref_squeeze %dma_start3A_207 : memref<1x2048xf32, #tpu.memory_space<vmem_shared>> -> memref<2048xf32, #tpu.memory_space<vmem_shared>>
        tpu.enqueue_dma source(%dma_start3A_208 : memref<2048xf32, #tpu.memory_space<vmem_shared>>) target(%arg13 : memref<2048xf32, #tpu.memory_space<vmem>>) target_semaphore(%run_scoped3A : memref<!tpu.dma_semaphore, #tpu.memory_space<semaphore_mem>>)
        %dma_wait3A = arith.constant 0 : i32
        %dma_wait3A_209 = tpu.memref_slice %arg17[%add3A_168, %dma_wait3A] : memref<16x2048xf32, #tpu.memory_space<vmem_shared>> -> memref<1x2048xf32, #tpu.memory_space<vmem_shared>>
        %dma_wait3A_210 = tpu.memref_squeeze %dma_wait3A_209 : memref<1x2048xf32, #tpu.memory_space<vmem_shared>> -> memref<2048xf32, #tpu.memory_space<vmem_shared>>
        %dma_wait3A_211 = arith.constant 0 : i32
        %dma_wait3A_212 = tpu.memref_slice %arg17[%add3A_168, %dma_wait3A_211] : memref<16x2048xf32, #tpu.memory_space<vmem_shared>> -> memref<1x2048xf32, #tpu.memory_space<vmem_shared>>
        %dma_wait3A_213 = tpu.memref_squeeze %dma_wait3A_212 : memref<1x2048xf32, #tpu.memory_space<vmem_shared>> -> memref<2048xf32, #tpu.memory_space<vmem_shared>>
        tpu.wait_dma2 semaphore(%run_scoped3A : memref<!tpu.dma_semaphore, #tpu.memory_space<semaphore_mem>>) src(%dma_wait3A_213 : memref<2048xf32, #tpu.memory_space<vmem_shared>>) dst(%arg13 : memref<2048xf32, #tpu.memory_space<vmem>>)
        tpu.yield
      }) : () -> ()
      %scan3A_169 = arith.constant 0 : i32
      %scan3A_170 = arith.constant 0 : i32
      %scan3A_171 = arith.constant 128 : i32
      %scan3A_172 = arith.addi %scan3A_170, %scan3A_171 : i32
      %scan3A_173 = arith.constant 1 : i32
      %scan3A_174 = scf.for %scan3A_204 = %scan3A_170 to %scan3A_172 step %scan3A_173 iter_args(%scan3A_205 = %scan3A_169) -> (i32)  : i32 {
        %mul3A_206 = arith.constant 16 : i32
        %mul3A_207 = arith.muli %scan3A_204, %mul3A_206 : i32
        %get3A = arith.index_cast %mul3A_207 : i32 to index
        %get3A_208 = tpu.vector_load %arg12[%get3A] {strides = array<i32>} : memref<2048xf32, #tpu.memory_space<vmem>>, vector<16xf32>,
        %mul3A_209 = arith.constant 16 : i32
        %mul3A_210 = arith.muli %scan3A_204, %mul3A_209 : i32
        %get3A_211 = arith.index_cast %mul3A_210 : i32 to index
        %get3A_212 = tpu.vector_load %arg13[%get3A_211] {strides = array<i32>} : memref<2048xf32, #tpu.memory_space<vmem>>, vector<16xf32>,
        %min3A = arith.minimumf %get3A_208, %get3A_212 : vector<16xf32>
        %mul3A_213 = arith.constant 16 : i32
        %mul3A_214 = arith.muli %scan3A_204, %mul3A_213 : i32
        %swap3A_215 = arith.index_cast %mul3A_214 : i32 to index
        %swap3A_216 = tpu.vector_load %arg12[%swap3A_215] {strides = array<i32>} : memref<2048xf32, #tpu.memory_space<vmem>>, vector<16xf32>,
        tpu.vector_store %arg12[%swap3A_215], %min3A {strides = array<i32>} : memref<2048xf32, #tpu.memory_space<vmem>>, vector<16xf32>,
        %scan3A_217 = arith.constant 0 : i32
        scf.yield %scan3A_217 : i32
      }
      %scan3A_175 = arith.constant 128 : i32
      %add3A_176 = arith.constant 14 : i32
      %add3A_177 = arith.addi %arg1, %add3A_176 : i32
      "tpu.region"() ({
        %run_scoped3A = tpu.sem_alloc : memref<!tpu.dma_semaphore, #tpu.memory_space<semaphore_mem>>
        %dma_start3A = arith.constant 0 : i32
        %dma_start3A_204 = tpu.memref_slice %arg17[%add3A_177, %dma_start3A] : memref<16x2048xf32, #tpu.memory_space<vmem_shared>> -> memref<1x2048xf32, #tpu.memory_space<vmem_shared>>
        %dma_start3A_205 = tpu.memref_squeeze %dma_start3A_204 : memref<1x2048xf32, #tpu.memory_space<vmem_shared>> -> memref<2048xf32, #tpu.memory_space<vmem_shared>>
        %dma_start3A_206 = arith.constant 0 : i32
        %dma_start3A_207 = tpu.memref_slice %arg17[%add3A_177, %dma_start3A_206] : memref<16x2048xf32, #tpu.memory_space<vmem_shared>> -> memref<1x2048xf32, #tpu.memory_space<vmem_shared>>
        %dma_start3A_208 = tpu.memref_squeeze %dma_start3A_207 : memref<1x2048xf32, #tpu.memory_space<vmem_shared>> -> memref<2048xf32, #tpu.memory_space<vmem_shared>>
        tpu.enqueue_dma source(%dma_start3A_208 : memref<2048xf32, #tpu.memory_space<vmem_shared>>) target(%arg13 : memref<2048xf32, #tpu.memory_space<vmem>>) target_semaphore(%run_scoped3A : memref<!tpu.dma_semaphore, #tpu.memory_space<semaphore_mem>>)
        %dma_wait3A = arith.constant 0 : i32
        %dma_wait3A_209 = tpu.memref_slice %arg17[%add3A_177, %dma_wait3A] : memref<16x2048xf32, #tpu.memory_space<vmem_shared>> -> memref<1x2048xf32, #tpu.memory_space<vmem_shared>>
        %dma_wait3A_210 = tpu.memref_squeeze %dma_wait3A_209 : memref<1x2048xf32, #tpu.memory_space<vmem_shared>> -> memref<2048xf32, #tpu.memory_space<vmem_shared>>
        %dma_wait3A_211 = arith.constant 0 : i32
        %dma_wait3A_212 = tpu.memref_slice %arg17[%add3A_177, %dma_wait3A_211] : memref<16x2048xf32, #tpu.memory_space<vmem_shared>> -> memref<1x2048xf32, #tpu.memory_space<vmem_shared>>
        %dma_wait3A_213 = tpu.memref_squeeze %dma_wait3A_212 : memref<1x2048xf32, #tpu.memory_space<vmem_shared>> -> memref<2048xf32, #tpu.memory_space<vmem_shared>>
        tpu.wait_dma2 semaphore(%run_scoped3A : memref<!tpu.dma_semaphore, #tpu.memory_space<semaphore_mem>>) src(%dma_wait3A_213 : memref<2048xf32, #tpu.memory_space<vmem_shared>>) dst(%arg13 : memref<2048xf32, #tpu.memory_space<vmem>>)
        tpu.yield
      }) : () -> ()
      %scan3A_178 = arith.constant 0 : i32
      %scan3A_179 = arith.constant 0 : i32
      %scan3A_180 = arith.constant 128 : i32
      %scan3A_181 = arith.addi %scan3A_179, %scan3A_180 : i32
      %scan3A_182 = arith.constant 1 : i32
      %scan3A_183 = scf.for %scan3A_204 = %scan3A_179 to %scan3A_181 step %scan3A_182 iter_args(%scan3A_205 = %scan3A_178) -> (i32)  : i32 {
        %mul3A_206 = arith.constant 16 : i32
        %mul3A_207 = arith.muli %scan3A_204, %mul3A_206 : i32
        %get3A = arith.index_cast %mul3A_207 : i32 to index
        %get3A_208 = tpu.vector_load %arg12[%get3A] {strides = array<i32>} : memref<2048xf32, #tpu.memory_space<vmem>>, vector<16xf32>,
        %mul3A_209 = arith.constant 16 : i32
        %mul3A_210 = arith.muli %scan3A_204, %mul3A_209 : i32
        %get3A_211 = arith.index_cast %mul3A_210 : i32 to index
        %get3A_212 = tpu.vector_load %arg13[%get3A_211] {strides = array<i32>} : memref<2048xf32, #tpu.memory_space<vmem>>, vector<16xf32>,
        %min3A = arith.minimumf %get3A_208, %get3A_212 : vector<16xf32>
        %mul3A_213 = arith.constant 16 : i32
        %mul3A_214 = arith.muli %scan3A_204, %mul3A_213 : i32
        %swap3A_215 = arith.index_cast %mul3A_214 : i32 to index
        %swap3A_216 = tpu.vector_load %arg12[%swap3A_215] {strides = array<i32>} : memref<2048xf32, #tpu.memory_space<vmem>>, vector<16xf32>,
        tpu.vector_store %arg12[%swap3A_215], %min3A {strides = array<i32>} : memref<2048xf32, #tpu.memory_space<vmem>>, vector<16xf32>,
        %scan3A_217 = arith.constant 0 : i32
        scf.yield %scan3A_217 : i32
      }
      %scan3A_184 = arith.constant 128 : i32
      %add3A_185 = arith.constant 15 : i32
      %add3A_186 = arith.addi %arg1, %add3A_185 : i32
      "tpu.region"() ({
        %run_scoped3A = tpu.sem_alloc : memref<!tpu.dma_semaphore, #tpu.memory_space<semaphore_mem>>
        %dma_start3A = arith.constant 0 : i32
        %dma_start3A_204 = tpu.memref_slice %arg17[%add3A_186, %dma_start3A] : memref<16x2048xf32, #tpu.memory_space<vmem_shared>> -> memref<1x2048xf32, #tpu.memory_space<vmem_shared>>
        %dma_start3A_205 = tpu.memref_squeeze %dma_start3A_204 : memref<1x2048xf32, #tpu.memory_space<vmem_shared>> -> memref<2048xf32, #tpu.memory_space<vmem_shared>>
        %dma_start3A_206 = arith.constant 0 : i32
        %dma_start3A_207 = tpu.memref_slice %arg17[%add3A_186, %dma_start3A_206] : memref<16x2048xf32, #tpu.memory_space<vmem_shared>> -> memref<1x2048xf32, #tpu.memory_space<vmem_shared>>
        %dma_start3A_208 = tpu.memref_squeeze %dma_start3A_207 : memref<1x2048xf32, #tpu.memory_space<vmem_shared>> -> memref<2048xf32, #tpu.memory_space<vmem_shared>>
        tpu.enqueue_dma source(%dma_start3A_208 : memref<2048xf32, #tpu.memory_space<vmem_shared>>) target(%arg13 : memref<2048xf32, #tpu.memory_space<vmem>>) target_semaphore(%run_scoped3A : memref<!tpu.dma_semaphore, #tpu.memory_space<semaphore_mem>>)
        %dma_wait3A = arith.constant 0 : i32
        %dma_wait3A_209 = tpu.memref_slice %arg17[%add3A_186, %dma_wait3A] : memref<16x2048xf32, #tpu.memory_space<vmem_shared>> -> memref<1x2048xf32, #tpu.memory_space<vmem_shared>>
        %dma_wait3A_210 = tpu.memref_squeeze %dma_wait3A_209 : memref<1x2048xf32, #tpu.memory_space<vmem_shared>> -> memref<2048xf32, #tpu.memory_space<vmem_shared>>
        %dma_wait3A_211 = arith.constant 0 : i32
        %dma_wait3A_212 = tpu.memref_slice %arg17[%add3A_186, %dma_wait3A_211] : memref<16x2048xf32, #tpu.memory_space<vmem_shared>> -> memref<1x2048xf32, #tpu.memory_space<vmem_shared>>
        %dma_wait3A_213 = tpu.memref_squeeze %dma_wait3A_212 : memref<1x2048xf32, #tpu.memory_space<vmem_shared>> -> memref<2048xf32, #tpu.memory_space<vmem_shared>>
        tpu.wait_dma2 semaphore(%run_scoped3A : memref<!tpu.dma_semaphore, #tpu.memory_space<semaphore_mem>>) src(%dma_wait3A_213 : memref<2048xf32, #tpu.memory_space<vmem_shared>>) dst(%arg13 : memref<2048xf32, #tpu.memory_space<vmem>>)
        tpu.yield
      }) : () -> ()
      %scan3A_187 = arith.constant 0 : i32
      %scan3A_188 = arith.constant 0 : i32
      %scan3A_189 = arith.constant 128 : i32
      %scan3A_190 = arith.addi %scan3A_188, %scan3A_189 : i32
      %scan3A_191 = arith.constant 1 : i32
      %scan3A_192 = scf.for %scan3A_204 = %scan3A_188 to %scan3A_190 step %scan3A_191 iter_args(%scan3A_205 = %scan3A_187) -> (i32)  : i32 {
        %mul3A_206 = arith.constant 16 : i32
        %mul3A_207 = arith.muli %scan3A_204, %mul3A_206 : i32
        %get3A = arith.index_cast %mul3A_207 : i32 to index
        %get3A_208 = tpu.vector_load %arg12[%get3A] {strides = array<i32>} : memref<2048xf32, #tpu.memory_space<vmem>>, vector<16xf32>,
        %mul3A_209 = arith.constant 16 : i32
        %mul3A_210 = arith.muli %scan3A_204, %mul3A_209 : i32
        %get3A_211 = arith.index_cast %mul3A_210 : i32 to index
        %get3A_212 = tpu.vector_load %arg13[%get3A_211] {strides = array<i32>} : memref<2048xf32, #tpu.memory_space<vmem>>, vector<16xf32>,
        %min3A = arith.minimumf %get3A_208, %get3A_212 : vector<16xf32>
        %mul3A_213 = arith.constant 16 : i32
        %mul3A_214 = arith.muli %scan3A_204, %mul3A_213 : i32
        %swap3A_215 = arith.index_cast %mul3A_214 : i32 to index
        %swap3A_216 = tpu.vector_load %arg12[%swap3A_215] {strides = array<i32>} : memref<2048xf32, #tpu.memory_space<vmem>>, vector<16xf32>,
        tpu.vector_store %arg12[%swap3A_215], %min3A {strides = array<i32>} : memref<2048xf32, #tpu.memory_space<vmem>>, vector<16xf32>,
        %scan3A_217 = arith.constant 0 : i32
        scf.yield %scan3A_217 : i32
      }
      %scan3A_193 = arith.constant 128 : i32
      %broadcast_in_dim3A_194 = arith.constant 0.000000e+00 : f32
      %broadcast_in_dim3A_195 = vector.broadcast %broadcast_in_dim3A_194 : f32 to vector<16xf32>
      %scan3A_196 = arith.constant 0 : i32
      %scan3A_197 = arith.constant 128 : i32
      %scan3A_198 = arith.addi %scan3A_196, %scan3A_197 : i32
      %scan3A_199 = arith.constant 1 : i32
      %scan3A_200 = scf.for %scan3A_204 = %scan3A_196 to %scan3A_198 step %scan3A_199 iter_args(%scan3A_205 = %broadcast_in_dim3A_195) -> (vector<16xf32>)  : i32 {
        %mul3A_206 = arith.constant 16 : i32
        %mul3A_207 = arith.muli %scan3A_204, %mul3A_206 : i32
        %get3A = arith.index_cast %mul3A_207 : i32 to index
        %get3A_208 = tpu.vector_load %arg12[%get3A] {strides = array<i32>} : memref<2048xf32, #tpu.memory_space<vmem>>, vector<16xf32>,
        %mul3A_209 = arith.constant 16 : i32
        %mul3A_210 = arith.muli %scan3A_204, %mul3A_209 : i32
        %get3A_211 = arith.index_cast %mul3A_210 : i32 to index
        %get3A_212 = tpu.vector_load %arg11[%get3A_211] {strides = array<i32>} : memref<2048xf32, #tpu.memory_space<vmem>>, vector<16xf32>,
        %add3A_213 = arith.addf %get3A_208, %get3A_212 : vector<16xf32>
        %max3A = arith.constant 0.000000e+00 : f32
        %max3A_214 = vector.broadcast %max3A : f32 to vector<16xf32>
        %max3A_215 = arith.maximumf %add3A_213, %max3A_214 : vector<16xf32>
        %add3A_216 = arith.addf %scan3A_205, %max3A_215 : vector<16xf32>
        scf.yield %add3A_216 : vector<16xf32>
      }
      %scan3A_201 = arith.constant 128 : i32
      %swap3A_202 = arith.constant 0 : index
      %swap3A_203 = tpu.vector_load %arg16[%swap3A_202] {strides = array<i32>} : memref<16xf32, #tpu.memory_space<vmem>>, vector<16xf32>,
      tpu.vector_store %arg16[%swap3A_202], %scan3A_200 {strides = array<i32>} : memref<16xf32, #tpu.memory_space<vmem>>, vector<16xf32>,
    } else {
    }
    "tpu.region"() ({
      %run_scoped3A = tpu.sem_alloc : memref<!tpu.dma_semaphore, #tpu.memory_space<semaphore_mem>>
      %dma_start3A = arith.constant 0 : i32
      %dma_start3A_59 = tpu.memref_slice %arg7[%add3A, %dma_start3A] : memref<32x16xf32, #tpu.memory_space<hbm>> -> memref<1x16xf32, #tpu.memory_space<hbm>>
      %dma_start3A_60 = tpu.memref_squeeze %dma_start3A_59 : memref<1x16xf32, #tpu.memory_space<hbm>> -> memref<16xf32, #tpu.memory_space<hbm>>
      %dma_start3A_61 = arith.constant 0 : i32
      %dma_start3A_62 = tpu.memref_slice %arg7[%add3A, %dma_start3A_61] : memref<32x16xf32, #tpu.memory_space<hbm>> -> memref<1x16xf32, #tpu.memory_space<hbm>>
      %dma_start3A_63 = tpu.memref_squeeze %dma_start3A_62 : memref<1x16xf32, #tpu.memory_space<hbm>> -> memref<16xf32, #tpu.memory_space<hbm>>
      tpu.enqueue_dma source(%arg16 : memref<16xf32, #tpu.memory_space<vmem>>) target(%dma_start3A_63 : memref<16xf32, #tpu.memory_space<hbm>>) target_semaphore(%run_scoped3A : memref<!tpu.dma_semaphore, #tpu.memory_space<semaphore_mem>>)
      %dma_wait3A = arith.constant 0 : i32
      %dma_wait3A_64 = tpu.memref_slice %arg7[%add3A, %dma_wait3A] : memref<32x16xf32, #tpu.memory_space<hbm>> -> memref<1x16xf32, #tpu.memory_space<hbm>>
      %dma_wait3A_65 = tpu.memref_squeeze %dma_wait3A_64 : memref<1x16xf32, #tpu.memory_space<hbm>> -> memref<16xf32, #tpu.memory_space<hbm>>
      %dma_wait3A_66 = arith.constant 0 : i32
      %dma_wait3A_67 = tpu.memref_slice %arg7[%add3A, %dma_wait3A_66] : memref<32x16xf32, #tpu.memory_space<hbm>> -> memref<1x16xf32, #tpu.memory_space<hbm>>
      %dma_wait3A_68 = tpu.memref_squeeze %dma_wait3A_67 : memref<1x16xf32, #tpu.memory_space<hbm>> -> memref<16xf32, #tpu.memory_space<hbm>>
      tpu.wait_dma2 semaphore(%run_scoped3A : memref<!tpu.dma_semaphore, #tpu.memory_space<semaphore_mem>>) src(%arg16 : memref<16xf32, #tpu.memory_space<vmem>>) dst(%dma_wait3A_68 : memref<16xf32, #tpu.memory_space<hbm>>)
      tpu.yield
    }) : () -> ()
    return
  }
}

module attributes {stable_mosaic.version = 14 : i64} {
  func.func @_tc_body(%arg0: i32, %arg1: memref<1x2048x3xf32, #tpu.memory_space<vmem>>, %arg2: memref<1x3x2048xf32, #tpu.memory_space<vmem>>, %arg3: memref<1x1x1xf32, #tpu.memory_space<smem>>, %arg4: memref<1x1x1xf32, #tpu.memory_space<smem>>) attributes {dimension_semantics = [#tpu.dimension_semantics<parallel>], iteration_bounds = array<i64: 14>, scalar_prefetch = 0 : i64, scratch_operands = 0 : i64, tpu.core_type = #tpu.core_type<tc>, window_params = [{transform_indices = @transform_0, window_bounds = array<i64: 1, 2048, 3>}, {transform_indices = @transform_1, window_bounds = array<i64: 1, 3, 2048>}, {transform_indices = @transform_2, window_bounds = array<i64: 1, 1, 1>}, {transform_indices = @transform_3, window_bounds = array<i64: 1, 1, 1>}]} {
    %get3A = arith.constant 0 : index
    %get3A_0 = arith.constant 0 : index
    %get3A_1 = arith.constant 0 : index
    %get3A_2 = vector.load %arg1[%get3A, %get3A_0, %get3A_1] : memref<1x2048x3xf32, #tpu.memory_space<vmem>>, vector<1x2048x3xf32>
    %get3A_3 = vector.shape_cast %get3A_2 : vector<1x2048x3xf32> to vector<2048x3xf32>
    %get3A_4 = arith.constant 0 : index
    %get3A_5 = arith.constant 0 : index
    %get3A_6 = arith.constant 0 : index
    %get3A_7 = vector.load %arg2[%get3A_4, %get3A_5, %get3A_6] : memref<1x3x2048xf32, #tpu.memory_space<vmem>>, vector<1x3x2048xf32>
    %get3A_8 = vector.shape_cast %get3A_7 : vector<1x3x2048xf32> to vector<3x2048xf32>
    %mul3A = arith.mulf %get3A_3, %get3A_3 : vector<2048x3xf32>
    %reduce_sum3A = arith.constant dense<0.000000e+00> : vector<2048xf32>
    %reduce_sum3A_9 = vector.multi_reduction <add>, %mul3A, %reduce_sum3A [1] : vector<2048x3xf32> to vector<2048xf32>
    %broadcast_in_dim3A = vector.shape_cast %reduce_sum3A_9 : vector<2048xf32> to vector<2048x1xf32>
    %mul3A_10 = arith.mulf %get3A_8, %get3A_8 : vector<3x2048xf32>
    %reduce_sum3A_11 = arith.constant dense<0.000000e+00> : vector<2048xf32>
    %reduce_sum3A_12 = vector.multi_reduction <add>, %mul3A_10, %reduce_sum3A_11 [0] : vector<3x2048xf32> to vector<2048xf32>
    %broadcast_in_dim3A_13 = vector.shape_cast %reduce_sum3A_12 : vector<2048xf32> to vector<1x2048xf32>
    %mul3A_14 = arith.constant -2.000000e+00 : f32
    %mul3A_15 = vector.broadcast %mul3A_14 : f32 to vector<2048x3xf32>
    %mul3A_16 = arith.mulf %get3A_3, %mul3A_15 : vector<2048x3xf32>
    %convert_element_type3A = arith.truncf %mul3A_16 : vector<2048x3xf32> to vector<2048x3xbf16>
    %convert_element_type3A_17 = arith.truncf %get3A_8 : vector<3x2048xf32> to vector<3x2048xbf16>
    %dot_general3A = arith.constant dense<0.000000e+00> : vector<2048x2048xf32>
    %dot_general3A_18 = tpu.matmul %convert_element_type3A, %convert_element_type3A_17, %dot_general3A {dimension_numbers = #tpu.dot_dimension_numbers<[1], [0], [0], [1], [0, 0, 1, 1], [], []>, transpose_lhs_hint = false} : vector<2048x3xbf16>, vector<3x2048xbf16>, vector<2048x2048xf32> -> vector<2048x2048xf32>
    %add3A = vector.broadcast %broadcast_in_dim3A_13 : vector<1x2048xf32> to vector<2048x2048xf32>
    %add3A_19 = arith.addf %dot_general3A_18, %add3A : vector<2048x2048xf32>
    %reduce_min3A = arith.constant dense<0x7F800000> : vector<2048xf32>
    %reduce_min3A_20 = vector.multi_reduction <minimumf>, %add3A_19, %reduce_min3A [1] : vector<2048x2048xf32> to vector<2048xf32>
    %broadcast_in_dim3A_21 = vector.shape_cast %reduce_min3A_20 : vector<2048xf32> to vector<2048x1xf32>
    %add3A_22 = arith.addf %broadcast_in_dim3A_21, %broadcast_in_dim3A : vector<2048x1xf32>
    %max3A = arith.constant 0.000000e+00 : f32
    %max3A_23 = vector.broadcast %max3A : f32 to vector<2048x1xf32>
    %max3A_24 = arith.maximumf %add3A_22, %max3A_23 : vector<2048x1xf32>
    %reduce_sum3A_25 = vector.shape_cast %max3A_24 : vector<2048x1xf32> to vector<1x2048x1xf32>
    %reduce_sum3A_26 = arith.constant dense<0.000000e+00> : vector<1xf32>
    %reduce_sum3A_27 = vector.multi_reduction <add>, %reduce_sum3A_25, %reduce_sum3A_26 [1, 2] : vector<1x2048x1xf32> to vector<1xf32>
    %reduce_sum3A_28 = vector.shape_cast %reduce_sum3A_27 : vector<1xf32> to vector<1x1x1xf32>
    %reduce_sum3A_29 = vector.extract %reduce_sum3A_28[0, 0, 0] : f32 from vector<1x1x1xf32>
    %swap3A = arith.constant 0 : index
    %swap3A_30 = arith.constant 0 : index
    %swap3A_31 = arith.constant 0 : index
    %swap3A_32 = memref.load %arg3[%swap3A, %swap3A_30, %swap3A_31] : memref<1x1x1xf32, #tpu.memory_space<smem>>
    memref.store %reduce_sum3A_29, %arg3[%swap3A, %swap3A_30, %swap3A_31] : memref<1x1x1xf32, #tpu.memory_space<smem>>
    %add3A_33 = vector.broadcast %broadcast_in_dim3A : vector<2048x1xf32> to vector<2048x2048xf32>
    %add3A_34 = arith.addf %dot_general3A_18, %add3A_33 : vector<2048x2048xf32>
    %reduce_min3A_35 = arith.constant dense<0x7F800000> : vector<2048xf32>
    %reduce_min3A_36 = vector.multi_reduction <minimumf>, %add3A_34, %reduce_min3A_35 [0] : vector<2048x2048xf32> to vector<2048xf32>
    %broadcast_in_dim3A_37 = vector.shape_cast %reduce_min3A_36 : vector<2048xf32> to vector<1x2048xf32>
    %add3A_38 = arith.addf %broadcast_in_dim3A_37, %broadcast_in_dim3A_13 : vector<1x2048xf32>
    %max3A_39 = arith.constant 0.000000e+00 : f32
    %max3A_40 = vector.broadcast %max3A_39 : f32 to vector<1x2048xf32>
    %max3A_41 = arith.maximumf %add3A_38, %max3A_40 : vector<1x2048xf32>
    %reduce_sum3A_42 = vector.shape_cast %max3A_41 : vector<1x2048xf32> to vector<1x1x2048xf32>
    %reduce_sum3A_43 = arith.constant dense<0.000000e+00> : vector<1xf32>
    %reduce_sum3A_44 = vector.multi_reduction <add>, %reduce_sum3A_42, %reduce_sum3A_43 [1, 2] : vector<1x1x2048xf32> to vector<1xf32>
    %reduce_sum3A_45 = vector.shape_cast %reduce_sum3A_44 : vector<1xf32> to vector<1x1x1xf32>
    %reduce_sum3A_46 = vector.extract %reduce_sum3A_45[0, 0, 0] : f32 from vector<1x1x1xf32>
    %swap3A_47 = arith.constant 0 : index
    %swap3A_48 = arith.constant 0 : index
    %swap3A_49 = arith.constant 0 : index
    %swap3A_50 = memref.load %arg4[%swap3A_47, %swap3A_48, %swap3A_49] : memref<1x1x1xf32, #tpu.memory_space<smem>>
    memref.store %reduce_sum3A_46, %arg4[%swap3A_47, %swap3A_48, %swap3A_49] : memref<1x1x1xf32, #tpu.memory_space<smem>>
    return
  }
  func.func @transform_0(%arg0: i32) -> (i32, i32, i32) {
    %c0_i32 = arith.constant 0 : i32
    %c0_i32_0 = arith.constant 0 : i32
    %c0_i32_1 = arith.constant 0 : i32
    return %arg0, %c0_i32, %c0_i32_0 : i32, i32, i32
  }
  func.func @transform_1(%arg0: i32) -> (i32, i32, i32) {
    %c0_i32 = arith.constant 0 : i32
    %c0_i32_0 = arith.constant 0 : i32
    %c0_i32_1 = arith.constant 0 : i32
    return %arg0, %c0_i32, %c0_i32_0 : i32, i32, i32
  }
  func.func @transform_2(%arg0: i32) -> (i32, i32, i32) {
    %c0_i32 = arith.constant 0 : i32
    %c0_i32_0 = arith.constant 0 : i32
    %c0_i32_1 = arith.constant 0 : i32
    return %arg0, %c0_i32, %c0_i32_0 : i32, i32, i32
  }
  func.func @transform_3(%arg0: i32) -> (i32, i32, i32) {
    %c0_i32 = arith.constant 0 : i32
    %c0_i32_0 = arith.constant 0 : i32
    %c0_i32_1 = arith.constant 0 : i32
    return %arg0, %c0_i32, %c0_i32_0 : i32, i32, i32
  }
}

</mosaic_0001>

<sc_bundles>
// kernel: kernel.5.cloned.1.call-start
scs
__scs_entry_jumppad:
0x0: {  	(pc) =	sbr.rel $0x88, $3  }
0x1: {  	(tag) =	ssettag $0x0;
	lr =	simm.s32 $0x1  }
0x2: {  	[smem:$0x3F9F] =	sst lr;
	_ =	strace $0xD0000000  }
0x3: {  	_ = 	snop  }
0x4: {  	_ = 	snop  }
0x5: {  	_ = 	snop  }
0x6: {  	_ = 	snop  }
0x7: {  	_ = 	snop  }
__scs_overlays_trampoline_lowered:
0x8: {  	[smem:$0x3FAE] =	sst s0  }
0x9: {  	[smem:$0x3FAF] =	sst s1  }
0xa: {  	[smem:$0x3FB0] =	sst s2  }
0xb: {  	[smem:$0x3FB1] =	sst s3  }
0xc: {  	[smem:$0x3FB2] =	sst s4  }
0xd: {  	[smem:$0x3FB3] =	sst s5  }
0xe: {  	[smem:$0x3FB4] =	sst s6  }
0xf: {  	[smem:$0x3FB5] =	sst s7  }
0x10: {  	[smem:$0x3FB6] =	sst s8  }
0x11: {  	[smem:$0x3FB7] =	sst s9;
	s0 =	simm.s32 @!p0 $0x0  }
0x12: {  	s1 =	sld [smem:$0x3F9D];
	s0 =	simm.s32 @p0 $0x1  }
0x13: {  	[smem:$0x3FB8] =	sst s0;
	s0 =	simm.s32 @!p1 $0x0  }
0x14: {  	s2 =	sld [smem:$0x3F9C];
	s0 =	simm.s32 @p1 $0x1  }
0x15: {  	[smem:$0x3FB9] =	sst s0;
	s0 =	simm.s32 @!p2 $0x0  }
0x16: {  	s3 =	sld [smem:$0x3FDB];
	s0 =	simm.s32 @p2 $0x1  }
0x17: {  	s4 =	simm.s32 $0x1BF5;
	[smem:$0x3FBB] =	sst s0  }
0x18: {  	s0 =	sld [smem:$0x3F9E];
	_ =	swait.ge [sflag:s4], $0x0  }
0x19: {  	s7 =	sld [smem:$0x3F9F]  }
0x1a: {  	s8 =	sadd.s32 $0xFFFFE003, lr  }
0x1b: {  	s9 =	sadd.s32 $0xFFFFFEF7, lr;
	s5 =	simm.s32 $0xFFFFFFFF;
	p2 =	slt.u32 s8, $0xFFFFF086  }
0x1c: {  	p1 =	slt.u32 s9, $0xF7A;
	s5 =	simm.s32 @!p2 $0x0  }
0x1d: {  	s5 =	simm.s32 @p1 $0x1;
	p0 =	seq.s32 s7, s2  }
0x1e: {  	s7 =	smul.u32 @!p0 $0xF7A, s2;
	p2 =	seq.s32 @!p0 s5, $0x0  }
0x1f: {  	s9 =	smul.u32 $0xF7A, s1;
	s8 =	simm.s32 @!p0 $0x1BF5;
	p2 =	por !p2, p0  }
0x20: {  	[sflag:s8] =	ssyncset.s32 @!p0 $0xFFFFF086;
	s6 =	sadd.s32 @!p0 s3, s7;
	s7 =	simm.s32 @!p0 $0x108  }
0x21: {  	s3 =	sadd.s32 s3, s9;
	s6 =	sadd.s32 @!p0 $0x88, s6;
	s7 =	simm.s32 @p2 $0x1082  }
0x22: {  	[simem:s7], [sflag:s8] =	dma.local @!p0 [hbm:s6], $0xF7A  }
0x23: {  	s9 =	sor.u32 $0xD0000000, s2;
	s6 =	simm.s32 $0x108;
	_ =	swait.ge @!p0 [sflag:s8], $0x0  }
0x24: {  	s3 =	sadd.s32 $0x88, s3;
	s6 =	simm.s32 @!p1 $0x1082;
	[sflag:s4] =	ssyncset.s32 $0xFFFFF086  }
0x25: {  	[simem:s6], [sflag:s4] =	dma.local [hbm:s3], $0xF7A  }
0x26: {  	[smem:$0x3F9F] =	sst s1;
	(tag) =	ssettag s2;
	_ =	strace s9  }
0x27: {  	s1 =	sld [smem:$0x3FAF]  }
0x28: {  	s2 =	sld [smem:$0x3FB0]  }
0x29: {  	s4 =	sld [smem:$0x3FB2]  }
0x2a: {  	p0 =	seq.s32 s5, $0x0;
	s5 =	sld [smem:$0x3FB3]  }
0x2b: {  	s6 =	sld [smem:$0x3FB4]  }
0x2c: {  	s7 =	sld [smem:$0x3FB5]  }
0x2d: {  	s3 =	simm.s32 $0x108;
	s8 =	sld [smem:$0x3FB6]  }
0x2e: {  	s3 =	simm.s32 @!p0 $0x1082;
	s9 =	sld [smem:$0x3FB7]  }
0x2f: {  	lr =	sadd.s32 s0, s3;
	s0 =	sld [smem:$0x3FAE]  }
0x30: {  	s3 =	sld [smem:$0x3FB1]  }
0x31: {  	[smem:$0x3FBA] =	sst s10  }
0x32: {  	s10 =	sld [smem:$0x3FB8];
	_ =	sdelay $0x3  }
0x33: {  	p0 =	seq.s32 s10, $0x1;
	s10 =	sld [smem:$0x3FBA];
	_ =	sdelay $0x3  }
0x34: {  	[smem:$0x3FBA] =	sst s10  }
0x35: {  	s10 =	sld [smem:$0x3FB9];
	_ =	sdelay $0x3  }
0x36: {  	p1 =	seq.s32 s10, $0x1;
	s10 =	sld [smem:$0x3FBA];
	_ =	sdelay $0x3  }
0x37: {  	[smem:$0x3FBA] =	sst s10  }
0x38: {  	s10 =	sld [smem:$0x3FBB]  }
0x39: {  	_ = 	snop;
	(pc) =	sbr.ind lr, $3  }
0x3a: {  	_ = 	snop  }
0x3b: {  	_ = 	snop  }
0x3c: {  	p2 =	seq.s32 s10, $0x1;
	s10 =	sld [smem:$0x3FBA]  }
0x3d: {  	_ =	shalt  }
0x3e: {  	_ =	shalt  }
0x3f: {  	_ =	shalt  }
0x40: {  	_ =	shalt  }
0x41: {  	_ =	shalt  }
0x42: {  	_ =	shalt  }
0x43: {  	_ =	shalt  }
0x44: {  	_ =	shalt  }
0x45: {  	_ =	shalt  }
0x46: {  	_ =	shalt  }
0x47: {  	_ =	shalt  }
0x48: {  	_ =	shalt  }
0x49: {  	_ =	shalt  }
0x4a: {  	_ =	shalt  }
0x4b: {  	_ =	shalt  }
0x4c: {  	_ =	shalt  }
0x4d: {  	_ =	shalt  }
0x4e: {  	_ =	shalt  }
0x4f: {  	_ =	shalt  }
0x50: {  	_ =	shalt  }
0x51: {  	_ =	shalt  }
0x52: {  	_ =	shalt  }
0x53: {  	_ =	shalt  }
0x54: {  	_ =	shalt  }
0x55: {  	_ =	shalt  }
0x56: {  	_ =	shalt  }
0x57: {  	_ =	shalt  }
0x58: {  	_ =	shalt  }
0x59: {  	_ =	shalt  }
0x5a: {  	_ =	shalt  }
0x5b: {  	_ =	shalt  }
0x5c: {  	_ =	shalt  }
0x5d: {  	_ =	shalt  }
0x5e: {  	_ =	shalt  }
0x5f: {  	_ =	shalt  }
0x60: {  	_ =	shalt  }
0x61: {  	_ =	shalt  }
0x62: {  	_ =	shalt  }
0x63: {  	_ =	shalt  }
0x64: {  	_ =	shalt  }
0x65: {  	_ =	shalt  }
0x66: {  	_ =	shalt  }
0x67: {  	_ =	shalt  }
0x68: {  	_ =	shalt  }
0x69: {  	_ =	shalt  }
0x6a: {  	_ =	shalt  }
0x6b: {  	_ =	shalt  }
0x6c: {  	_ =	shalt  }
0x6d: {  	_ =	shalt  }
0x6e: {  	_ =	shalt  }
0x6f: {  	_ =	shalt  }
0x70: {  	_ =	shalt  }
0x71: {  	_ =	shalt  }
0x72: {  	_ =	shalt  }
0x73: {  	_ =	shalt  }
0x74: {  	_ =	shalt  }
0x75: {  	_ =	shalt  }
0x76: {  	_ =	shalt  }
0x77: {  	_ =	shalt  }
0x78: {  	_ =	shalt  }
0x79: {  	_ =	shalt  }
0x7a: {  	_ =	shalt  }
0x7b: {  	_ =	shalt  }
0x7c: {  	_ =	shalt  }
0x7d: {  	_ =	shalt  }
0x7e: {  	_ =	shalt  }
0x7f: {  	_ =	shalt  }
0x80: {  	_ =	shalt  }
0x81: {  	_ =	shalt  }
0x82: {  	_ =	shalt  }
0x83: {  	_ =	shalt  }
0x84: {  	_ =	shalt  }
0x85: {  	_ =	shalt  }
0x86: {  	_ =	shalt  }
0x87: {  	_ =	shalt  }
.Lfunc_end0:
.L_simem_size_0:
called_computation_lowered:
.L_overlay_start_0:
0x88: {  	s2 =	sld [smem:$0x3FD9]  }
0x89: {  	s3 =	sld [smem:$0x3FFE];
	_ =	sdelay $0x1  }
0x8a: {  	s1 =	srdreg.scid  }
0x8b: {  	s0 =	sand.u32 $0x1, s1  }
0x8c: {  	s16 =	sshll.u32 s0, $0xA;
	s2 =	sadd.s32 s3, s2  }
0x8d: {  	s2 =	sadd.s32 s2, s16  }
0x8e: {  	[smem:$0x3FC6] =	sst s2  }
0x8f: {  	_ = 	snop  }
0x90: {  	(tm) =	ssettm $0x1  }
0x91: {  	s17 =	sld [smem:$0x3FFB];
	_ =	sdelay $0x3  }
0x92: {  	_ =	strace s17  }
0x93: {  	s2 =	sld [smem:$0x3FFC];
	_ =	sdelay $0x3  }
0x94: {  	_ =	strace s2  }
0x95: {  	s2 =	sld [smem:$0x3FFD];
	_ =	sdelay $0x3  }
0x96: {  	_ =	strace s2  }
0x97: {  	_ =	strace $0x8FFFFFFF  }
0x98: {  	s18 =	sld [smem:$0x3FDB];
	_ =	sdelay $0x1  }
0x99: {  	s19 =	simm.s32 $_scs_section_size  }
0x9a: {  	s4 =	simm.s32 $_size__tile_overlayer_lowered;
	s5 =	simm.s32 $_tile_overlayer_lowered  }
0x9b: {  	s22 =	simm.s32 $0x1BFF;
	s21 =	sshll.u32 s5, $0x1;
	s2 =	sadd.s32 s19, s18  }
0x9c: {  	s6 =	simm.s32 $0x0;
	s20 =	sshll.u32 s4, $0x1;
	s4 =	sadd.s32 s21, s2  }
0x9d: {  	[timem:s6], [sflag:s22] =	dma.local [hbm:s4], s20  }
0x9e: {  	_ =	swait.ge [sflag:s22], s20  }
0x9f: {  	s3 =	ssub.s32 $0x0, s20;
	[sflag:s22] =	ssyncset.done $0x0  }
0xa0: {  	[sflag:s22] =	ssyncadd.s32 s3;
	_ =	sdelay $0x1  }
0xa1: {  	s23 =	simm.s32 $0x1B8B  }
0xa2: {  	_ =	swait.ge [sflag:s23], $0x1  }
0xa3: {  	[sflag:s23] =	ssyncset.done $0x0  }
0xa4: {  	s25 =	simm.s32 $0x1B8E;
	s24 =	sld [smem:$0x3FFE];
	[sflag:s23] =	ssyncadd.s32 $0xFFFFFFFF  }
0xa5: {  	s26 =	simm.s32 $execute0_lowered;
	[smem:$0x3FD2] =	sst s25  }
0xa6: {  	s4 =	sshll.u32 s26, $0x1;
	_ =	strace $0x80000046;
	[dreg:$0x1] =	wrdreg $0xFFFFFFFF  }
0xa7: {  	s28 =	simm.s32 $_size_execute0_lowered;
	s2 =	sadd.s32 s2, s4;
	[dreg:$0x0] =	wrdreg $0x0  }
0xa8: {  	s4 =	sshll.u32 s28, $0x1;
	[dreg:$0x2] =	wrdreg s2  }
0xa9: {  	[dreg:$0x3] =	wrdreg s4  }
0xaa: {  	[dreg:$0x4] =	wrdreg $0xC0  }
0xab: {  	_ =	task [dreg:s6], $0x5FFFF  }
0xac: {  	[dreg:$0x1] =	wrdreg $0xFFFFFFFF  }
0xad: {  	[dreg:$0x0] =	wrdreg $0x60  }
0xae: {  	[dreg:$0x2] =	wrdreg s24  }
0xaf: {  	[dreg:$0x3] =	wrdreg $0x43800  }
0xb0: {  	[dreg:$0x4] =	wrdreg $0x9  }
0xb1: {  	_ =	task.clear_ibuf [dreg:s6], $0x5FFFF;
	_ =	strace $0x90000046  }
0xb2: {  	s29 =	simm.s32 $0x9;
	_ =	strace $0x80000048  }
0xb3: {  	_ =	swait.ge [sflag:s29], $0x1  }
0xb4: {  	[sflag:s29] =	ssyncadd.s32 $0xFFFFFFFF  }
0xb5: {  	_ =	strace $0x90000048  }
0xb6: {  	_ =	sfence  }
0xb7: {  	s30 =	sld [smem:$0x0];
	_ =	sdelay $0x2  }
0xb8: {  	s31 =	sshll.u32 s1, $0xD;
	s1 =	sshrl.u32 s1, $0x2  }
0xb9: {  	s3 =	sand.u32 $0x4000, s31;
	s1 =	sadd.s32 s1, s30  }
0xba: {  	s0 =	sor.u32 s3, s0;
	s1 =	sshll.u32 s1, $0x11  }
0xbb: {  	s0 =	sor.u32 s1, s0  }
0xbc: {  	s0 =	sadd.s32 $0x8F2B, s0  }
0xbd: {  	[sflag:s0] =	ssyncadd.remote.s32 $0x1  }
0xbe: {  	_ =	sfence.sel $0xFFFF  }
0xbf: {  	[dreg:$0x0] =	wrdreg $0xFFFFFFFF;
	(pc) =	sbr.abs _section_cstart, $3  }
0xc0: {  	[dreg:$0x1] =	wrdreg $0xFFFFFFFF  }
0xc1: {  	_ =	task.clear_ibuf [dreg:s6], $0x2FFFF;
	_ =	strace $0x9FFFFFFF  }
0xc2: {  	(tm) =	ssettm $0x7FFFFFFF  }
0xc3: {  	_ =	shalt  }
tec
execute0_lowered:
.L_overlay_start_1:
0x0: {  	(tag) =	ssettag $0x1  }
0x1: {  	s0 =	rddreg [dreg:$0x0]  }
0x2: {  	s8 =	rddreg [dreg:$0x1]  }
0x3: {  	s2 =	srdreg.scid;
	s9 =	stileid.u32  }
0x4: {  	s1 =	simm.s32 $0x0;
	s28 =	simm.s32 $0x1;
	s30 =	simm.s32 $0x80  }
0x5: {  	s3 =	sand.u32 $0x1, s2;
	s24 =	sshll.u32 s9, $0x7;
	[smem:$0x7FF] =	sst s1  }
0x6: {  	s29 =	sshll.u32 s9, $0x6;
	s12 =	sshll.u32 s9, $0xB;
	s14 =	sadd.s32 $0x80, s8  }
0x7: {  	s15 =	sadd.s32 $0x100, s8;
	_ =	strace $0x80000047;
	[dreg:$0x3] =	wrdreg s14  }
0x8: {  	s16 =	sadd.s32 $0x180, s8;
	s17 =	sadd.s32 $0x200, s8;
	[dreg:$0x4] =	wrdreg s15  }
0x9: {  	s18 =	sadd.s32 $0x280, s8;
	s19 =	sadd.s32 $0x300, s8;
	[dreg:$0x5] =	wrdreg s16  }
0xa: {  	s20 =	sadd.s32 $0x380, s8;
	s21 =	sadd.s32 $0x4000, s8;
	[dreg:$0x6] =	wrdreg s17  }
0xb: {  	s22 =	sadd.s32 $0x4080, s8;
	s23 =	sadd.s32 $0x4100, s8;
	[dreg:$0x7] =	wrdreg s18  }
0xc: {  	p0 =	sne.s32 s9, $0x0;
	s4 =	sshll.u32 s3, $0xB;
	[dreg:$0x8] =	wrdreg s19  }
0xd: {  	s5 =	sand.u32 $0x400, s24;
	s6 =	sshll.u32 s3, $0xA;
	[dreg:$0x9] =	wrdreg s20  }
0xe: {  	s7 =	sand.u32 $0x380, s24;
	s26 =	ssub.s32 $0x2, s3;
	[dreg:$0xa] =	wrdreg s21  }
0xf: {  	s3 =	sshll.u32 s3, $0x4;
	s12 =	sand.u32 $0x4000, s12;
	[dreg:$0xb] =	wrdreg s22  }
0x10: {  	[dreg:$0xc] =	wrdreg s23;
	s24 =	sadd.s32 $0x4180, s8;
	s14 =	simm.s32 $0x0  }
0x11: {  	s4 =	sor.u32 s4, s5;
	s25 =	sadd.s32 s6, s0;
	s31 =	sshrl.u32 s26, $0x1  }
0x12: {  	s13 =	sadd.s32 s12, s8;
	[dreg:$0xd] =	wrdreg s24;
	s12 =	simm.s32 $0x3280  }
0x13: {  	s2 =	sor.u32 s7, s4;
	s6 =	sadd.s32 s29, s25;
	s11 =	ssub.s32 s26, s31  }
0x14: {  	s4 =	sadd.s32 $0xA00, s25;
	s7 =	sadd.s32 s7, s13;
	s25 =	sadd.s32 $0x4200, s8  }
0x15: {  	s26 =	sadd.s32 $0x4280, s8;
	s29 =	sadd.s32 $0x4300, s8;
	[dreg:$0xe] =	wrdreg s25  }
0x16: {  	s31 =	sadd.s32 $0x4380, s8;
	s8 =	simm.s32 $0x3A80;
	[dreg:$0xf] =	wrdreg s26  }
0x17: {  	s13 =	simm.s32 $0x4300;
	s2 =	sshrl.u32 s2, $0x3;
	[dreg:$0x10] =	wrdreg s29  }
.Ltmp0:
0x18: {  	[dreg:$0x11] =	wrdreg s31;
	s24 =	smax.u32 s11, $0x1;
	(pc) =	sbr.rel .LBB2_1-.Ltmp0, $4  }
0x19: {  	s25 =	simm.s32 $0x200;
	s11 =	simm.s32 $0x2A80;
	s10 =	sadd.s32 s2, s0  }
0x1a: {  	s2 =	sadd.s32 $0x200, s6;
	s6 =	sshll.u32 s9, $0x5;
	s0 =	sadd.s32 s0, s3  }
0x1b: {  	v1 =	vlaneseq.u32;
	s9 =	simm.s32 $0x4280;
	s3 =	sadd.s32 s6, s0;
	s5 =	sadd.s32 $0x1200, s0  }
0x1c: {  	v0 =	vimm.f32 $+Inf;
	v2 =	vimm.f32 $0.0e+00;
	v1 =	vmul.u32 $0x80, v1;
	s6 =	sadd.s32 $0x1400, s10;
	s23 =	sadd.s32 $0x1600, s10;
	s10 =	simm.s32 $0x400  }
.LBB2_47:
0x1d: {  	s14 =	sadd.s32 $0x1, s14  }
0x1e: {  	p1 =	sne.s32 s14, s24  }
.Ltmp1:
0x1f: {  	_ = 	snop;
	(pc) =	sbr.rel @!p1 .LBB2_48-.Ltmp1, $4  }
0x20: {  	[hbm4b:s23+s1] =	stream.linear.scatter [tilespmem:s13], [sflag:$0x1], $0x80, $0x38;
	[tilespmem:$0x4B80] =	vst v63  }
0x21: {  	_ =	swait.ge [sflag:s28], $0x80  }
0x22: {  	[sflag:s28] =	ssyncset.done $0x0  }
0x23: {  	[sflag:s28] =	ssyncadd.s32 $0xFFFFFF80  }
.LBB2_1:
0x24: {  	s0 =	simm.s32 $0x2000  }
0x25: {  	[tilespmem:s1], [sflag:$0x1] =	stream.strided.gather [hbm4b:s2+s25], $0x0, s0, s25, $0x38;
	[tilespmem:$0x4B80] =	vst v63  }
0x26: {  	_ = 	snop  }
0x27: {  	[tilespmem:s1], [sflag:$0x1] =	stream.linear.gather [hbm4b:s2+s1], $0x180, $0x38;
	[tilespmem:$0x4B80] =	vst v63  }
0x28: {  	_ =	swait.ge [sflag:s28], $0x180  }
0x29: {  	[sflag:s28] =	ssyncset.done $0x0  }
0x2a: {  	[sflag:s28] =	ssyncadd.s32 $0xFFFFFE80  }
0x2b: {  	[tilespmem:s25], [sflag:$0x1] =	stream.linear.gather [hbm4b:s3+s1], $0x80, $0x38;
	[tilespmem:$0x4B80] =	vst v63  }
0x2c: {  	_ =	swait.ge [sflag:s28], $0x80  }
0x2d: {  	[sflag:s28] =	ssyncset.done $0x0  }
0x2e: {  	s29 =	simm.s32 $0x280;
	[sflag:s28] =	ssyncadd.s32 $0xFFFFFF80  }
0x2f: {  	[tilespmem:s29], [sflag:$0x1] =	stream.linear.gather [hbm4b:s4+s1], $0x2000, $0x38;
	[tilespmem:$0x4B80] =	vst v63  }
0x30: {  	_ =	swait.ge [sflag:s28], $0x2000  }
0x31: {  	[sflag:s28] =	ssyncset.done $0x0  }
0x32: {  	s31 =	simm.s32 $0x100;
	s15 =	simm.s32 $0x2280;
	[sflag:s28] =	ssyncadd.s32 $0xFFFFE000  }
0x33: {  	[tilespmem:s15], [sflag:$0x1] =	stream.strided.gather [hbm4b:s5+s30], $0x800, s31, s30, $0x38;
	[tilespmem:$0x4B80] =	vst v63  }
0x34: {  	_ =	swait.ge [sflag:s28], $0x800  }
0x35: {  	[sflag:s28] =	ssyncset.done $0x0  }
0x36: {  	s15 =	simm.s32 $0x0;
	[sflag:s28] =	ssyncadd.s32 $0xFFFFF800  }
.LBB2_2:
0x37: {  	p1 =	sne.s32 s15, $0x1FC0  }
.Ltmp2:
0x38: {  	_ = 	snop;
	(pc) =	sbr.rel @p1 .LBB2_2-.Ltmp2, $3  }
0x39: {  	_ =	sdelay $0x1  }
0x3a: {  	s16 =	sshra.s32 s15, $0x2  }
0x3b: {  	s15 =	sadd.s32 $0x40, s15;
	[tilespmem:s16+$0x2A80] =	vst v0  }
0x3c: {  	s15 =	simm.s32 $0x0;
	v3 =	vimm.f32 $0.0e+00;
	s16 =	simm.s32 $0x0  }
.LBB2_4:
0x3d: {  	s17 =	sshll.u32 s16, $0x4  }
0x3e: {  	v7 =	vld [tilespmem:s17+$0x0]  }
0x3f: {  	v5 =	vld [tilespmem:s17+$0x80]  }
0x40: {  	v6 =	vld [tilespmem:s17+$0x100]  }
0x41: {  	v4 =	vld [tilespmem:s17+$0x200];
	_ =	sdelay $0x1  }
0x42: {  	s22 =	sand.u32 $0x1E00, s15  }
0x43: {  	s18 =	sand.u32 $0x60, s15;
	s17 =	sadd.s32 $0x280, s22;
	v10 =	vbroadcast v7, $0x0  }
0x44: {  	s19 =	sor.u32 s18, s17;
	v11 =	vbroadcast v5, $0x0;
	v12 =	vbroadcast v6, $0x0  }
0x45: {  	v22 =	vld [tilespmem:s19+$0x100];
	v8 =	vbroadcast v4, $0x0;
	v13 =	vbroadcast v7, $0x1  }
0x46: {  	v14 =	vbroadcast v5, $0x1;
	v15 =	vbroadcast v6, $0x1  }
0x47: {  	v23 =	vld [tilespmem:s19+$0x0];
	v9 =	vbroadcast v4, $0x1;
	v16 =	vbroadcast v7, $0x2  }
0x48: {  	v24 =	vld [tilespmem:s19+$0x80];
	v17 =	vbroadcast v5, $0x2;
	v18 =	vbroadcast v6, $0x2  }
0x49: {  	s18 =	sor.u32 $0x10, s18;
	v19 =	vbroadcast v7, $0x3;
	v20 =	vbroadcast v5, $0x3  }
0x4a: {  	s17 =	sor.u32 s18, s17;
	v21 =	vbroadcast v6, $0x3;
	v25 =	vmul.f32 v22, v12  }
0x4b: {  	v27 =	vld [tilespmem:s17+$0x0];
	v26 =	vmul.f32 v22, v15;
	v28 =	vmul.f32 v22, v18  }
0x4c: {  	v29 =	vld [tilespmem:s17+$0x80];
	v22 =	vmul.f32 v22, v21;
	v30 =	vmul.f32 v23, v10  }
0x4d: {  	s29 =	simm.s32 $0x80;
	v31 =	vmul.f32 v24, v11;
	v32 =	vmul.f32 v23, v13  }
0x4e: {  	s20 =	sand.u32 $0x1E00, s29;
	s19 =	simm.s32 $0x20;
	v33 =	vmul.f32 v24, v14;
	v34 =	vmul.f32 v23, v16  }
0x4f: {  	s20 =	sadd.s32 $0x280, s20;
	v36 =	vld [tilespmem:s17+$0x100];
	s21 =	sand.u32 $0x60, s19;
	v35 =	vmul.f32 v24, v17;
	v23 =	vmul.f32 v23, v19  }
0x50: {  	s22 =	sor.u32 s21, s20;
	v24 =	vmul.f32 v24, v20;
	v37 =	vmul.f32 v27, v10  }
0x51: {  	v58 =	vld [tilespmem:s22+$0x0];
	v38 =	vmul.f32 v29, v11;
	v39 =	vmul.f32 v27, v13  }
0x52: {  	v43 =	vld [tilespmem:s22+$0x80];
	v40 =	vmul.f32 v29, v14;
	v41 =	vmul.f32 v27, v16  }
0x53: {  	v42 =	vmul.f32 v29, v17;
	v27 =	vmul.f32 v27, v19  }
0x54: {  	v47 =	vmul.f32 v36, v12;
	v30 =	vadd.f32 v31, v30;
	v31 =	vadd.f32 v33, v32  }
0x55: {  	v51 =	vmul.f32 v36, v15;
	v45 =	vadd.f32 v35, v34;
	v23 =	vadd.f32 v24, v23  }
0x56: {  	v24 =	vmul.f32 v29, v20;
	v29 =	vadd.f32 v38, v37;
	v48 =	vadd.f32 v40, v39  }
0x57: {  	s17 =	simm.s32 $0x0;
	v49 =	vadd.f32 v42, v41;
	v60 =	vmul.f32 v58, v10;
	v44 =	vmul.f32 v43, v11  }
0x58: {  	v46 =	vld [tilespmem:s17+$0x2280];
	v61 =	vmul.f32 v58, v19;
	v62 =	vmul.f32 v43, v20;
	v24 =	vadd.f32 v24, v27  }
0x59: {  	v56 =	vld [tilespmem:s22+$0x100];
	v30 =	vadd.f32 v25, v30;
	v31 =	vadd.f32 v26, v31;
	v25 =	vmul.f32 v36, v18  }
0x5a: {  	s26 =	sand.u32 $0x780, s15;
	v28 =	vadd.f32 v28, v45;
	v52 =	vadd.f32 v22, v23;
	v26 =	vmul.f32 v36, v21  }
0x5b: {  	s18 =	sor.u32 s26, s18;
	v22 =	vbroadcast v4, $0x2;
	v29 =	vadd.f32 v47, v29;
	v53 =	vadd.f32 v51, v48  }
0x5c: {  	v50 =	vld [tilespmem:s18+$0x2280];
	v23 =	vbroadcast v4, $0x3;
	v42 =	vadd.f32 v62, v61;
	v54 =	vadd.f32 v25, v49  }
0x5d: {  	v45 =	vmul.f32 v58, v13;
	v36 =	vadd.f32 v26, v24;
	v24 =	vadd.f32 v30, v46  }
0x5e: {  	v47 =	vmul.f32 v56, v21;
	v55 =	vadd.f32 v31, v46;
	v57 =	vadd.f32 v28, v46  }
0x5f: {  	v48 =	vmul.f32 v43, v14;
	v33 =	vadd.f32 v52, v46;
	v30 =	vadd.f32 v30, v8  }
0x60: {  	v25 =	vimm.f32 $+Inf;
	v31 =	vadd.f32 v31, v9;
	v28 =	vadd.f32 v28, v22  }
0x61: {  	s21 =	sor.u32 $0x10, s21;
	v46 =	vmul.f32 v56, v18;
	v32 =	vadd.f32 v52, v23;
	v26 =	vadd.f32 v29, v50  }
0x62: {  	s20 =	sor.u32 s21, s20;
	v49 =	vmul.f32 v58, v16;
	v39 =	vadd.f32 v53, v50;
	v29 =	vadd.f32 v29, v8  }
0x63: {  	v40 =	vld [tilespmem:s20+$0x80];
	v34 =	vadd.f32 v53, v9;
	v58 =	vadd.f32 v48, v45;
	v24 =	vmin.f32 v25, v24  }
0x64: {  	v38 =	vadd.f32 v36, v50;
	v59 =	vmin.f32 v25, v57;
	v33 =	vmin.f32 v25, v33  }
0x65: {  	v51 =	vadd.f32 v54, v22;
	v52 =	vadd.f32 v36, v23;
	v31 =	vmin.f32 v30, v31  }
0x66: {  	v53 =	vld [tilespmem:s20+$0x100];
	v37 =	vmin.f32 v28, v32;
	v27 =	vmin.f32 v24, v26;
	v26 =	vmin.f32 v25, v55  }
0x67: {  	v24 =	vadd.f32 v54, v50;
	v50 =	vmul.f32 v43, v17;
	v26 =	vmin.f32 v26, v39;
	v39 =	vld [tilespmem:s20+$0x0]  }
0x68: {  	v57 =	vadd.f32 v44, v60;
	v54 =	vmul.f32 v40, v11;
	v55 =	vmul.f32 v40, v14  }
0x69: {  	v25 =	vmin.f32 v59, v24;
	v24 =	vmin.f32 v33, v38;
	v33 =	vmul.f32 v56, v12  }
0x6a: {  	v36 =	vmin.f32 v29, v34;
	v38 =	vmul.f32 v56, v15;
	v56 =	vmul.f32 v40, v17  }
0x6b: {  	s26 =	simm.s32 $0x20;
	v59 =	vadd.f32 v50, v49;
	v40 =	vmul.f32 v40, v20;
	v61 =	vmul.f32 v53, v12  }
0x6c: {  	s31 =	sand.u32 $0x780, s19;
	v35 =	vld [tilespmem:s26+$0x2280];
	v41 =	vadd.f32 v38, v58;
	v63 =	vmul.f32 v39, v10;
	v32 =	vmul.f32 v39, v16  }
0x6d: {  	s21 =	sor.u32 s31, s21;
	v28 =	vld [tilespmem:s18+$0x2A80];
	v34 =	vadd.f32 v46, v59;
	v30 =	vmul.f32 v39, v13;
	v39 =	vmul.f32 v39, v19  }
0x6e: {  	v45 =	vmul.f32 v53, v18;
	v60 =	vadd.f32 v54, v63;
	v43 =	vadd.f32 v56, v32;
	v32 =	vld [tilespmem:s21+$0x2280]  }
0x6f: {  	v29 =	vld [tilespmem:s17+$0x2A80];
	v62 =	vadd.f32 v55, v30;
	v63 =	vmul.f32 v53, v15;
	v44 =	vadd.f32 v40, v39  }
0x70: {  	v40 =	vadd.f32 v33, v57;
	v33 =	vld [tilespmem:s21+$0x2A80];
	v30 =	vadd.f32 v47, v42;
	v47 =	vmul.f32 v53, v21  }
0x71: {  	s22 =	simm.s32 $0x100;
	s20 =	simm.s32 $0x2;
	v46 =	vmin.f32 v51, v52;
	v42 =	vld [tilespmem:s26+$0x2A80];
	v39 =	vadd.f32 v61, v60;
	v38 =	vadd.f32 v63, v62  }
.LBB2_5:
0x72: {  	s29 =	sand.u32 $0x1E00, s22;
	v43 =	vadd.f32 v45, v43;
	v44 =	vadd.f32 v47, v44;
	s19 =	sadd.s32 $0x20, s19;
	v31 =	vmin.f32 v31, v37  }
0x73: {  	v37 =	vadd.f32 v40, v35;
	v36 =	vmin.f32 v36, v46;
	s31 =	sand.u32 $0x60, s19;
	s0 =	sadd.s32 $0x280, s29;
	v45 =	vadd.f32 v39, v32  }
0x74: {  	v46 =	vadd.f32 v41, v35;
	v47 =	vadd.f32 v38, v32;
	v49 =	vmin.f32 v29, v31;
	s29 =	sor.u32 s31, s0  }
0x75: {  	v27 =	vmin.f32 v27, v37;
	v37 =	vadd.f32 v34, v35;
	v35 =	vadd.f32 v30, v35;
	v31 =	vld [tilespmem:s29+$0x100];
	[tilespmem:s17+$0x2A80] =	vst v49;
	s17 =	smov.u32 s26  }
0x76: {  	v27 =	vmin.f32 v27, v45;
	v45 =	vadd.f32 v43, v32;
	v32 =	vadd.f32 v44, v32;
	v29 =	vmovc v42;
	v48 =	vld [tilespmem:s29+$0x0]  }
0x77: {  	v26 =	vmin.f32 v26, v46;
	v25 =	vmin.f32 v25, v37;
	v24 =	vmin.f32 v24, v35;
	v42 =	vld [tilespmem:s29+$0x80]  }
0x78: {  	v26 =	vmin.f32 v26, v47;
	s29 =	sor.u32 $0x10, s31;
	v25 =	vmin.f32 v25, v45;
	v24 =	vmin.f32 v24, v32  }
0x79: {  	v36 =	vmin.f32 v28, v36;
	v28 =	vmovc v33;
	v35 =	vadd.f32 v41, v9;
	v32 =	vadd.f32 v40, v8;
	s0 =	sor.u32 s29, s0  }
0x7a: {  	v34 =	vadd.f32 v34, v22;
	v33 =	vmul.f32 v31, v12;
	v41 =	vmul.f32 v31, v15;
	v40 =	vld [tilespmem:s0+$0x0];
	[tilespmem:s18+$0x2A80] =	vst v36;
	s18 =	smov.u32 s21  }
0x7b: {  	v30 =	vadd.f32 v30, v23;
	v46 =	vmul.f32 v31, v18;
	v47 =	vmul.f32 v31, v21;
	v45 =	vld [tilespmem:s0+$0x80]  }
0x7c: {  	v36 =	vadd.f32 v39, v8;
	v49 =	vmul.f32 v48, v10;
	v50 =	vmul.f32 v42, v11  }
0x7d: {  	s20 =	sadd.s32 $0x2, s20;
	v38 =	vadd.f32 v38, v9;
	v39 =	vmul.f32 v48, v13;
	v51 =	vmul.f32 v42, v14  }
0x7e: {  	p1 =	slt.u32 s20, $0x7E;
	v54 =	vadd.f32 v43, v22;
	v52 =	vmul.f32 v48, v16;
	v53 =	vmul.f32 v42, v17  }
0x7f: {  	v43 =	vmul.f32 v48, v19;
	v48 =	vadd.f32 v44, v23;
	v42 =	vmul.f32 v42, v20  }
0x80: {  	v31 =	vmin.f32 v32, v35;
	v44 =	vmul.f32 v40, v10;
	v55 =	vld [tilespmem:s0+$0x100];
	v56 =	vmul.f32 v45, v11  }
0x81: {  	v37 =	vmin.f32 v34, v30;
	v32 =	vmul.f32 v40, v13;
	v57 =	vmul.f32 v45, v14  }
0x82: {  	v36 =	vmin.f32 v36, v38;
	v30 =	vmul.f32 v40, v16;
	v34 =	vmul.f32 v45, v17  }
0x83: {  	v38 =	vadd.f32 v50, v49;
	v39 =	vadd.f32 v51, v39;
	v40 =	vmul.f32 v40, v19  }
0x84: {  	s26 =	sshra.s32 s22, $0x2;
	v49 =	vadd.f32 v53, v52;
	v42 =	vadd.f32 v42, v43;
	s0 =	sand.u32 $0x780, s19;
	v45 =	vmul.f32 v45, v20  }
.Ltmp3:
0x85: {  	s21 =	sor.u32 s0, s29;
	v50 =	vadd.f32 v56, v44;
	v52 =	vadd.f32 v57, v32;
	v35 =	vld [tilespmem:s26+$0x2280];
	v51 =	vmul.f32 v55, v12;
	(pc) =	sbr.rel @p1 .LBB2_5-.Ltmp3, $4  }
0x86: {  	v43 =	vadd.f32 v34, v30;
	v44 =	vadd.f32 v45, v40;
	v53 =	vmul.f32 v55, v15;
	v32 =	vld [tilespmem:s21+$0x2280]  }
0x87: {  	v41 =	vadd.f32 v41, v39;
	v40 =	vadd.f32 v33, v38;
	v45 =	vmul.f32 v55, v18;
	v33 =	vld [tilespmem:s21+$0x2A80]  }
0x88: {  	v34 =	vadd.f32 v46, v49;
	v30 =	vadd.f32 v47, v42;
	v47 =	vmul.f32 v55, v21;
	v42 =	vld [tilespmem:s26+$0x2A80]  }
0x89: {  	s22 =	sadd.s32 $0x80, s22;
	v46 =	vmin.f32 v54, v48;
	v39 =	vadd.f32 v51, v50;
	v38 =	vadd.f32 v53, v52  }
0x8a: {  	v10 =	vadd.f32 v45, v43;
	v11 =	vadd.f32 v47, v44  }
0x8b: {  	v12 =	vadd.f32 v40, v35;
	v14 =	vadd.f32 v41, v35  }
0x8c: {  	v16 =	vadd.f32 v40, v8;
	v17 =	vadd.f32 v41, v9  }
0x8d: {  	v19 =	vadd.f32 v34, v22;
	v20 =	vadd.f32 v30, v23  }
0x8e: {  	v18 =	vmin.f32 v31, v37;
	v13 =	vadd.f32 v39, v32;
	v15 =	vadd.f32 v38, v32  }
0x8f: {  	v21 =	vmin.f32 v36, v46;
	v8 =	vadd.f32 v39, v8;
	v9 =	vadd.f32 v38, v9  }
0x90: {  	v18 =	vmin.f32 v29, v18;
	v22 =	vadd.f32 v10, v22;
	v23 =	vadd.f32 v11, v23  }
0x91: {  	v21 =	vmin.f32 v28, v21;
	v16 =	vmin.f32 v16, v17;
	v17 =	vmin.f32 v19, v20  }
0x92: {  	[tilespmem:s17+$0x2A80] =	vst v18;
	v8 =	vmin.f32 v8, v9;
	v16 =	vmin.f32 v16, v17;
	v9 =	vmin.f32 v22, v23  }
0x93: {  	v12 =	vmin.f32 v27, v12;
	[tilespmem:s18+$0x2A80] =	vst v21;
	v8 =	vmin.f32 v8, v9;
	v9 =	vmin.f32 v42, v16  }
0x94: {  	v10 =	vadd.f32 v10, v32;
	v16 =	vadd.f32 v34, v35;
	[tilespmem:s26+$0x2A80] =	vst v9;
	v8 =	vmin.f32 v33, v8  }
0x95: {  	v17 =	vadd.f32 v30, v35;
	v9 =	vmin.f32 v12, v13;
	v12 =	vmin.f32 v26, v14;
	[tilespmem:s21+$0x2A80] =	vst v8  }
0x96: {  	s0 =	simm.s32 $0x0;
	v8 =	vadd.f32 v11, v32;
	v11 =	vmin.f32 v25, v16;
	v12 =	vmin.f32 v12, v15;
	[tilespmem:$0x3A80] =	vst v9  }
0x97: {  	s21 =	sand.u32 $0x1E00, s0;
	v9 =	vmin.f32 v24, v17;
	v10 =	vmin.f32 v11, v10;
	[tilespmem:$0x3B00] =	vst v12  }
0x98: {  	s22 =	sand.u32 $0x60, s0;
	s17 =	sadd.s32 $0x280, s21;
	v8 =	vmin.f32 v9, v8;
	[tilespmem:$0x3B80] =	vst v10  }
0x99: {  	v18 =	vbroadcast v6, $0x6;
	v19 =	vbroadcast v7, $0x7;
	s19 =	sor.u32 s22, s17;
	[tilespmem:$0x3C00] =	vst v8  }
0x9a: {  	v20 =	vbroadcast v5, $0x7;
	v21 =	vbroadcast v6, $0x7;
	v22 =	vld [tilespmem:s19+$0x100]  }
0x9b: {  	v13 =	vbroadcast v7, $0x5;
	v14 =	vbroadcast v5, $0x5;
	v23 =	vld [tilespmem:s19+$0x0]  }
0x9c: {  	v15 =	vbroadcast v6, $0x5;
	v16 =	vbroadcast v7, $0x6;
	v24 =	vld [tilespmem:s19+$0x80]  }
0x9d: {  	s18 =	sor.u32 $0x10, s22;
	v11 =	vbroadcast v5, $0x4;
	v12 =	vbroadcast v6, $0x4  }
0x9e: {  	v17 =	vbroadcast v5, $0x6;
	v10 =	vbroadcast v7, $0x4;
	s17 =	sor.u32 s18, s17  }
0x9f: {  	v27 =	vld [tilespmem:s17+$0x0];
	v25 =	vmul.f32 v22, v12;
	v26 =	vmul.f32 v22, v15  }
0xa0: {  	v29 =	vld [tilespmem:s17+$0x80];
	v28 =	vmul.f32 v22, v18;
	v22 =	vmul.f32 v22, v21  }
0xa1: {  	v30 =	vmul.f32 v23, v10;
	v31 =	vmul.f32 v24, v11  }
0xa2: {  	v53 =	vmul.f32 v23, v13;
	v54 =	vmul.f32 v24, v14  }
0xa3: {  	v55 =	vmul.f32 v23, v16;
	v56 =	vmul.f32 v24, v17  }
0xa4: {  	v23 =	vmul.f32 v23, v19;
	v24 =	vmul.f32 v24, v20  }
0xa5: {  	v57 =	vld [tilespmem:s17+$0x100];
	v58 =	vmul.f32 v27, v10;
	v59 =	vmul.f32 v29, v11  }
0xa6: {  	v60 =	vmul.f32 v27, v13;
	v61 =	vmul.f32 v29, v14  }
0xa7: {  	v62 =	vmul.f32 v27, v16;
	v63 =	vmul.f32 v29, v17;
	v30 =	vadd.f32 v31, v30  }
0xa8: {  	v27 =	vmul.f32 v27, v19;
	v31 =	vadd.f32 v54, v53;
	v44 =	vadd.f32 v56, v55  }
0xa9: {  	s0 =	sand.u32 $0x780, s0;
	s17 =	simm.s32 $0x0;
	v23 =	vadd.f32 v24, v23;
	v24 =	vmul.f32 v29, v20;
	v29 =	vadd.f32 v59, v58  }
0xaa: {  	s18 =	sor.u32 s0, s18;
	v45 =	vld [tilespmem:s17+$0x2280];
	v46 =	vmul.f32 v57, v12;
	v47 =	vadd.f32 v61, v60;
	v48 =	vadd.f32 v63, v62  }
0xab: {  	s26 =	simm.s32 $0x80;
	v49 =	vld [tilespmem:s18+$0x2280];
	v50 =	vmul.f32 v57, v15;
	v24 =	vadd.f32 v24, v27;
	v30 =	vadd.f32 v25, v30  }
0xac: {  	s0 =	sand.u32 $0x1E00, s26;
	s19 =	simm.s32 $0x20;
	v31 =	vadd.f32 v26, v31;
	v25 =	vmul.f32 v57, v18;
	v28 =	vadd.f32 v28, v44  }
0xad: {  	s0 =	sadd.s32 $0x280, s0;
	s20 =	sand.u32 $0x60, s19;
	v51 =	vadd.f32 v22, v23;
	v26 =	vmul.f32 v57, v21;
	v29 =	vadd.f32 v46, v29  }
0xae: {  	s29 =	sor.u32 s20, s0;
	v52 =	vadd.f32 v50, v47;
	v53 =	vadd.f32 v25, v48  }
0xaf: {  	v9 =	vbroadcast v4, $0x5;
	v55 =	vld [tilespmem:s29+$0x100];
	v36 =	vadd.f32 v26, v24;
	v24 =	vadd.f32 v30, v45  }
0xb0: {  	v8 =	vbroadcast v4, $0x4;
	v58 =	vld [tilespmem:s29+$0x80];
	v26 =	vadd.f32 v29, v49;
	v54 =	vadd.f32 v31, v45  }
0xb1: {  	v22 =	vbroadcast v4, $0x6;
	v39 =	vadd.f32 v52, v49;
	v56 =	vadd.f32 v28, v45  }
0xb2: {  	s20 =	sor.u32 $0x10, s20;
	v23 =	vbroadcast v4, $0x7;
	v33 =	vadd.f32 v51, v45;
	v30 =	vadd.f32 v30, v8  }
0xb3: {  	s0 =	sor.u32 s20, s0;
	v25 =	vimm.f32 $+Inf;
	v31 =	vadd.f32 v31, v9;
	v28 =	vadd.f32 v28, v22  }
0xb4: {  	v40 =	vld [tilespmem:s0+$0x80];
	v32 =	vadd.f32 v51, v23;
	v46 =	vmul.f32 v55, v18;
	v47 =	vmul.f32 v55, v21  }
0xb5: {  	v29 =	vadd.f32 v29, v8;
	v44 =	vmul.f32 v58, v11;
	v48 =	vmul.f32 v58, v14  }
0xb6: {  	v57 =	vld [tilespmem:s29+$0x0];
	v34 =	vadd.f32 v52, v9;
	v50 =	vmul.f32 v58, v17;
	v62 =	vmul.f32 v58, v20  }
0xb7: {  	v24 =	vmin.f32 v25, v24;
	v38 =	vadd.f32 v36, v49;
	v59 =	vmin.f32 v25, v56  }
0xb8: {  	v33 =	vmin.f32 v25, v33;
	v51 =	vadd.f32 v53, v22;
	v52 =	vadd.f32 v36, v23  }
0xb9: {  	v31 =	vmin.f32 v30, v31;
	v37 =	vmin.f32 v28, v32;
	v56 =	vmul.f32 v40, v17  }
0xba: {  	v36 =	vmin.f32 v29, v34;
	v27 =	vmin.f32 v24, v26;
	v24 =	vadd.f32 v53, v49  }
0xbb: {  	v26 =	vmin.f32 v25, v54;
	v41 =	vmul.f32 v57, v10;
	v60 =	vmul.f32 v57, v13;
	v53 =	vld [tilespmem:s0+$0x100]  }
0xbc: {  	v49 =	vmul.f32 v57, v16;
	v61 =	vmul.f32 v57, v19;
	v26 =	vmin.f32 v26, v39;
	v39 =	vld [tilespmem:s0+$0x0]  }
0xbd: {  	v54 =	vmul.f32 v40, v11;
	v25 =	vmin.f32 v59, v24;
	v24 =	vmin.f32 v33, v38  }
0xbe: {  	v33 =	vmul.f32 v55, v12;
	v38 =	vmul.f32 v55, v15;
	v57 =	vadd.f32 v44, v41  }
0xbf: {  	v55 =	vmul.f32 v40, v14;
	v58 =	vadd.f32 v48, v60;
	v59 =	vadd.f32 v50, v49  }
0xc0: {  	s26 =	simm.s32 $0x20;
	v42 =	vadd.f32 v62, v61;
	v40 =	vmul.f32 v40, v20;
	v61 =	vmul.f32 v53, v12  }
0xc1: {  	v35 =	vld [tilespmem:s26+$0x2280];
	s31 =	sand.u32 $0x780, s19;
	v41 =	vadd.f32 v38, v58;
	v63 =	vmul.f32 v39, v10;
	v32 =	vmul.f32 v39, v16  }
0xc2: {  	s21 =	sor.u32 s31, s20;
	v28 =	vld [tilespmem:s18+$0x2A80];
	v34 =	vadd.f32 v46, v59;
	v30 =	vmul.f32 v39, v13;
	v39 =	vmul.f32 v39, v19  }
0xc3: {  	v45 =	vmul.f32 v53, v18;
	v60 =	vadd.f32 v54, v63;
	v43 =	vadd.f32 v56, v32;
	v32 =	vld [tilespmem:s21+$0x2280]  }
0xc4: {  	v29 =	vld [tilespmem:s17+$0x2A80];
	v62 =	vadd.f32 v55, v30;
	v63 =	vmul.f32 v53, v15;
	v44 =	vadd.f32 v40, v39  }
0xc5: {  	v40 =	vadd.f32 v33, v57;
	v33 =	vld [tilespmem:s21+$0x2A80];
	v30 =	vadd.f32 v47, v42;
	v47 =	vmul.f32 v53, v21  }
0xc6: {  	s22 =	simm.s32 $0x100;
	s20 =	simm.s32 $0x2;
	v46 =	vmin.f32 v51, v52;
	v42 =	vld [tilespmem:s26+$0x2A80];
	v39 =	vadd.f32 v61, v60;
	v38 =	vadd.f32 v63, v62  }
.LBB2_7:
0xc7: {  	s0 =	sand.u32 $0x1E00, s22;
	v43 =	vadd.f32 v45, v43;
	v44 =	vadd.f32 v47, v44;
	s19 =	sadd.s32 $0x20, s19;
	v31 =	vmin.f32 v31, v37  }
0xc8: {  	v37 =	vadd.f32 v40, v35;
	v36 =	vmin.f32 v36, v46;
	s29 =	sand.u32 $0x60, s19;
	s0 =	sadd.s32 $0x280, s0;
	v45 =	vadd.f32 v39, v32  }
0xc9: {  	v46 =	vadd.f32 v41, v35;
	v47 =	vadd.f32 v38, v32;
	v49 =	vmin.f32 v29, v31;
	s31 =	sor.u32 s29, s0  }
0xca: {  	v27 =	vmin.f32 v27, v37;
	v37 =	vadd.f32 v34, v35;
	v35 =	vadd.f32 v30, v35;
	v31 =	vld [tilespmem:s31+$0x100];
	[tilespmem:s17+$0x2A80] =	vst v49;
	s17 =	smov.u32 s26  }
0xcb: {  	v27 =	vmin.f32 v27, v45;
	v45 =	vadd.f32 v43, v32;
	v32 =	vadd.f32 v44, v32;
	v29 =	vmovc v42;
	v48 =	vld [tilespmem:s31+$0x0]  }
0xcc: {  	v26 =	vmin.f32 v26, v46;
	v25 =	vmin.f32 v25, v37;
	v24 =	vmin.f32 v24, v35;
	v42 =	vld [tilespmem:s31+$0x80]  }
0xcd: {  	s29 =	sor.u32 $0x10, s29;
	v26 =	vmin.f32 v26, v47;
	v25 =	vmin.f32 v25, v45;
	v24 =	vmin.f32 v24, v32  }
0xce: {  	v36 =	vmin.f32 v28, v36;
	v28 =	vmovc v33;
	s0 =	sor.u32 s29, s0;
	v35 =	vadd.f32 v41, v9;
	v32 =	vadd.f32 v40, v8  }
0xcf: {  	v34 =	vadd.f32 v34, v22;
	v33 =	vmul.f32 v31, v12;
	v41 =	vmul.f32 v31, v15;
	v40 =	vld [tilespmem:s0+$0x0];
	[tilespmem:s18+$0x2A80] =	vst v36;
	s18 =	smov.u32 s21  }
0xd0: {  	v30 =	vadd.f32 v30, v23;
	v46 =	vmul.f32 v31, v18;
	v47 =	vmul.f32 v31, v21;
	v45 =	vld [tilespmem:s0+$0x80]  }
0xd1: {  	v36 =	vadd.f32 v39, v8;
	v49 =	vmul.f32 v48, v10;
	v50 =	vmul.f32 v42, v11  }
0xd2: {  	s20 =	sadd.s32 $0x2, s20;
	v38 =	vadd.f32 v38, v9;
	v39 =	vmul.f32 v48, v13;
	v51 =	vmul.f32 v42, v14  }
0xd3: {  	p1 =	slt.u32 s20, $0x7E;
	v54 =	vadd.f32 v43, v22;
	v52 =	vmul.f32 v48, v16;
	v53 =	vmul.f32 v42, v17  }
0xd4: {  	v43 =	vmul.f32 v48, v19;
	v48 =	vadd.f32 v44, v23;
	v42 =	vmul.f32 v42, v20  }
0xd5: {  	v31 =	vmin.f32 v32, v35;
	v44 =	vmul.f32 v40, v10;
	v55 =	vld [tilespmem:s0+$0x100];
	v56 =	vmul.f32 v45, v11  }
0xd6: {  	v37 =	vmin.f32 v34, v30;
	v32 =	vmul.f32 v40, v13;
	v57 =	vmul.f32 v45, v14  }
0xd7: {  	v36 =	vmin.f32 v36, v38;
	v30 =	vmul.f32 v40, v16;
	v34 =	vmul.f32 v45, v17  }
0xd8: {  	v38 =	vadd.f32 v50, v49;
	v39 =	vadd.f32 v51, v39;
	v40 =	vmul.f32 v40, v19  }
0xd9: {  	s26 =	sshra.s32 s22, $0x2;
	v49 =	vadd.f32 v53, v52;
	v42 =	vadd.f32 v42, v43;
	s0 =	sand.u32 $0x780, s19;
	v45 =	vmul.f32 v45, v20  }
.Ltmp4:
0xda: {  	s21 =	sor.u32 s0, s29;
	v50 =	vadd.f32 v56, v44;
	v52 =	vadd.f32 v57, v32;
	v35 =	vld [tilespmem:s26+$0x2280];
	v51 =	vmul.f32 v55, v12;
	(pc) =	sbr.rel @p1 .LBB2_7-.Ltmp4, $4  }
0xdb: {  	v43 =	vadd.f32 v34, v30;
	v44 =	vadd.f32 v45, v40;
	v53 =	vmul.f32 v55, v15;
	v32 =	vld [tilespmem:s21+$0x2280]  }
0xdc: {  	v41 =	vadd.f32 v41, v39;
	v40 =	vadd.f32 v33, v38;
	v45 =	vmul.f32 v55, v18;
	v33 =	vld [tilespmem:s21+$0x2A80]  }
0xdd: {  	v34 =	vadd.f32 v46, v49;
	v30 =	vadd.f32 v47, v42;
	v47 =	vmul.f32 v55, v21;
	v42 =	vld [tilespmem:s26+$0x2A80]  }
0xde: {  	s22 =	sadd.s32 $0x80, s22;
	v46 =	vmin.f32 v54, v48;
	v39 =	vadd.f32 v51, v50;
	v38 =	vadd.f32 v53, v52  }
0xdf: {  	v10 =	vadd.f32 v45, v43;
	v11 =	vadd.f32 v47, v44  }
0xe0: {  	v12 =	vadd.f32 v40, v35;
	v14 =	vadd.f32 v41, v35  }
0xe1: {  	v16 =	vadd.f32 v40, v8;
	v17 =	vadd.f32 v41, v9  }
0xe2: {  	v19 =	vadd.f32 v34, v22;
	v20 =	vadd.f32 v30, v23  }
0xe3: {  	v18 =	vmin.f32 v31, v37;
	v13 =	vadd.f32 v39, v32;
	v15 =	vadd.f32 v38, v32  }
0xe4: {  	v21 =	vmin.f32 v36, v46;
	v8 =	vadd.f32 v39, v8;
	v9 =	vadd.f32 v38, v9  }
0xe5: {  	v18 =	vmin.f32 v29, v18;
	v22 =	vadd.f32 v10, v22;
	v23 =	vadd.f32 v11, v23  }
0xe6: {  	v21 =	vmin.f32 v28, v21;
	v16 =	vmin.f32 v16, v17;
	v17 =	vmin.f32 v19, v20  }
0xe7: {  	[tilespmem:s17+$0x2A80] =	vst v18;
	v8 =	vmin.f32 v8, v9;
	v16 =	vmin.f32 v16, v17;
	v9 =	vmin.f32 v22, v23  }
0xe8: {  	v12 =	vmin.f32 v27, v12;
	[tilespmem:s18+$0x2A80] =	vst v21;
	v8 =	vmin.f32 v8, v9;
	v9 =	vmin.f32 v42, v16  }
0xe9: {  	v10 =	vadd.f32 v10, v32;
	v16 =	vadd.f32 v34, v35;
	[tilespmem:s26+$0x2A80] =	vst v9;
	v8 =	vmin.f32 v33, v8  }
0xea: {  	v17 =	vadd.f32 v30, v35;
	v9 =	vmin.f32 v12, v13;
	v12 =	vmin.f32 v26, v14;
	[tilespmem:s21+$0x2A80] =	vst v8  }
0xeb: {  	s0 =	simm.s32 $0x0;
	v8 =	vadd.f32 v11, v32;
	v11 =	vmin.f32 v25, v16;
	v12 =	vmin.f32 v12, v15;
	[tilespmem:$0x3C80] =	vst v9  }
0xec: {  	s21 =	sand.u32 $0x1E00, s0;
	v9 =	vmin.f32 v24, v17;
	v10 =	vmin.f32 v11, v10;
	[tilespmem:$0x3D00] =	vst v12  }
0xed: {  	s22 =	sand.u32 $0x60, s0;
	s17 =	sadd.s32 $0x280, s21;
	v8 =	vmin.f32 v9, v8;
	[tilespmem:$0x3D80] =	vst v10  }
0xee: {  	v18 =	vbroadcast v6, $0xA;
	v19 =	vbroadcast v7, $0xB;
	s19 =	sor.u32 s22, s17;
	[tilespmem:$0x3E00] =	vst v8  }
0xef: {  	v20 =	vbroadcast v5, $0xB;
	v21 =	vbroadcast v6, $0xB;
	v22 =	vld [tilespmem:s19+$0x100]  }
0xf0: {  	v13 =	vbroadcast v7, $0x9;
	v14 =	vbroadcast v5, $0x9;
	v23 =	vld [tilespmem:s19+$0x0]  }
0xf1: {  	v15 =	vbroadcast v6, $0x9;
	v16 =	vbroadcast v7, $0xA;
	v24 =	vld [tilespmem:s19+$0x80]  }
0xf2: {  	s18 =	sor.u32 $0x10, s22;
	v11 =	vbroadcast v5, $0x8;
	v12 =	vbroadcast v6, $0x8  }
0xf3: {  	v17 =	vbroadcast v5, $0xA;
	v10 =	vbroadcast v7, $0x8;
	s17 =	sor.u32 s18, s17  }
0xf4: {  	v27 =	vld [tilespmem:s17+$0x0];
	v25 =	vmul.f32 v22, v12;
	v26 =	vmul.f32 v22, v15  }
0xf5: {  	v29 =	vld [tilespmem:s17+$0x80];
	v28 =	vmul.f32 v22, v18;
	v22 =	vmul.f32 v22, v21  }
0xf6: {  	v30 =	vmul.f32 v23, v10;
	v31 =	vmul.f32 v24, v11  }
0xf7: {  	v53 =	vmul.f32 v23, v13;
	v54 =	vmul.f32 v24, v14  }
0xf8: {  	v55 =	vmul.f32 v23, v16;
	v56 =	vmul.f32 v24, v17  }
0xf9: {  	v23 =	vmul.f32 v23, v19;
	v24 =	vmul.f32 v24, v20  }
0xfa: {  	v57 =	vld [tilespmem:s17+$0x100];
	v58 =	vmul.f32 v27, v10;
	v59 =	vmul.f32 v29, v11  }
0xfb: {  	v60 =	vmul.f32 v27, v13;
	v61 =	vmul.f32 v29, v14  }
0xfc: {  	v62 =	vmul.f32 v27, v16;
	v63 =	vmul.f32 v29, v17;
	v30 =	vadd.f32 v31, v30  }
0xfd: {  	v27 =	vmul.f32 v27, v19;
	v31 =	vadd.f32 v54, v53;
	v44 =	vadd.f32 v56, v55  }
0xfe: {  	s0 =	sand.u32 $0x780, s0;
	s17 =	simm.s32 $0x0;
	v23 =	vadd.f32 v24, v23;
	v24 =	vmul.f32 v29, v20;
	v29 =	vadd.f32 v59, v58  }
0xff: {  	s18 =	sor.u32 s0, s18;
	v45 =	vld [tilespmem:s17+$0x2280];
	v46 =	vmul.f32 v57, v12;
	v47 =	vadd.f32 v61, v60;
	v48 =	vadd.f32 v63, v62  }
0x100: {  	s26 =	simm.s32 $0x80;
	v49 =	vld [tilespmem:s18+$0x2280];
	v50 =	vmul.f32 v57, v15;
	v24 =	vadd.f32 v24, v27;
	v30 =	vadd.f32 v25, v30  }
0x101: {  	s0 =	sand.u32 $0x1E00, s26;
	s19 =	simm.s32 $0x20;
	v31 =	vadd.f32 v26, v31;
	v25 =	vmul.f32 v57, v18;
	v28 =	vadd.f32 v28, v44  }
0x102: {  	s0 =	sadd.s32 $0x280, s0;
	s20 =	sand.u32 $0x60, s19;
	v51 =	vadd.f32 v22, v23;
	v26 =	vmul.f32 v57, v21;
	v29 =	vadd.f32 v46, v29  }
0x103: {  	s29 =	sor.u32 s20, s0;
	v52 =	vadd.f32 v50, v47;
	v53 =	vadd.f32 v25, v48  }
0x104: {  	v9 =	vbroadcast v4, $0x9;
	v55 =	vld [tilespmem:s29+$0x100];
	v36 =	vadd.f32 v26, v24;
	v24 =	vadd.f32 v30, v45  }
0x105: {  	v8 =	vbroadcast v4, $0x8;
	v58 =	vld [tilespmem:s29+$0x80];
	v26 =	vadd.f32 v29, v49;
	v54 =	vadd.f32 v31, v45  }
0x106: {  	v22 =	vbroadcast v4, $0xA;
	v39 =	vadd.f32 v52, v49;
	v56 =	vadd.f32 v28, v45  }
0x107: {  	s20 =	sor.u32 $0x10, s20;
	v23 =	vbroadcast v4, $0xB;
	v33 =	vadd.f32 v51, v45;
	v30 =	vadd.f32 v30, v8  }
0x108: {  	s0 =	sor.u32 s20, s0;
	v25 =	vimm.f32 $+Inf;
	v31 =	vadd.f32 v31, v9;
	v28 =	vadd.f32 v28, v22  }
0x109: {  	v40 =	vld [tilespmem:s0+$0x80];
	v32 =	vadd.f32 v51, v23;
	v46 =	vmul.f32 v55, v18;
	v47 =	vmul.f32 v55, v21  }
0x10a: {  	v29 =	vadd.f32 v29, v8;
	v44 =	vmul.f32 v58, v11;
	v48 =	vmul.f32 v58, v14  }
0x10b: {  	v57 =	vld [tilespmem:s29+$0x0];
	v34 =	vadd.f32 v52, v9;
	v50 =	vmul.f32 v58, v17;
	v62 =	vmul.f32 v58, v20  }
0x10c: {  	v24 =	vmin.f32 v25, v24;
	v38 =	vadd.f32 v36, v49;
	v59 =	vmin.f32 v25, v56  }
0x10d: {  	v33 =	vmin.f32 v25, v33;
	v51 =	vadd.f32 v53, v22;
	v52 =	vadd.f32 v36, v23  }
0x10e: {  	v31 =	vmin.f32 v30, v31;
	v37 =	vmin.f32 v28, v32;
	v56 =	vmul.f32 v40, v17  }
0x10f: {  	v36 =	vmin.f32 v29, v34;
	v27 =	vmin.f32 v24, v26;
	v24 =	vadd.f32 v53, v49  }
0x110: {  	v26 =	vmin.f32 v25, v54;
	v41 =	vmul.f32 v57, v10;
	v60 =	vmul.f32 v57, v13;
	v53 =	vld [tilespmem:s0+$0x100]  }
0x111: {  	v49 =	vmul.f32 v57, v16;
	v61 =	vmul.f32 v57, v19;
	v26 =	vmin.f32 v26, v39;
	v39 =	vld [tilespmem:s0+$0x0]  }
0x112: {  	v54 =	vmul.f32 v40, v11;
	v25 =	vmin.f32 v59, v24;
	v24 =	vmin.f32 v33, v38  }
0x113: {  	v33 =	vmul.f32 v55, v12;
	v38 =	vmul.f32 v55, v15;
	v57 =	vadd.f32 v44, v41  }
0x114: {  	v55 =	vmul.f32 v40, v14;
	v58 =	vadd.f32 v48, v60;
	v59 =	vadd.f32 v50, v49  }
0x115: {  	s26 =	simm.s32 $0x20;
	v42 =	vadd.f32 v62, v61;
	v40 =	vmul.f32 v40, v20;
	v61 =	vmul.f32 v53, v12  }
0x116: {  	v35 =	vld [tilespmem:s26+$0x2280];
	s31 =	sand.u32 $0x780, s19;
	v41 =	vadd.f32 v38, v58;
	v63 =	vmul.f32 v39, v10;
	v32 =	vmul.f32 v39, v16  }
0x117: {  	s21 =	sor.u32 s31, s20;
	v28 =	vld [tilespmem:s18+$0x2A80];
	v34 =	vadd.f32 v46, v59;
	v30 =	vmul.f32 v39, v13;
	v39 =	vmul.f32 v39, v19  }
0x118: {  	v45 =	vmul.f32 v53, v18;
	v60 =	vadd.f32 v54, v63;
	v43 =	vadd.f32 v56, v32;
	v32 =	vld [tilespmem:s21+$0x2280]  }
0x119: {  	v29 =	vld [tilespmem:s17+$0x2A80];
	v62 =	vadd.f32 v55, v30;
	v63 =	vmul.f32 v53, v15;
	v44 =	vadd.f32 v40, v39  }
0x11a: {  	v40 =	vadd.f32 v33, v57;
	v33 =	vld [tilespmem:s21+$0x2A80];
	v30 =	vadd.f32 v47, v42;
	v47 =	vmul.f32 v53, v21  }
0x11b: {  	s22 =	simm.s32 $0x100;
	s20 =	simm.s32 $0x2;
	v46 =	vmin.f32 v51, v52;
	v42 =	vld [tilespmem:s26+$0x2A80];
	v39 =	vadd.f32 v61, v60;
	v38 =	vadd.f32 v63, v62  }
.LBB2_9:
0x11c: {  	s0 =	sand.u32 $0x1E00, s22;
	v43 =	vadd.f32 v45, v43;
	v44 =	vadd.f32 v47, v44;
	s19 =	sadd.s32 $0x20, s19;
	v31 =	vmin.f32 v31, v37  }
0x11d: {  	v37 =	vadd.f32 v40, v35;
	v36 =	vmin.f32 v36, v46;
	s29 =	sand.u32 $0x60, s19;
	s0 =	sadd.s32 $0x280, s0;
	v45 =	vadd.f32 v39, v32  }
0x11e: {  	v46 =	vadd.f32 v41, v35;
	v47 =	vadd.f32 v38, v32;
	v49 =	vmin.f32 v29, v31;
	s31 =	sor.u32 s29, s0  }
0x11f: {  	v27 =	vmin.f32 v27, v37;
	v37 =	vadd.f32 v34, v35;
	v35 =	vadd.f32 v30, v35;
	v31 =	vld [tilespmem:s31+$0x100];
	[tilespmem:s17+$0x2A80] =	vst v49;
	s17 =	smov.u32 s26  }
0x120: {  	v27 =	vmin.f32 v27, v45;
	v45 =	vadd.f32 v43, v32;
	v32 =	vadd.f32 v44, v32;
	v29 =	vmovc v42;
	v48 =	vld [tilespmem:s31+$0x0]  }
0x121: {  	v26 =	vmin.f32 v26, v46;
	v25 =	vmin.f32 v25, v37;
	v24 =	vmin.f32 v24, v35;
	v42 =	vld [tilespmem:s31+$0x80]  }
0x122: {  	s29 =	sor.u32 $0x10, s29;
	v26 =	vmin.f32 v26, v47;
	v25 =	vmin.f32 v25, v45;
	v24 =	vmin.f32 v24, v32  }
0x123: {  	v36 =	vmin.f32 v28, v36;
	v28 =	vmovc v33;
	s0 =	sor.u32 s29, s0;
	v35 =	vadd.f32 v41, v9;
	v32 =	vadd.f32 v40, v8  }
0x124: {  	v34 =	vadd.f32 v34, v22;
	v33 =	vmul.f32 v31, v12;
	v41 =	vmul.f32 v31, v15;
	v40 =	vld [tilespmem:s0+$0x0];
	[tilespmem:s18+$0x2A80] =	vst v36;
	s18 =	smov.u32 s21  }
0x125: {  	v30 =	vadd.f32 v30, v23;
	v46 =	vmul.f32 v31, v18;
	v47 =	vmul.f32 v31, v21;
	v45 =	vld [tilespmem:s0+$0x80]  }
0x126: {  	v36 =	vadd.f32 v39, v8;
	v49 =	vmul.f32 v48, v10;
	v50 =	vmul.f32 v42, v11  }
0x127: {  	s20 =	sadd.s32 $0x2, s20;
	v38 =	vadd.f32 v38, v9;
	v39 =	vmul.f32 v48, v13;
	v51 =	vmul.f32 v42, v14  }
0x128: {  	p1 =	slt.u32 s20, $0x7E;
	v54 =	vadd.f32 v43, v22;
	v52 =	vmul.f32 v48, v16;
	v53 =	vmul.f32 v42, v17  }
0x129: {  	v43 =	vmul.f32 v48, v19;
	v48 =	vadd.f32 v44, v23;
	v42 =	vmul.f32 v42, v20  }
0x12a: {  	v31 =	vmin.f32 v32, v35;
	v44 =	vmul.f32 v40, v10;
	v55 =	vld [tilespmem:s0+$0x100];
	v56 =	vmul.f32 v45, v11  }
0x12b: {  	v37 =	vmin.f32 v34, v30;
	v32 =	vmul.f32 v40, v13;
	v57 =	vmul.f32 v45, v14  }
0x12c: {  	v36 =	vmin.f32 v36, v38;
	v30 =	vmul.f32 v40, v16;
	v34 =	vmul.f32 v45, v17  }
0x12d: {  	v38 =	vadd.f32 v50, v49;
	v39 =	vadd.f32 v51, v39;
	v40 =	vmul.f32 v40, v19  }
0x12e: {  	s26 =	sshra.s32 s22, $0x2;
	v49 =	vadd.f32 v53, v52;
	v42 =	vadd.f32 v42, v43;
	s0 =	sand.u32 $0x780, s19;
	v45 =	vmul.f32 v45, v20  }
.Ltmp5:
0x12f: {  	s21 =	sor.u32 s0, s29;
	v50 =	vadd.f32 v56, v44;
	v52 =	vadd.f32 v57, v32;
	v35 =	vld [tilespmem:s26+$0x2280];
	v51 =	vmul.f32 v55, v12;
	(pc) =	sbr.rel @p1 .LBB2_9-.Ltmp5, $4  }
0x130: {  	v43 =	vadd.f32 v34, v30;
	v44 =	vadd.f32 v45, v40;
	v53 =	vmul.f32 v55, v15;
	v32 =	vld [tilespmem:s21+$0x2280]  }
0x131: {  	v41 =	vadd.f32 v41, v39;
	v40 =	vadd.f32 v33, v38;
	v45 =	vmul.f32 v55, v18;
	v33 =	vld [tilespmem:s21+$0x2A80]  }
0x132: {  	v34 =	vadd.f32 v46, v49;
	v30 =	vadd.f32 v47, v42;
	v47 =	vmul.f32 v55, v21;
	v42 =	vld [tilespmem:s26+$0x2A80]  }
0x133: {  	s22 =	sadd.s32 $0x80, s22;
	v46 =	vmin.f32 v54, v48;
	v39 =	vadd.f32 v51, v50;
	v38 =	vadd.f32 v53, v52  }
0x134: {  	v10 =	vadd.f32 v45, v43;
	v11 =	vadd.f32 v47, v44  }
0x135: {  	v12 =	vadd.f32 v40, v35;
	v14 =	vadd.f32 v41, v35  }
0x136: {  	v16 =	vadd.f32 v40, v8;
	v17 =	vadd.f32 v41, v9  }
0x137: {  	v19 =	vadd.f32 v34, v22;
	v20 =	vadd.f32 v30, v23  }
0x138: {  	v18 =	vmin.f32 v31, v37;
	v13 =	vadd.f32 v39, v32;
	v15 =	vadd.f32 v38, v32  }
0x139: {  	v21 =	vmin.f32 v36, v46;
	v8 =	vadd.f32 v39, v8;
	v9 =	vadd.f32 v38, v9  }
0x13a: {  	v18 =	vmin.f32 v29, v18;
	v22 =	vadd.f32 v10, v22;
	v23 =	vadd.f32 v11, v23  }
0x13b: {  	v21 =	vmin.f32 v28, v21;
	v16 =	vmin.f32 v16, v17;
	v17 =	vmin.f32 v19, v20  }
0x13c: {  	[tilespmem:s17+$0x2A80] =	vst v18;
	v8 =	vmin.f32 v8, v9;
	v16 =	vmin.f32 v16, v17;
	v9 =	vmin.f32 v22, v23  }
0x13d: {  	v12 =	vmin.f32 v27, v12;
	[tilespmem:s18+$0x2A80] =	vst v21;
	v8 =	vmin.f32 v8, v9;
	v9 =	vmin.f32 v42, v16  }
0x13e: {  	v10 =	vadd.f32 v10, v32;
	v16 =	vadd.f32 v34, v35;
	[tilespmem:s26+$0x2A80] =	vst v9;
	v8 =	vmin.f32 v33, v8  }
0x13f: {  	v17 =	vadd.f32 v30, v35;
	v9 =	vmin.f32 v12, v13;
	v12 =	vmin.f32 v26, v14;
	[tilespmem:s21+$0x2A80] =	vst v8  }
0x140: {  	s0 =	simm.s32 $0x0;
	v8 =	vadd.f32 v11, v32;
	v11 =	vmin.f32 v25, v16;
	v12 =	vmin.f32 v12, v15;
	[tilespmem:$0x3E80] =	vst v9  }
0x141: {  	s21 =	sand.u32 $0x1E00, s0;
	v9 =	vmin.f32 v24, v17;
	v10 =	vmin.f32 v11, v10;
	[tilespmem:$0x3F00] =	vst v12  }
0x142: {  	s22 =	sand.u32 $0x60, s0;
	v18 =	vbroadcast v6, $0xE;
	s17 =	sadd.s32 $0x280, s21;
	v8 =	vmin.f32 v9, v8;
	[tilespmem:$0x3F80] =	vst v10  }
0x143: {  	v13 =	vbroadcast v7, $0xD;
	v14 =	vbroadcast v5, $0xD;
	s19 =	sor.u32 s22, s17;
	[tilespmem:$0x4000] =	vst v8  }
0x144: {  	v15 =	vbroadcast v6, $0xD;
	v16 =	vbroadcast v7, $0xE;
	v19 =	vld [tilespmem:s19+$0x100]  }
0x145: {  	v11 =	vbroadcast v5, $0xC;
	v12 =	vbroadcast v6, $0xC  }
0x146: {  	v17 =	vbroadcast v5, $0xE;
	v5 =	vbroadcast v5, $0xF;
	v20 =	vld [tilespmem:s19+$0x0]  }
0x147: {  	v6 =	vbroadcast v6, $0xF;
	v10 =	vbroadcast v7, $0xC;
	v21 =	vld [tilespmem:s19+$0x80]  }
0x148: {  	s18 =	sor.u32 $0x10, s22;
	v9 =	vbroadcast v4, $0xD;
	v7 =	vbroadcast v7, $0xF  }
0x149: {  	s17 =	sor.u32 s18, s17;
	v8 =	vbroadcast v4, $0xC;
	v22 =	vmul.f32 v19, v12  }
0x14a: {  	v24 =	vld [tilespmem:s17+$0x0];
	v23 =	vmul.f32 v19, v15;
	v25 =	vmul.f32 v19, v18  }
0x14b: {  	v26 =	vld [tilespmem:s17+$0x80];
	v19 =	vmul.f32 v19, v6;
	v27 =	vmul.f32 v20, v10  }
0x14c: {  	s26 =	simm.s32 $0x80;
	s0 =	sand.u32 $0x780, s0;
	v28 =	vmul.f32 v21, v11;
	v29 =	vmul.f32 v20, v13  }
0x14d: {  	s18 =	sor.u32 s0, s18;
	s0 =	sand.u32 $0x1E00, s26;
	s19 =	simm.s32 $0x20;
	v30 =	vmul.f32 v21, v14;
	v31 =	vmul.f32 v20, v16  }
0x14e: {  	s0 =	sadd.s32 $0x280, s0;
	v59 =	vld [tilespmem:s17+$0x100];
	s20 =	sand.u32 $0x60, s19;
	v58 =	vmul.f32 v21, v17;
	v20 =	vmul.f32 v20, v7  }
0x14f: {  	s29 =	sor.u32 s20, s0;
	v21 =	vmul.f32 v21, v5;
	v60 =	vmul.f32 v24, v10  }
0x150: {  	v50 =	vld [tilespmem:s29+$0x100];
	v61 =	vmul.f32 v26, v11;
	v62 =	vmul.f32 v24, v13  }
0x151: {  	v52 =	vld [tilespmem:s29+$0x0];
	v63 =	vmul.f32 v26, v14;
	v42 =	vmul.f32 v24, v16  }
0x152: {  	v53 =	vld [tilespmem:s29+$0x80];
	v43 =	vmul.f32 v26, v17;
	v24 =	vmul.f32 v24, v7  }
0x153: {  	v47 =	vmul.f32 v59, v15;
	v27 =	vadd.f32 v28, v27;
	v28 =	vadd.f32 v30, v29  }
0x154: {  	v29 =	vadd.f32 v58, v31;
	v20 =	vadd.f32 v21, v20;
	v21 =	vmul.f32 v26, v5  }
0x155: {  	v31 =	vmul.f32 v59, v12;
	v45 =	vadd.f32 v43, v42;
	v43 =	vmul.f32 v50, v18  }
0x156: {  	v26 =	vadd.f32 v61, v60;
	v38 =	vmul.f32 v52, v10;
	v60 =	vmul.f32 v52, v13  }
0x157: {  	v44 =	vadd.f32 v63, v62;
	v61 =	vmul.f32 v53, v14;
	v62 =	vmul.f32 v52, v16  }
0x158: {  	s20 =	sor.u32 $0x10, s20;
	v63 =	vmul.f32 v53, v17;
	v56 =	vmul.f32 v52, v7;
	v21 =	vadd.f32 v21, v24  }
0x159: {  	v46 =	vld [tilespmem:s18+$0x2280];
	s0 =	sor.u32 s20, s0;
	v57 =	vmul.f32 v53, v5;
	v27 =	vadd.f32 v22, v27;
	v28 =	vadd.f32 v23, v28  }
0x15a: {  	s17 =	simm.s32 $0x0;
	v37 =	vld [tilespmem:s0+$0x80];
	v22 =	vmul.f32 v59, v18;
	v25 =	vadd.f32 v25, v29;
	v29 =	vadd.f32 v19, v20  }
0x15b: {  	v30 =	vld [tilespmem:s17+$0x2280];
	v23 =	vmul.f32 v59, v6;
	v26 =	vadd.f32 v31, v26;
	v31 =	vadd.f32 v47, v44  }
0x15c: {  	v19 =	vbroadcast v4, $0xE;
	v42 =	vadd.f32 v61, v60;
	v39 =	vadd.f32 v57, v56  }
0x15d: {  	v20 =	vbroadcast v4, $0xF;
	v48 =	vadd.f32 v22, v45;
	v33 =	vadd.f32 v23, v21  }
0x15e: {  	v44 =	vmul.f32 v50, v6;
	v23 =	vadd.f32 v26, v46;
	v36 =	vadd.f32 v31, v46  }
0x15f: {  	v59 =	vmul.f32 v53, v11;
	v55 =	vadd.f32 v29, v20;
	v26 =	vadd.f32 v26, v8  }
0x160: {  	v53 =	vmul.f32 v37, v17;
	v31 =	vadd.f32 v31, v9;
	v21 =	vadd.f32 v27, v30  }
0x161: {  	v22 =	vimm.f32 $+Inf;
	v38 =	vadd.f32 v59, v38;
	v49 =	vadd.f32 v28, v30  }
0x162: {  	v51 =	vadd.f32 v25, v30;
	v30 =	vadd.f32 v29, v30;
	v21 =	vmin.f32 v22, v21  }
0x163: {  	v35 =	vadd.f32 v33, v46;
	v24 =	vmin.f32 v21, v23;
	v21 =	vadd.f32 v48, v46  }
0x164: {  	v59 =	vadd.f32 v63, v62;
	v54 =	vmin.f32 v22, v51;
	v30 =	vmin.f32 v22, v30  }
0x165: {  	v23 =	vmin.f32 v22, v49;
	v22 =	vmin.f32 v54, v21;
	v21 =	vmin.f32 v30, v35;
	v30 =	vld [tilespmem:s0+$0x0]  }
0x166: {  	v60 =	vmul.f32 v37, v5;
	v27 =	vadd.f32 v27, v8;
	v28 =	vadd.f32 v28, v9  }
0x167: {  	v25 =	vadd.f32 v25, v19;
	v32 =	vadd.f32 v43, v59;
	v51 =	vmul.f32 v37, v11  }
0x168: {  	v23 =	vmin.f32 v23, v36;
	v36 =	vmul.f32 v50, v15;
	v35 =	vmul.f32 v50, v12;
	v50 =	vld [tilespmem:s0+$0x100]  }
0x169: {  	v29 =	vmin.f32 v27, v28;
	v28 =	vmul.f32 v37, v14;
	v34 =	vmin.f32 v25, v55  }
0x16a: {  	v48 =	vadd.f32 v48, v19;
	v58 =	vmul.f32 v30, v10;
	v27 =	vmul.f32 v30, v13  }
0x16b: {  	s26 =	simm.s32 $0x20;
	s31 =	sand.u32 $0x780, s19;
	v25 =	vld [tilespmem:s18+$0x2A80];
	v49 =	vadd.f32 v33, v20;
	v52 =	vmul.f32 v30, v16;
	v30 =	vmul.f32 v30, v7  }
0x16c: {  	s20 =	sor.u32 s31, s20;
	v33 =	vmin.f32 v26, v31;
	v31 =	vld [tilespmem:s26+$0x2280];
	v37 =	vadd.f32 v35, v38;
	v38 =	vadd.f32 v36, v42  }
0x16d: {  	v62 =	vmul.f32 v50, v12;
	v54 =	vmul.f32 v50, v15;
	v41 =	vadd.f32 v60, v30;
	v30 =	vld [tilespmem:s20+$0x2280]  }
0x16e: {  	v26 =	vld [tilespmem:s17+$0x2A80];
	v42 =	vmul.f32 v50, v18;
	v61 =	vadd.f32 v51, v58;
	v63 =	vadd.f32 v28, v27  }
0x16f: {  	v40 =	vadd.f32 v53, v52;
	v28 =	vld [tilespmem:s20+$0x2A80];
	v27 =	vadd.f32 v44, v39;
	v44 =	vmul.f32 v50, v6  }
0x170: {  	s21 =	simm.s32 $0x2;
	s22 =	simm.s32 $0x100;
	v43 =	vmin.f32 v48, v49;
	v39 =	vld [tilespmem:s26+$0x2A80];
	v36 =	vadd.f32 v62, v61;
	v35 =	vadd.f32 v54, v63  }
.LBB2_11:
0x171: {  	s0 =	sand.u32 $0x1E00, s22;
	v40 =	vadd.f32 v42, v40;
	v41 =	vadd.f32 v44, v41;
	s19 =	sadd.s32 $0x20, s19;
	v29 =	vmin.f32 v29, v34  }
0x172: {  	v34 =	vadd.f32 v37, v31;
	v33 =	vmin.f32 v33, v43;
	s29 =	sand.u32 $0x60, s19;
	s0 =	sadd.s32 $0x280, s0;
	v42 =	vadd.f32 v36, v30  }
0x173: {  	v43 =	vadd.f32 v38, v31;
	v44 =	vadd.f32 v35, v30;
	v46 =	vmin.f32 v26, v29;
	s31 =	sor.u32 s29, s0  }
0x174: {  	v24 =	vmin.f32 v24, v34;
	v34 =	vadd.f32 v32, v31;
	v31 =	vadd.f32 v27, v31;
	v29 =	vld [tilespmem:s31+$0x100];
	[tilespmem:s17+$0x2A80] =	vst v46;
	s17 =	smov.u32 s26  }
0x175: {  	v24 =	vmin.f32 v24, v42;
	v42 =	vadd.f32 v40, v30;
	v30 =	vadd.f32 v41, v30;
	v26 =	vmovc v39;
	v45 =	vld [tilespmem:s31+$0x0]  }
0x176: {  	v23 =	vmin.f32 v23, v43;
	v22 =	vmin.f32 v22, v34;
	v21 =	vmin.f32 v21, v31;
	v39 =	vld [tilespmem:s31+$0x80]  }
0x177: {  	s29 =	sor.u32 $0x10, s29;
	v23 =	vmin.f32 v23, v44;
	v22 =	vmin.f32 v22, v42;
	v21 =	vmin.f32 v21, v30  }
0x178: {  	v33 =	vmin.f32 v25, v33;
	v25 =	vmovc v28;
	s0 =	sor.u32 s29, s0;
	v31 =	vadd.f32 v38, v9;
	v30 =	vadd.f32 v37, v8  }
0x179: {  	v32 =	vadd.f32 v32, v19;
	v28 =	vmul.f32 v29, v12;
	v38 =	vmul.f32 v29, v15;
	v37 =	vld [tilespmem:s0+$0x0];
	[tilespmem:s18+$0x2A80] =	vst v33;
	s18 =	smov.u32 s20  }
0x17a: {  	v27 =	vadd.f32 v27, v20;
	v43 =	vmul.f32 v29, v18;
	v44 =	vmul.f32 v29, v6;
	v42 =	vld [tilespmem:s0+$0x80]  }
0x17b: {  	v33 =	vadd.f32 v36, v8;
	v46 =	vmul.f32 v45, v10;
	v47 =	vmul.f32 v39, v11  }
0x17c: {  	s21 =	sadd.s32 $0x2, s21;
	v35 =	vadd.f32 v35, v9;
	v36 =	vmul.f32 v45, v13;
	v48 =	vmul.f32 v39, v14  }
0x17d: {  	p1 =	slt.u32 s21, $0x7E;
	v51 =	vadd.f32 v40, v19;
	v49 =	vmul.f32 v45, v16;
	v50 =	vmul.f32 v39, v17  }
0x17e: {  	v40 =	vmul.f32 v45, v7;
	v45 =	vadd.f32 v41, v20;
	v39 =	vmul.f32 v39, v5  }
0x17f: {  	v29 =	vmin.f32 v30, v31;
	v41 =	vmul.f32 v37, v10;
	v52 =	vld [tilespmem:s0+$0x100];
	v53 =	vmul.f32 v42, v11  }
0x180: {  	v34 =	vmin.f32 v32, v27;
	v30 =	vmul.f32 v37, v13;
	v54 =	vmul.f32 v42, v14  }
0x181: {  	v33 =	vmin.f32 v33, v35;
	v27 =	vmul.f32 v37, v16;
	v32 =	vmul.f32 v42, v17  }
0x182: {  	v35 =	vadd.f32 v47, v46;
	v36 =	vadd.f32 v48, v36;
	v37 =	vmul.f32 v37, v7  }
0x183: {  	s26 =	sshra.s32 s22, $0x2;
	v46 =	vadd.f32 v50, v49;
	v39 =	vadd.f32 v39, v40;
	s0 =	sand.u32 $0x780, s19;
	v42 =	vmul.f32 v42, v5  }
.Ltmp6:
0x184: {  	s20 =	sor.u32 s0, s29;
	v47 =	vadd.f32 v53, v41;
	v49 =	vadd.f32 v54, v30;
	v31 =	vld [tilespmem:s26+$0x2280];
	v48 =	vmul.f32 v52, v12;
	(pc) =	sbr.rel @p1 .LBB2_11-.Ltmp6, $4  }
0x185: {  	v40 =	vadd.f32 v32, v27;
	v41 =	vadd.f32 v42, v37;
	v50 =	vmul.f32 v52, v15;
	v30 =	vld [tilespmem:s20+$0x2280]  }
0x186: {  	v38 =	vadd.f32 v38, v36;
	v37 =	vadd.f32 v28, v35;
	v42 =	vmul.f32 v52, v18;
	v28 =	vld [tilespmem:s20+$0x2A80]  }
0x187: {  	v32 =	vadd.f32 v43, v46;
	v27 =	vadd.f32 v44, v39;
	v44 =	vmul.f32 v52, v6;
	v39 =	vld [tilespmem:s26+$0x2A80]  }
0x188: {  	s22 =	sadd.s32 $0x80, s22;
	v43 =	vmin.f32 v51, v45;
	v36 =	vadd.f32 v48, v47;
	v35 =	vadd.f32 v50, v49  }
0x189: {  	v5 =	vadd.f32 v42, v40;
	v6 =	vadd.f32 v44, v41  }
0x18a: {  	v7 =	vadd.f32 v37, v31;
	v11 =	vadd.f32 v38, v31  }
0x18b: {  	v14 =	vadd.f32 v37, v8;
	v15 =	vadd.f32 v38, v9  }
0x18c: {  	v13 =	vmin.f32 v29, v34;
	v17 =	vadd.f32 v32, v19;
	v18 =	vadd.f32 v27, v20  }
0x18d: {  	v16 =	vmin.f32 v33, v43;
	v34 =	vadd.f32 v32, v31;
	v10 =	vadd.f32 v36, v30  }
0x18e: {  	v61 =	vadd.f32 v36, v8;
	v13 =	vmin.f32 v26, v13;
	v62 =	vadd.f32 v35, v9  }
0x18f: {  	v7 =	vmin.f32 v24, v7;
	v63 =	vadd.f32 v5, v19;
	v24 =	vadd.f32 v6, v20  }
0x190: {  	v16 =	vmin.f32 v25, v16;
	v14 =	vmin.f32 v14, v15;
	v26 =	vmin.f32 v17, v18  }
0x191: {  	[tilespmem:s17+$0x2A80] =	vst v13;
	v8 =	vmin.f32 v61, v62;
	v33 =	vmin.f32 v14, v26;
	v29 =	vmin.f32 v63, v24  }
0x192: {  	v12 =	vadd.f32 v35, v30;
	[tilespmem:s18+$0x2A80] =	vst v16;
	v35 =	vmin.f32 v39, v33;
	v8 =	vmin.f32 v8, v29  }
0x193: {  	v36 =	vadd.f32 v27, v31;
	v5 =	vadd.f32 v5, v30;
	[tilespmem:s26+$0x2A80] =	vst v35;
	v8 =	vmin.f32 v28, v8  }
0x194: {  	v6 =	vadd.f32 v6, v30;
	v37 =	vmin.f32 v23, v11;
	v7 =	vmin.f32 v7, v10;
	[tilespmem:s20+$0x2A80] =	vst v8  }
0x195: {  	v38 =	vmin.f32 v22, v34;
	v9 =	vmin.f32 v37, v12;
	v39 =	vor.u32 $0x1, v1;
	[tilespmem:$0x4080] =	vst v7  }
0x196: {  	v41 =	vor.u32 $0x2, v1;
	v40 =	vmin.f32 v21, v36;
	v5 =	vmin.f32 v38, v5;
	[tilespmem:$0x4100] =	vst v9  }
0x197: {  	v6 =	vmin.f32 v40, v6;
	[tilespmem:$0x4180] =	vst v5;
	v5 =	vor.u32 $0x3, v1  }
0x198: {  	v42 =	vor.u32 $0x4, v1;
	[tilespmem:$0x4200] =	vst v6  }
0x199: {  	v43 =	vor.u32 $0x5, v1;
	v9 =	vld.idx.msk [tilespmem:v1+s8+$0x0], $0xffff  }
0x19a: {  	v44 =	vor.u32 $0x6, v1;
	v7 =	vld.idx.msk [tilespmem:v39+s8+$0x0], $0xffff  }
0x19b: {  	v45 =	vor.u32 $0x7, v1;
	v8 =	vld.idx.msk [tilespmem:v41+s8+$0x0], $0xffff  }
0x19c: {  	v46 =	vor.u32 $0x8, v1;
	v5 =	vld.idx.msk [tilespmem:v5+s8+$0x0], $0xffff  }
0x19d: {  	v47 =	vor.u32 $0x9, v1;
	v6 =	vld.idx.msk [tilespmem:v42+s8+$0x0], $0xffff  }
0x19e: {  	v48 =	vor.u32 $0xA, v1;
	v10 =	vld.idx.msk [tilespmem:v43+s8+$0x0], $0xffff  }
0x19f: {  	v50 =	vor.u32 $0xB, v1;
	v49 =	vld.idx.msk [tilespmem:v44+s8+$0x0], $0xffff;
	v7 =	vmin.f32 v9, v7  }
0x1a0: {  	v52 =	vor.u32 $0xC, v1;
	v51 =	vld.idx.msk [tilespmem:v45+s8+$0x0], $0xffff;
	v7 =	vmin.f32 v7, v8  }
0x1a1: {  	v54 =	vor.u32 $0xD, v1;
	v53 =	vld.idx.msk [tilespmem:v46+s8+$0x0], $0xffff;
	v5 =	vmin.f32 v7, v5  }
0x1a2: {  	v56 =	vor.u32 $0xE, v1;
	v55 =	vld.idx.msk [tilespmem:v47+s8+$0x0], $0xffff;
	v5 =	vmin.f32 v5, v6  }
0x1a3: {  	v58 =	vor.u32 $0xF, v1;
	v57 =	vld.idx.msk [tilespmem:v48+s8+$0x0], $0xffff;
	v5 =	vmin.f32 v5, v10  }
0x1a4: {  	v59 =	vld.idx.msk [tilespmem:v50+s8+$0x0], $0xffff;
	v5 =	vmin.f32 v5, v49  }
0x1a5: {  	v60 =	vld.idx.msk [tilespmem:v52+s8+$0x0], $0xffff;
	v5 =	vmin.f32 v5, v51  }
0x1a6: {  	v61 =	vld.idx.msk [tilespmem:v54+s8+$0x0], $0xffff;
	v5 =	vmin.f32 v5, v53  }
0x1a7: {  	v62 =	vld.idx.msk [tilespmem:v56+s8+$0x0], $0xffff;
	v5 =	vmin.f32 v5, v55  }
0x1a8: {  	v63 =	vld.idx.msk [tilespmem:v58+s8+$0x0], $0xffff;
	v5 =	vmin.f32 v5, v57  }
0x1a9: {  	v5 =	vmin.f32 v5, v59  }
0x1aa: {  	v5 =	vmin.f32 v5, v60  }
0x1ab: {  	s16 =	sadd.s32 $0x1, s16;
	v5 =	vmin.f32 v5, v61  }
0x1ac: {  	p1 =	sne.s32 s16, $0x8;
	v5 =	vmin.f32 v5, v62  }
.Ltmp7:
0x1ad: {  	v5 =	vmin.f32 v5, v63;
	(pc) =	sbr.rel @p1 .LBB2_4-.Ltmp7, $3  }
0x1ae: {  	v4 =	vadd.f32 v5, v4;
	_ =	sdelay $0x1  }
0x1af: {  	v4 =	vmax.f32 v4, $0.0e+00  }
0x1b0: {  	v3 =	vadd.f32 v4, v3  }
0x1b1: {  	_ = 	snop  }
0x1b2: {  	[tilespmem:$0x4280] =	vst v3  }
0x1b3: {  	[hbm4b:s6+s1] =	stream.linear.scatter [tilespmem:s9], [sflag:$0x1], $0x80, $0x38;
	[tilespmem:$0x4B80] =	vst v63  }
0x1b4: {  	_ =	swait.ge [sflag:s28], $0x80  }
0x1b5: {  	[sflag:s28] =	ssyncset.done $0x0  }
0x1b6: {  	[sflag:s28] =	ssyncadd.s32 $0xFFFFFF80  }
0x1b7: {  	[spmem:s7] =	stream.strided.scatter [tilespmem:s11], [sflag:$0x1], $0x800, s10, s30, $0x38;
	[tilespmem:$0x4B80] =	vst v63  }
.Ltmp8:
0x1b8: {  	_ =	swait.ge [sflag:s28], $0x800;
	(pc) =	sbr.rel @p0 .LBB2_47-.Ltmp8, $4  }
0x1b9: {  	[sflag:s28] =	ssyncset.done $0x0  }
0x1ba: {  	[sflag:s28] =	ssyncadd.s32 $0xFFFFF800  }
0x1bb: {  	[bflag:$0x0] =	sbarrier.arrive $0xFFFF  }
0x1bc: {  	[tilespmem:$0x4300] =	vst v2  }
0x1bd: {  	s0 =	rddreg [dreg:$0x3]  }
0x1be: {  	[tilespmem:s12], [sflag:$0x1] =	stream.strided.gather [spmem:s0], $0x800, s10, s30, $0x38;
	[tilespmem:$0x4B80] =	vst v63  }
0x1bf: {  	_ =	swait.ge [sflag:s28], $0x800  }
0x1c0: {  	[sflag:s28] =	ssyncset.done $0x0  }
0x1c1: {  	s15 =	simm.s32 $0x0;
	[sflag:s28] =	ssyncadd.s32 $0xFFFFF800  }
0x1c2: {  	s16 =	simm.s32 $0x40;
	v3 =	vld [tilespmem:s15+$0x3280]  }
.LBB2_15:
0x1c3: {  	p1 =	sne.s32 s16, $0x1FC0;
	v4 =	vld [tilespmem:s15+$0x2A80];
	_ =	sdelay $0x1  }
.Ltmp9:
0x1c4: {  	(pc) =	sbr.rel @p1 .LBB2_15-.Ltmp9, $3  }
0x1c5: {  	_ =	sdelay $0x1  }
0x1c6: {  	s0 =	sshra.s32 s16, $0x2;
	v4 =	vmin.f32 v4, v3  }
0x1c7: {  	s16 =	sadd.s32 $0x40, s16;
	v3 =	vld [tilespmem:s0+$0x3280];
	[tilespmem:s15+$0x2A80] =	vst v4;
	s15 =	smov.u32 s0  }
0x1c8: {  	v4 =	vld [tilespmem:s15+$0x2A80];
	_ =	sdelay $0x4  }
0x1c9: {  	v3 =	vmin.f32 v4, v3  }
0x1ca: {  	s0 =	rddreg [dreg:$0x4];
	[tilespmem:s15+$0x2A80] =	vst v3  }
0x1cb: {  	[tilespmem:s12], [sflag:$0x1] =	stream.strided.gather [spmem:s0], $0x800, s10, s30, $0x38;
	[tilespmem:$0x4B80] =	vst v63  }
0x1cc: {  	_ =	swait.ge [sflag:s28], $0x800  }
0x1cd: {  	[sflag:s28] =	ssyncset.done $0x0  }
0x1ce: {  	s15 =	simm.s32 $0x0;
	[sflag:s28] =	ssyncadd.s32 $0xFFFFF800  }
0x1cf: {  	s16 =	simm.s32 $0x40;
	v3 =	vld [tilespmem:s15+$0x3280]  }
.LBB2_17:
0x1d0: {  	p1 =	sne.s32 s16, $0x1FC0;
	v4 =	vld [tilespmem:s15+$0x2A80];
	_ =	sdelay $0x1  }
.Ltmp10:
0x1d1: {  	(pc) =	sbr.rel @p1 .LBB2_17-.Ltmp10, $3  }
0x1d2: {  	_ =	sdelay $0x1  }
0x1d3: {  	s0 =	sshra.s32 s16, $0x2;
	v4 =	vmin.f32 v4, v3  }
0x1d4: {  	s16 =	sadd.s32 $0x40, s16;
	v3 =	vld [tilespmem:s0+$0x3280];
	[tilespmem:s15+$0x2A80] =	vst v4;
	s15 =	smov.u32 s0  }
0x1d5: {  	v4 =	vld [tilespmem:s15+$0x2A80];
	_ =	sdelay $0x4  }
0x1d6: {  	v3 =	vmin.f32 v4, v3  }
0x1d7: {  	s0 =	rddreg [dreg:$0x5];
	[tilespmem:s15+$0x2A80] =	vst v3  }
0x1d8: {  	[tilespmem:s12], [sflag:$0x1] =	stream.strided.gather [spmem:s0], $0x800, s10, s30, $0x38;
	[tilespmem:$0x4B80] =	vst v63  }
0x1d9: {  	_ =	swait.ge [sflag:s28], $0x800  }
0x1da: {  	[sflag:s28] =	ssyncset.done $0x0  }
0x1db: {  	s15 =	simm.s32 $0x0;
	[sflag:s28] =	ssyncadd.s32 $0xFFFFF800  }
0x1dc: {  	s16 =	simm.s32 $0x40;
	v3 =	vld [tilespmem:s15+$0x3280]  }
.LBB2_19:
0x1dd: {  	p1 =	sne.s32 s16, $0x1FC0;
	v4 =	vld [tilespmem:s15+$0x2A80];
	_ =	sdelay $0x1  }
.Ltmp11:
0x1de: {  	(pc) =	sbr.rel @p1 .LBB2_19-.Ltmp11, $3  }
0x1df: {  	_ =	sdelay $0x1  }
0x1e0: {  	s0 =	sshra.s32 s16, $0x2;
	v4 =	vmin.f32 v4, v3  }
0x1e1: {  	s16 =	sadd.s32 $0x40, s16;
	v3 =	vld [tilespmem:s0+$0x3280];
	[tilespmem:s15+$0x2A80] =	vst v4;
	s15 =	smov.u32 s0  }
0x1e2: {  	v4 =	vld [tilespmem:s15+$0x2A80];
	_ =	sdelay $0x4  }
0x1e3: {  	v3 =	vmin.f32 v4, v3  }
0x1e4: {  	s0 =	rddreg [dreg:$0x6];
	[tilespmem:s15+$0x2A80] =	vst v3  }
0x1e5: {  	[tilespmem:s12], [sflag:$0x1] =	stream.strided.gather [spmem:s0], $0x800, s10, s30, $0x38;
	[tilespmem:$0x4B80] =	vst v63  }
0x1e6: {  	_ =	swait.ge [sflag:s28], $0x800  }
0x1e7: {  	[sflag:s28] =	ssyncset.done $0x0  }
0x1e8: {  	s15 =	simm.s32 $0x0;
	[sflag:s28] =	ssyncadd.s32 $0xFFFFF800  }
0x1e9: {  	s16 =	simm.s32 $0x40;
	v3 =	vld [tilespmem:s15+$0x3280]  }
.LBB2_21:
0x1ea: {  	p1 =	sne.s32 s16, $0x1FC0;
	v4 =	vld [tilespmem:s15+$0x2A80];
	_ =	sdelay $0x1  }
.Ltmp12:
0x1eb: {  	(pc) =	sbr.rel @p1 .LBB2_21-.Ltmp12, $3  }
0x1ec: {  	_ =	sdelay $0x1  }
0x1ed: {  	s0 =	sshra.s32 s16, $0x2;
	v4 =	vmin.f32 v4, v3  }
0x1ee: {  	s16 =	sadd.s32 $0x40, s16;
	v3 =	vld [tilespmem:s0+$0x3280];
	[tilespmem:s15+$0x2A80] =	vst v4;
	s15 =	smov.u32 s0  }
0x1ef: {  	v4 =	vld [tilespmem:s15+$0x2A80];
	_ =	sdelay $0x4  }
0x1f0: {  	v3 =	vmin.f32 v4, v3  }
0x1f1: {  	s0 =	rddreg [dreg:$0x7];
	[tilespmem:s15+$0x2A80] =	vst v3  }
0x1f2: {  	[tilespmem:s12], [sflag:$0x1] =	stream.strided.gather [spmem:s0], $0x800, s10, s30, $0x38;
	[tilespmem:$0x4B80] =	vst v63  }
0x1f3: {  	_ =	swait.ge [sflag:s28], $0x800  }
0x1f4: {  	[sflag:s28] =	ssyncset.done $0x0  }
0x1f5: {  	s15 =	simm.s32 $0x0;
	[sflag:s28] =	ssyncadd.s32 $0xFFFFF800  }
0x1f6: {  	s16 =	simm.s32 $0x40;
	v3 =	vld [tilespmem:s15+$0x3280]  }
.LBB2_23:
0x1f7: {  	p1 =	sne.s32 s16, $0x1FC0;
	v4 =	vld [tilespmem:s15+$0x2A80];
	_ =	sdelay $0x1  }
.Ltmp13:
0x1f8: {  	(pc) =	sbr.rel @p1 .LBB2_23-.Ltmp13, $3  }
0x1f9: {  	_ =	sdelay $0x1  }
0x1fa: {  	s0 =	sshra.s32 s16, $0x2;
	v4 =	vmin.f32 v4, v3  }
0x1fb: {  	s16 =	sadd.s32 $0x40, s16;
	v3 =	vld [tilespmem:s0+$0x3280];
	[tilespmem:s15+$0x2A80] =	vst v4;
	s15 =	smov.u32 s0  }
0x1fc: {  	v4 =	vld [tilespmem:s15+$0x2A80];
	_ =	sdelay $0x4  }
0x1fd: {  	v3 =	vmin.f32 v4, v3  }
0x1fe: {  	s0 =	rddreg [dreg:$0x8];
	[tilespmem:s15+$0x2A80] =	vst v3  }
0x1ff: {  	[tilespmem:s12], [sflag:$0x1] =	stream.strided.gather [spmem:s0], $0x800, s10, s30, $0x38;
	[tilespmem:$0x4B80] =	vst v63  }
0x200: {  	_ =	swait.ge [sflag:s28], $0x800  }
0x201: {  	[sflag:s28] =	ssyncset.done $0x0  }
0x202: {  	s15 =	simm.s32 $0x0;
	[sflag:s28] =	ssyncadd.s32 $0xFFFFF800  }
0x203: {  	s16 =	simm.s32 $0x40;
	v3 =	vld [tilespmem:s15+$0x3280]  }
.LBB2_25:
0x204: {  	p1 =	sne.s32 s16, $0x1FC0;
	v4 =	vld [tilespmem:s15+$0x2A80];
	_ =	sdelay $0x1  }
.Ltmp14:
0x205: {  	(pc) =	sbr.rel @p1 .LBB2_25-.Ltmp14, $3  }
0x206: {  	_ =	sdelay $0x1  }
0x207: {  	s0 =	sshra.s32 s16, $0x2;
	v4 =	vmin.f32 v4, v3  }
0x208: {  	s16 =	sadd.s32 $0x40, s16;
	v3 =	vld [tilespmem:s0+$0x3280];
	[tilespmem:s15+$0x2A80] =	vst v4;
	s15 =	smov.u32 s0  }
0x209: {  	v4 =	vld [tilespmem:s15+$0x2A80];
	_ =	sdelay $0x4  }
0x20a: {  	v3 =	vmin.f32 v4, v3  }
0x20b: {  	s0 =	rddreg [dreg:$0x9];
	[tilespmem:s15+$0x2A80] =	vst v3  }
0x20c: {  	[tilespmem:s12], [sflag:$0x1] =	stream.strided.gather [spmem:s0], $0x800, s10, s30, $0x38;
	[tilespmem:$0x4B80] =	vst v63  }
0x20d: {  	_ =	swait.ge [sflag:s28], $0x800  }
0x20e: {  	[sflag:s28] =	ssyncset.done $0x0  }
0x20f: {  	s15 =	simm.s32 $0x0;
	[sflag:s28] =	ssyncadd.s32 $0xFFFFF800  }
0x210: {  	s16 =	simm.s32 $0x40;
	v3 =	vld [tilespmem:s15+$0x3280]  }
.LBB2_27:
0x211: {  	p1 =	sne.s32 s16, $0x1FC0;
	v4 =	vld [tilespmem:s15+$0x2A80];
	_ =	sdelay $0x1  }
.Ltmp15:
0x212: {  	(pc) =	sbr.rel @p1 .LBB2_27-.Ltmp15, $3  }
0x213: {  	_ =	sdelay $0x1  }
0x214: {  	s0 =	sshra.s32 s16, $0x2;
	v4 =	vmin.f32 v4, v3  }
0x215: {  	s16 =	sadd.s32 $0x40, s16;
	v3 =	vld [tilespmem:s0+$0x3280];
	[tilespmem:s15+$0x2A80] =	vst v4;
	s15 =	smov.u32 s0  }
0x216: {  	v4 =	vld [tilespmem:s15+$0x2A80];
	_ =	sdelay $0x4  }
0x217: {  	v3 =	vmin.f32 v4, v3  }
0x218: {  	s0 =	rddreg [dreg:$0xa];
	[tilespmem:s15+$0x2A80] =	vst v3  }
0x219: {  	[tilespmem:s12], [sflag:$0x1] =	stream.strided.gather [spmem:s0], $0x800, s10, s30, $0x38;
	[tilespmem:$0x4B80] =	vst v63  }
0x21a: {  	_ =	swait.ge [sflag:s28], $0x800  }
0x21b: {  	[sflag:s28] =	ssyncset.done $0x0  }
0x21c: {  	s15 =	simm.s32 $0x0;
	[sflag:s28] =	ssyncadd.s32 $0xFFFFF800  }
0x21d: {  	s16 =	simm.s32 $0x40;
	v3 =	vld [tilespmem:s15+$0x3280]  }
.LBB2_29:
0x21e: {  	p1 =	sne.s32 s16, $0x1FC0;
	v4 =	vld [tilespmem:s15+$0x2A80];
	_ =	sdelay $0x1  }
.Ltmp16:
0x21f: {  	(pc) =	sbr.rel @p1 .LBB2_29-.Ltmp16, $3  }
0x220: {  	_ =	sdelay $0x1  }
0x221: {  	s0 =	sshra.s32 s16, $0x2;
	v4 =	vmin.f32 v4, v3  }
0x222: {  	s16 =	sadd.s32 $0x40, s16;
	v3 =	vld [tilespmem:s0+$0x3280];
	[tilespmem:s15+$0x2A80] =	vst v4;
	s15 =	smov.u32 s0  }
0x223: {  	v4 =	vld [tilespmem:s15+$0x2A80];
	_ =	sdelay $0x4  }
0x224: {  	v3 =	vmin.f32 v4, v3  }
0x225: {  	s0 =	rddreg [dreg:$0xb];
	[tilespmem:s15+$0x2A80] =	vst v3  }
0x226: {  	[tilespmem:s12], [sflag:$0x1] =	stream.strided.gather [spmem:s0], $0x800, s10, s30, $0x38;
	[tilespmem:$0x4B80] =	vst v63  }
0x227: {  	_ =	swait.ge [sflag:s28], $0x800  }
0x228: {  	[sflag:s28] =	ssyncset.done $0x0  }
0x229: {  	s15 =	simm.s32 $0x0;
	[sflag:s28] =	ssyncadd.s32 $0xFFFFF800  }
0x22a: {  	s16 =	simm.s32 $0x40;
	v3 =	vld [tilespmem:s15+$0x3280]  }
.LBB2_31:
0x22b: {  	p1 =	sne.s32 s16, $0x1FC0;
	v4 =	vld [tilespmem:s15+$0x2A80];
	_ =	sdelay $0x1  }
.Ltmp17:
0x22c: {  	(pc) =	sbr.rel @p1 .LBB2_31-.Ltmp17, $3  }
0x22d: {  	_ =	sdelay $0x1  }
0x22e: {  	s0 =	sshra.s32 s16, $0x2;
	v4 =	vmin.f32 v4, v3  }
0x22f: {  	s16 =	sadd.s32 $0x40, s16;
	v3 =	vld [tilespmem:s0+$0x3280];
	[tilespmem:s15+$0x2A80] =	vst v4;
	s15 =	smov.u32 s0  }
0x230: {  	v4 =	vld [tilespmem:s15+$0x2A80];
	_ =	sdelay $0x4  }
0x231: {  	v3 =	vmin.f32 v4, v3  }
0x232: {  	s0 =	rddreg [dreg:$0xc];
	[tilespmem:s15+$0x2A80] =	vst v3  }
0x233: {  	[tilespmem:s12], [sflag:$0x1] =	stream.strided.gather [spmem:s0], $0x800, s10, s30, $0x38;
	[tilespmem:$0x4B80] =	vst v63  }
0x234: {  	_ =	swait.ge [sflag:s28], $0x800  }
0x235: {  	[sflag:s28] =	ssyncset.done $0x0  }
0x236: {  	s15 =	simm.s32 $0x0;
	[sflag:s28] =	ssyncadd.s32 $0xFFFFF800  }
0x237: {  	s16 =	simm.s32 $0x40;
	v3 =	vld [tilespmem:s15+$0x3280]  }
.LBB2_33:
0x238: {  	p1 =	sne.s32 s16, $0x1FC0;
	v4 =	vld [tilespmem:s15+$0x2A80];
	_ =	sdelay $0x1  }
.Ltmp18:
0x239: {  	(pc) =	sbr.rel @p1 .LBB2_33-.Ltmp18, $3  }
0x23a: {  	_ =	sdelay $0x1  }
0x23b: {  	s0 =	sshra.s32 s16, $0x2;
	v4 =	vmin.f32 v4, v3  }
0x23c: {  	s16 =	sadd.s32 $0x40, s16;
	v3 =	vld [tilespmem:s0+$0x3280];
	[tilespmem:s15+$0x2A80] =	vst v4;
	s15 =	smov.u32 s0  }
0x23d: {  	v4 =	vld [tilespmem:s15+$0x2A80];
	_ =	sdelay $0x4  }
0x23e: {  	v3 =	vmin.f32 v4, v3  }
0x23f: {  	s0 =	rddreg [dreg:$0xd];
	[tilespmem:s15+$0x2A80] =	vst v3  }
0x240: {  	[tilespmem:s12], [sflag:$0x1] =	stream.strided.gather [spmem:s0], $0x800, s10, s30, $0x38;
	[tilespmem:$0x4B80] =	vst v63  }
0x241: {  	_ =	swait.ge [sflag:s28], $0x800  }
0x242: {  	[sflag:s28] =	ssyncset.done $0x0  }
0x243: {  	s15 =	simm.s32 $0x0;
	[sflag:s28] =	ssyncadd.s32 $0xFFFFF800  }
0x244: {  	s16 =	simm.s32 $0x40;
	v3 =	vld [tilespmem:s15+$0x3280]  }
.LBB2_35:
0x245: {  	p1 =	sne.s32 s16, $0x1FC0;
	v4 =	vld [tilespmem:s15+$0x2A80];
	_ =	sdelay $0x1  }
.Ltmp19:
0x246: {  	(pc) =	sbr.rel @p1 .LBB2_35-.Ltmp19, $3  }
0x247: {  	_ =	sdelay $0x1  }
0x248: {  	s0 =	sshra.s32 s16, $0x2;
	v4 =	vmin.f32 v4, v3  }
0x249: {  	s16 =	sadd.s32 $0x40, s16;
	v3 =	vld [tilespmem:s0+$0x3280];
	[tilespmem:s15+$0x2A80] =	vst v4;
	s15 =	smov.u32 s0  }
0x24a: {  	v4 =	vld [tilespmem:s15+$0x2A80];
	_ =	sdelay $0x4  }
0x24b: {  	v3 =	vmin.f32 v4, v3  }
0x24c: {  	s0 =	rddreg [dreg:$0xe];
	[tilespmem:s15+$0x2A80] =	vst v3  }
0x24d: {  	[tilespmem:s12], [sflag:$0x1] =	stream.strided.gather [spmem:s0], $0x800, s10, s30, $0x38;
	[tilespmem:$0x4B80] =	vst v63  }
0x24e: {  	_ =	swait.ge [sflag:s28], $0x800  }
0x24f: {  	[sflag:s28] =	ssyncset.done $0x0  }
0x250: {  	s15 =	simm.s32 $0x0;
	[sflag:s28] =	ssyncadd.s32 $0xFFFFF800  }
0x251: {  	s16 =	simm.s32 $0x40;
	v3 =	vld [tilespmem:s15+$0x3280]  }
.LBB2_37:
0x252: {  	p1 =	sne.s32 s16, $0x1FC0;
	v4 =	vld [tilespmem:s15+$0x2A80];
	_ =	sdelay $0x1  }
.Ltmp20:
0x253: {  	(pc) =	sbr.rel @p1 .LBB2_37-.Ltmp20, $3  }
0x254: {  	_ =	sdelay $0x1  }
0x255: {  	s0 =	sshra.s32 s16, $0x2;
	v4 =	vmin.f32 v4, v3  }
0x256: {  	s16 =	sadd.s32 $0x40, s16;
	v3 =	vld [tilespmem:s0+$0x3280];
	[tilespmem:s15+$0x2A80] =	vst v4;
	s15 =	smov.u32 s0  }
0x257: {  	v4 =	vld [tilespmem:s15+$0x2A80];
	_ =	sdelay $0x4  }
0x258: {  	v3 =	vmin.f32 v4, v3  }
0x259: {  	s0 =	rddreg [dreg:$0xf];
	[tilespmem:s15+$0x2A80] =	vst v3  }
0x25a: {  	[tilespmem:s12], [sflag:$0x1] =	stream.strided.gather [spmem:s0], $0x800, s10, s30, $0x38;
	[tilespmem:$0x4B80] =	vst v63  }
0x25b: {  	_ =	swait.ge [sflag:s28], $0x800  }
0x25c: {  	[sflag:s28] =	ssyncset.done $0x0  }
0x25d: {  	s15 =	simm.s32 $0x0;
	[sflag:s28] =	ssyncadd.s32 $0xFFFFF800  }
0x25e: {  	s16 =	simm.s32 $0x40;
	v3 =	vld [tilespmem:s15+$0x3280]  }
.LBB2_39:
0x25f: {  	p1 =	sne.s32 s16, $0x1FC0;
	v4 =	vld [tilespmem:s15+$0x2A80];
	_ =	sdelay $0x1  }
.Ltmp21:
0x260: {  	(pc) =	sbr.rel @p1 .LBB2_39-.Ltmp21, $3  }
0x261: {  	_ =	sdelay $0x1  }
0x262: {  	s0 =	sshra.s32 s16, $0x2;
	v4 =	vmin.f32 v4, v3  }
0x263: {  	s16 =	sadd.s32 $0x40, s16;
	v3 =	vld [tilespmem:s0+$0x3280];
	[tilespmem:s15+$0x2A80] =	vst v4;
	s15 =	smov.u32 s0  }
0x264: {  	v4 =	vld [tilespmem:s15+$0x2A80];
	_ =	sdelay $0x4  }
0x265: {  	v3 =	vmin.f32 v4, v3  }
0x266: {  	s0 =	rddreg [dreg:$0x10];
	[tilespmem:s15+$0x2A80] =	vst v3  }
0x267: {  	[tilespmem:s12], [sflag:$0x1] =	stream.strided.gather [spmem:s0], $0x800, s10, s30, $0x38;
	[tilespmem:$0x4B80] =	vst v63  }
0x268: {  	_ =	swait.ge [sflag:s28], $0x800  }
0x269: {  	[sflag:s28] =	ssyncset.done $0x0  }
0x26a: {  	s15 =	simm.s32 $0x0;
	[sflag:s28] =	ssyncadd.s32 $0xFFFFF800  }
0x26b: {  	s16 =	simm.s32 $0x40;
	v3 =	vld [tilespmem:s15+$0x3280]  }
.LBB2_41:
0x26c: {  	p1 =	sne.s32 s16, $0x1FC0;
	v4 =	vld [tilespmem:s15+$0x2A80];
	_ =	sdelay $0x1  }
.Ltmp22:
0x26d: {  	(pc) =	sbr.rel @p1 .LBB2_41-.Ltmp22, $3  }
0x26e: {  	_ =	sdelay $0x1  }
0x26f: {  	s0 =	sshra.s32 s16, $0x2;
	v4 =	vmin.f32 v4, v3  }
0x270: {  	s16 =	sadd.s32 $0x40, s16;
	v3 =	vld [tilespmem:s0+$0x3280];
	[tilespmem:s15+$0x2A80] =	vst v4;
	s15 =	smov.u32 s0  }
0x271: {  	v4 =	vld [tilespmem:s15+$0x2A80];
	_ =	sdelay $0x4  }
0x272: {  	v3 =	vmin.f32 v4, v3  }
0x273: {  	s0 =	rddreg [dreg:$0x11];
	[tilespmem:s15+$0x2A80] =	vst v3  }
0x274: {  	[tilespmem:s12], [sflag:$0x1] =	stream.strided.gather [spmem:s0], $0x800, s10, s30, $0x38;
	[tilespmem:$0x4B80] =	vst v63  }
0x275: {  	_ =	swait.ge [sflag:s28], $0x800  }
0x276: {  	[sflag:s28] =	ssyncset.done $0x0  }
0x277: {  	s15 =	simm.s32 $0x0;
	[sflag:s28] =	ssyncadd.s32 $0xFFFFF800  }
0x278: {  	s17 =	simm.s32 $0x40;
	s16 =	simm.s32 $0x0;
	v3 =	vld [tilespmem:s15+$0x3280]  }
.LBB2_43:
0x279: {  	p1 =	sne.s32 s17, $0x1FC0;
	v4 =	vld [tilespmem:s16+$0x2A80];
	_ =	sdelay $0x1  }
.Ltmp23:
0x27a: {  	(pc) =	sbr.rel @p1 .LBB2_43-.Ltmp23, $3  }
0x27b: {  	_ =	sdelay $0x1  }
0x27c: {  	s0 =	sshra.s32 s17, $0x2;
	v4 =	vmin.f32 v4, v3  }
0x27d: {  	s17 =	sadd.s32 $0x40, s17;
	v3 =	vld [tilespmem:s0+$0x3280];
	[tilespmem:s16+$0x2A80] =	vst v4;
	s16 =	smov.u32 s0  }
0x27e: {  	v4 =	vld [tilespmem:s16+$0x2A80];
	_ =	sdelay $0x4  }
0x27f: {  	v3 =	vmin.f32 v4, v3  }
0x280: {  	[tilespmem:s16+$0x2A80] =	vst v3  }
0x281: {  	v4 =	vld [tilespmem:s15+$0x2A80]  }
0x282: {  	v5 =	vld [tilespmem:s15+$0x2280];
	_ =	sdelay $0x1  }
0x283: {  	v3 =	vimm.f32 $0.0e+00;
	s16 =	simm.s32 $0x40  }
.LBB2_45:
0x284: {  	p1 =	sne.s32 s16, $0x1FC0  }
.Ltmp24:
0x285: {  	s0 =	sshra.s32 s16, $0x2;
	(pc) =	sbr.rel @p1 .LBB2_45-.Ltmp24, $4  }
0x286: {  	s16 =	sadd.s32 $0x40, s16;
	v6 =	vadd.f32 v5, v4;
	v4 =	vld [tilespmem:s0+$0x2A80]  }
0x287: {  	v5 =	vld [tilespmem:s0+$0x2280]  }
0x288: {  	v6 =	vmax.f32 v6, $0.0e+00  }
0x289: {  	v3 =	vadd.f32 v6, v3  }
0x28a: {  	_ =	sdelay $0x1  }
0x28b: {  	v4 =	vadd.f32 v5, v4  }
.Ltmp25:
0x28c: {  	_ = 	snop;
	(pc) =	sbr.rel .LBB2_47-.Ltmp25, $3  }
0x28d: {  	v4 =	vmax.f32 v4, $0.0e+00  }
0x28e: {  	v3 =	vadd.f32 v4, v3;
	_ =	sdelay $0x1  }
0x28f: {  	[tilespmem:$0x4300] =	vst v3  }
.LBB2_48:
0x290: {  	_ =	sfence.sel $0x180000  }
0x291: {  	[bflag:$0x0] =	sbarrier.arrive $0xFFFF  }
0x292: {  	_ =	strace $0x90000047  }
0x293: {  	[bflag:$0x2] =	sbarrier.arrive $0xFFFF  }
0x294: {  	s0 =	rddreg [dreg:$0x2]  }
0x295: {  	s0 =	sadd.s32 @!p0 $0x100000, s0  }
0x296: {  	[sflag:s0] =	ssyncadd.tile.s32 @!p0 $0x1;
	_ =	shalt  }
.Lfunc_end2:
_tile_overlayer_lowered:
.L_overlay_start_2:
0x297: {  	(tag) =	ssettag $0x2  }
0x298: {  	s0 =	rddreg [dreg:$0x0];
	s2 =	stileid.u32  }
0x299: {  	s1 =	rddreg [dreg:$0x1];
	p0 =	sne.s32 s2, $0x0  }
0x29a: {  	s3 =	rddreg [dreg:$0x2];
	[bflag:$0x3] =	sbarrier.arrive $0xFFFF;
	s2 =	simm.s32 @!p0 $0x1C01  }
0x29b: {  	[timem:s3], [sflag:s2] =	dma.local @!p0 [hbm:s0], s1  }
0x29c: {  	s0 =	simm.s32 @!p0 $0x1  }
0x29d: {  	_ =	swait.ge @!p0 [sflag:s0], s1  }
0x29e: {  	s1 =	ssub.s32 @!p0 $0x0, s1;
	[sflag:s0] =	ssyncset.done @!p0 $0x0  }
0x29f: {  	[sflag:s0] =	ssyncadd.s32 @!p0 s1  }
0x2a0: {  	[bflag:$0x3] =	sbarrier.arrive $0xFFFF  }
0x2a1: {  	_ =	shalt  }

</sc_bundles>
